<compile_context>
chip_gen: v7x
topology: tpu7x:2x2x1
jax: 0.10.2.dev20260603
libtpu: 0.0.44.dev20260713+nightly
codegen_flags: <defaults>
</compile_context>

<pallas_src>
import functools

import jax
import jax.numpy as jnp
from jax import lax
from jax.experimental import pallas as pl
from jax.experimental.pallas import tpu as pltpu
from jax.experimental.pallas import tpu_sc as plsc

NC = 2
NS = 16
L = 16
NW = NC * NS

N = 10000
E = 320000
C = 80
NB = 5
NCK = ((E + NW * C - 1) // (NW * C) + NB - 1) // NB * NB
EP = NW * C * NCK


def _make_spmm(n_nodes, d):
  n_pad = ((n_nodes + 64 * NS - 1) // (64 * NS)) * (64 * NS)
  rows_per_tile = n_pad // NS
  zrows = 128
  assert rows_per_tile % zrows == 0 and NCK % NB == 0

  mesh = plsc.VectorSubcoreMesh(
      core_axis_name="c", subcore_axis_name="s",
      num_cores=NC, num_subcores=NS)

  @functools.partial(
      pl.kernel,
      out_type=jax.ShapeDtypeStruct((NC, n_pad, d), jnp.float32),
      mesh=mesh,
      scratch_types=[
          pltpu.VMEM((NCK, C), jnp.int32),
          pltpu.VMEM((NCK, C), jnp.int32),
          pltpu.VMEM((NCK, C), jnp.float32),
          pltpu.VMEM((NB, C, d), jnp.float32),
          pltpu.VMEM((zrows, d), jnp.float32),
          pltpu.VMEM_SHARED((n_pad, d), jnp.float32),
          pltpu.SemaphoreType.DMA((NB,)),
          pltpu.SemaphoreType.DMA((NB,)),
      ],
      compiler_params=pltpu.CompilerParams(use_tc_tiling_on_sc=False),
  )
  def spmm(h_hbm, src_hbm, dst_hbm, ew_hbm, out_hbm,
           src_v, dst_v, ew_v, rows_v, zbuf, acc_sh, sem_g, sem_s):
    cid = lax.axis_index("c")
    sid = lax.axis_index("s")
    wid = sid * NC + cid

    def _zrow(r, carry):
      for k in range(d // L):
        zbuf[r, pl.ds(k * L, L)] = jnp.zeros((L,), jnp.float32)
      return carry
    lax.fori_loop(0, zrows, _zrow, None)
    stripe = pl.multiple_of(sid * rows_per_tile, 8)
    for t in range(rows_per_tile // zrows):
      pltpu.sync_copy(zbuf, acc_sh.at[pl.ds(stripe + t * zrows, zrows)])

    pltpu.sync_copy(src_hbm.at[wid], src_v)
    pltpu.sync_copy(dst_hbm.at[wid], dst_v)
    pltpu.sync_copy(ew_hbm.at[wid], ew_v)
    plsc.subcore_barrier()

    def _scale(j, b):
      for g in range(C // L):
        ew16 = ew_v[j, pl.ds(g * L, L)]
        for l in range(L):
          e = g * L + l
          wb = lax.gather(
              ew16, jnp.full((L, 1), l, jnp.int32),
              lax.GatherDimensionNumbers(
                  offset_dims=(), collapsed_slice_dims=(0,),
                  start_index_map=(0,)),
              slice_sizes=(1,),
              mode=lax.GatherScatterMode.PROMISE_IN_BOUNDS)
          for k in range(d // L):
            rows_v[b, e, pl.ds(k * L, L)] = (
                rows_v[b, e, pl.ds(k * L, L)] * wb)

    for b in range(NB - 1):
      pltpu.async_copy(h_hbm.at[src_v.at[b]], rows_v.at[b], sem_g.at[b])

    @pl.loop(0, NCK, step=NB)
    def _outer(jj):
      for b in range(NB):
        j = jj + b
        bp = (b + NB - 1) % NB
        jn = j + NB - 1

        pltpu.make_async_copy(
            h_hbm.at[src_v.at[j]], rows_v.at[b], sem_g.at[b]).wait()
        pltpu.async_copy(
            rows_v.at[b], acc_sh.at[dst_v.at[j]], sem_s.at[b], add=True)

        @pl.when(j > 0)
        def _():
          pltpu.make_async_copy(
              rows_v.at[bp], acc_sh.at[dst_v.at[j - 1]], sem_s.at[bp]
          ).wait()

        @pl.when(jn < NCK)
        def _():
          pltpu.async_copy(
              h_hbm.at[src_v.at[jn]], rows_v.at[bp], sem_g.at[bp])

    lb = (NCK - 1) % NB
    pltpu.make_async_copy(
        rows_v.at[lb], acc_sh.at[dst_v.at[NCK - 1]], sem_s.at[lb]
    ).wait()
    plsc.subcore_barrier()

    pltpu.sync_copy(acc_sh.at[pl.ds(stripe, rows_per_tile)],
                    out_hbm.at[cid, pl.ds(stripe, rows_per_tile)])

  return spmm, n_pad


_spmm64, _NPAD = _make_spmm(N, 64)
_spmm48, _ = _make_spmm(N, 48)


def _mm1_body(x_ref, w_ref, o_ref):
  o_ref[...] = jnp.dot(x_ref[...], w_ref[...],
                       preferred_element_type=jnp.float32)


def _mm2_body(p_ref, b_ref, w_ref, o_ref):
  h = jnp.maximum(p_ref[0] + p_ref[1] + b_ref[...], 0.0)
  o_ref[...] = jnp.dot(h, w_ref[...], preferred_element_type=jnp.float32)


def _lsm_body(p_ref, b_ref, o_ref):
  x = p_ref[0] + p_ref[1] + b_ref[...]
  col = lax.broadcasted_iota(jnp.int32, x.shape, 1)
  xm = jnp.where(col < 40, x, -jnp.inf)
  m = jnp.max(xm, axis=1, keepdims=True)
  s = jnp.sum(jnp.exp(xm - m), axis=1, keepdims=True)
  o_ref[...] = (x - m - jnp.log(s))[:, :40]


def kernel(feat_data, edge_index, edge_weight, w1, b1, w2, b2):
  n, nfeat = feat_data.shape
  nhid = w1.shape[1]
  nclass = w2.shape[1]
  d2 = 48

  eshape = (NW, NCK, C)
  src = jnp.pad(edge_index[1], (0, EP - E)).reshape(eshape)
  pad_dst = jnp.arange(EP - E, dtype=jnp.int32) % jnp.int32(n)
  dst = jnp.concatenate([edge_index[0], pad_dst]).reshape(eshape)
  ew3 = jnp.pad(edge_weight, (0, EP - E)).reshape(eshape)

  w2p = jnp.pad(w2, ((0, 0), (0, d2 - nclass)))
  b1r = b1.reshape(1, nhid)
  b2r = jnp.pad(b2, (0, d2 - nclass)).reshape(1, d2)

  rb = 2000
  grid = (n // rb,)

  h1 = pl.pallas_call(
      _mm1_body,
      grid=grid,
      in_specs=[
          pl.BlockSpec((rb, nfeat), lambda i: (i, 0)),
          pl.BlockSpec((nfeat, nhid), lambda i: (0, 0)),
      ],
      out_specs=pl.BlockSpec((rb, nhid), lambda i: (i, 0)),
      out_shape=jax.ShapeDtypeStruct((n, nhid), jnp.float32),
  )(feat_data, w1)

  parts1 = _spmm64(h1, src, dst, ew3)

  h2 = pl.pallas_call(
      _mm2_body,
      grid=grid,
      in_specs=[
          pl.BlockSpec((2, rb, nhid), lambda i: (0, i, 0)),
          pl.BlockSpec((1, nhid), lambda i: (0, 0)),
          pl.BlockSpec((nhid, d2), lambda i: (0, 0)),
      ],
      out_specs=pl.BlockSpec((rb, d2), lambda i: (i, 0)),
      out_shape=jax.ShapeDtypeStruct((n, d2), jnp.float32),
  )(parts1, b1r, w2p)

  parts2 = _spmm48(h2, src, dst, ew3)

  out = pl.pallas_call(
      _lsm_body,
      grid=grid,
      in_specs=[
          pl.BlockSpec((2, rb, d2), lambda i: (0, i, 0)),
          pl.BlockSpec((1, d2), lambda i: (0, 0)),
      ],
      out_specs=pl.BlockSpec((rb, nclass), lambda i: (i, 0)),
      out_shape=jax.ShapeDtypeStruct((n, nclass), jnp.float32),
  )(parts2, b2r)

  return out

# --- scband reference (transcript-rebuilt; emitter-appended) ---
"""Pipeline reference for scband-gcn-27109833572875 (READ-ONLY COPY).

The authoritative reference and input builder live on the scoring server;
editing this copy changes nothing except your own understanding.
"""

import jax, jax.numpy as jnp
import numpy as np

N = 10000
E = 320000
NFEAT = 128
NHID = 64
NCLASS = 40


def setup_inputs(seed: int = 0) -> dict:
    key = jax.random.key(seed)
    ks = jax.random.split(key, 8)
    feat_data = jax.random.normal(ks[0], (N, NFEAT), dtype=jnp.float32)
    edge_index = jax.random.randint(ks[1], (2, E), 0, N, dtype=jnp.int32)
    edge_weight = jax.random.uniform(ks[2], (E,), dtype=jnp.float32)
    w1 = jax.random.normal(ks[3], (NFEAT, NHID), dtype=jnp.float32) * (1.0 / np.sqrt(NFEAT))
    b1 = jax.random.normal(ks[4], (NHID,), dtype=jnp.float32) * 0.01
    w2 = jax.random.normal(ks[5], (NHID, NCLASS), dtype=jnp.float32) * (1.0 / np.sqrt(NHID))
    b2 = jax.random.normal(ks[6], (NCLASS,), dtype=jnp.float32) * 0.01
    return {"feat_data": feat_data, "edge_index": edge_index, "edge_weight": edge_weight,
            "w1": w1, "b1": b1, "w2": w2, "b2": b2}


def reference(feat_data, edge_index, edge_weight, w1, b1, w2, b2):
    # GraphConvolution layer i: support = x @ W_i ; out = spmm(adj, support) + b_i
    # adj is the (normalized) sparse adjacency in COO form: row=dst, col=src, val=edge_weight
    dst = edge_index[0]
    src = edge_index[1]

    def spmm(h):
        msg = edge_weight[:, None] * jnp.take(h, src, axis=0)
        return jax.ops.segment_sum(msg, dst, num_segments=N)

    # layer 1
    h = feat_data @ w1
    h = spmm(h) + b1
    h = jax.nn.relu(h)
    # layer 2 (output layer, no relu)
    h = h @ w2
    h = spmm(h) + b2
    return jax.nn.log_softmax(h, axis=1)

if __name__ == "__main__":
    import jax
    _d = setup_inputs()
    print(jax.jit(kernel)(*tuple(_d.values())))

</pallas_src>

<mosaic_0001>
#map = affine_map<(d0, d1) -> (0, 0)>
#map1 = affine_map<(d0, d1) -> (0, 0, 0)>
module attributes {stable_mosaic.version = 14 : i64} {
  func.func @spmm(%arg0: i32, %arg1: i32, %arg2: memref<10000x64xf32, #tpu.memory_space<hbm>>, %arg3: memref<32x125x80xi32, #tpu.memory_space<hbm>>, %arg4: memref<32x125x80xi32, #tpu.memory_space<hbm>>, %arg5: memref<32x125x80xf32, #tpu.memory_space<hbm>>, %arg6: memref<2x10240x64xf32, #tpu.memory_space<hbm>>, %arg7: memref<125x80xi32, #tpu.memory_space<vmem>>, %arg8: memref<125x80xi32, #tpu.memory_space<vmem>>, %arg9: memref<125x80xf32, #tpu.memory_space<vmem>>, %arg10: memref<5x80x64xf32, #tpu.memory_space<vmem>>, %arg11: memref<128x64xf32, #tpu.memory_space<vmem>>, %arg12: memref<10240x64xf32, #tpu.memory_space<vmem_shared>>, %arg13: memref<5x!tpu.dma_semaphore, #tpu.memory_space<semaphore_mem>>, %arg14: memref<5x!tpu.dma_semaphore, #tpu.memory_space<semaphore_mem>>) attributes {dimension_semantics = [#tpu.dimension_semantics<core_parallel>, #tpu.dimension_semantics<subcore_parallel>], iteration_bounds = array<i64: 2, 16>, scalar_prefetch = 0 : i64, scratch_operands = 8 : i64, tpu.core_type = #tpu.core_type<sc_vector_subcore>, window_params = [{transform_indices = #map}, {transform_indices = #map1}, {transform_indices = #map1}, {transform_indices = #map1}, {transform_indices = #map1}]} {
    %mul3A = arith.constant 2 : i32
    %mul3A_0 = arith.muli %arg1, %mul3A : i32
    %add3A = arith.addi %mul3A_0, %arg0 : i32
    %scan3A = arith.constant 0 : i32
    %scan3A_1 = arith.constant 128 : i32
    %scan3A_2 = arith.addi %scan3A, %scan3A_1 : i32
    %scan3A_3 = arith.constant 1 : i32
    scf.for %scan3A_96 = %scan3A to %scan3A_2 step %scan3A_3  : i32 {
      %broadcast_in_dim3A = arith.constant 0.000000e+00 : f32
      %broadcast_in_dim3A_97 = vector.broadcast %broadcast_in_dim3A : f32 to vector<16xf32>
      %swap3A = arith.index_cast %scan3A_96 : i32 to index
      %swap3A_98 = arith.constant 0 : index
      %swap3A_99 = tpu.vector_load %arg11[%swap3A, %swap3A_98] {strides = array<i32>} : memref<128x64xf32, #tpu.memory_space<vmem>>, vector<1x16xf32>,
      %swap3A_100 = vector.shape_cast %swap3A_99 : vector<1x16xf32> to vector<16xf32>
      %swap3A_101 = vector.shape_cast %broadcast_in_dim3A_97 : vector<16xf32> to vector<1x16xf32>
      tpu.vector_store %arg11[%swap3A, %swap3A_98], %swap3A_101 {strides = array<i32>} : memref<128x64xf32, #tpu.memory_space<vmem>>, vector<1x16xf32>,
      %broadcast_in_dim3A_102 = arith.constant 0.000000e+00 : f32
      %broadcast_in_dim3A_103 = vector.broadcast %broadcast_in_dim3A_102 : f32 to vector<16xf32>
      %swap3A_104 = arith.index_cast %scan3A_96 : i32 to index
      %swap3A_105 = arith.constant 16 : index
      %swap3A_106 = tpu.vector_load %arg11[%swap3A_104, %swap3A_105] {strides = array<i32>} : memref<128x64xf32, #tpu.memory_space<vmem>>, vector<1x16xf32>,
      %swap3A_107 = vector.shape_cast %swap3A_106 : vector<1x16xf32> to vector<16xf32>
      %swap3A_108 = vector.shape_cast %broadcast_in_dim3A_103 : vector<16xf32> to vector<1x16xf32>
      tpu.vector_store %arg11[%swap3A_104, %swap3A_105], %swap3A_108 {strides = array<i32>} : memref<128x64xf32, #tpu.memory_space<vmem>>, vector<1x16xf32>,
      %broadcast_in_dim3A_109 = arith.constant 0.000000e+00 : f32
      %broadcast_in_dim3A_110 = vector.broadcast %broadcast_in_dim3A_109 : f32 to vector<16xf32>
      %swap3A_111 = arith.index_cast %scan3A_96 : i32 to index
      %swap3A_112 = arith.constant 32 : index
      %swap3A_113 = tpu.vector_load %arg11[%swap3A_111, %swap3A_112] {strides = array<i32>} : memref<128x64xf32, #tpu.memory_space<vmem>>, vector<1x16xf32>,
      %swap3A_114 = vector.shape_cast %swap3A_113 : vector<1x16xf32> to vector<16xf32>
      %swap3A_115 = vector.shape_cast %broadcast_in_dim3A_110 : vector<16xf32> to vector<1x16xf32>
      tpu.vector_store %arg11[%swap3A_111, %swap3A_112], %swap3A_115 {strides = array<i32>} : memref<128x64xf32, #tpu.memory_space<vmem>>, vector<1x16xf32>,
      %broadcast_in_dim3A_116 = arith.constant 0.000000e+00 : f32
      %broadcast_in_dim3A_117 = vector.broadcast %broadcast_in_dim3A_116 : f32 to vector<16xf32>
      %swap3A_118 = arith.index_cast %scan3A_96 : i32 to index
      %swap3A_119 = arith.constant 48 : index
      %swap3A_120 = tpu.vector_load %arg11[%swap3A_118, %swap3A_119] {strides = array<i32>} : memref<128x64xf32, #tpu.memory_space<vmem>>, vector<1x16xf32>,
      %swap3A_121 = vector.shape_cast %swap3A_120 : vector<1x16xf32> to vector<16xf32>
      %swap3A_122 = vector.shape_cast %broadcast_in_dim3A_117 : vector<16xf32> to vector<1x16xf32>
      tpu.vector_store %arg11[%swap3A_118, %swap3A_119], %swap3A_122 {strides = array<i32>} : memref<128x64xf32, #tpu.memory_space<vmem>>, vector<1x16xf32>,
    }
    %scan3A_4 = arith.constant 128 : i32
    %mul3A_5 = arith.constant 640 : i32
    %mul3A_6 = arith.muli %arg1, %mul3A_5 : i32
    %multiple_of3A = tpu.assume_multiple %mul3A_6, 8 : i32
    %add3A_7 = arith.constant 0 : i32
    %add3A_8 = arith.addi %multiple_of3A, %add3A_7 : i32
    "tpu.region"() ({
      %run_scoped3A = tpu.sem_alloc : memref<!tpu.dma_semaphore, #tpu.memory_space<semaphore_mem>>
      %dma_start3A_96 = arith.constant 0 : i32
      %dma_start3A_97 = tpu.memref_slice %arg12[%add3A_8, %dma_start3A_96] : memref<10240x64xf32, #tpu.memory_space<vmem_shared>> -> memref<128x64xf32, #tpu.memory_space<vmem_shared>>
      %dma_start3A_98 = arith.constant 0 : i32
      %dma_start3A_99 = tpu.memref_slice %arg12[%add3A_8, %dma_start3A_98] : memref<10240x64xf32, #tpu.memory_space<vmem_shared>> -> memref<128x64xf32, #tpu.memory_space<vmem_shared>>
      tpu.enqueue_dma source(%arg11 : memref<128x64xf32, #tpu.memory_space<vmem>>) target(%dma_start3A_99 : memref<128x64xf32, #tpu.memory_space<vmem_shared>>) target_semaphore(%run_scoped3A : memref<!tpu.dma_semaphore, #tpu.memory_space<semaphore_mem>>)
      %dma_wait3A_100 = arith.constant 0 : i32
      %dma_wait3A_101 = tpu.memref_slice %arg12[%add3A_8, %dma_wait3A_100] : memref<10240x64xf32, #tpu.memory_space<vmem_shared>> -> memref<128x64xf32, #tpu.memory_space<vmem_shared>>
      %dma_wait3A_102 = arith.constant 0 : i32
      %dma_wait3A_103 = tpu.memref_slice %arg12[%add3A_8, %dma_wait3A_102] : memref<10240x64xf32, #tpu.memory_space<vmem_shared>> -> memref<128x64xf32, #tpu.memory_space<vmem_shared>>
      tpu.wait_dma2 semaphore(%run_scoped3A : memref<!tpu.dma_semaphore, #tpu.memory_space<semaphore_mem>>) src(%arg11 : memref<128x64xf32, #tpu.memory_space<vmem>>) dst(%dma_wait3A_103 : memref<128x64xf32, #tpu.memory_space<vmem_shared>>)
      tpu.yield
    }) : () -> ()
    %add3A_9 = arith.constant 128 : i32
    %add3A_10 = arith.addi %multiple_of3A, %add3A_9 : i32
    "tpu.region"() ({
      %run_scoped3A = tpu.sem_alloc : memref<!tpu.dma_semaphore, #tpu.memory_space<semaphore_mem>>
      %dma_start3A_96 = arith.constant 0 : i32
      %dma_start3A_97 = tpu.memref_slice %arg12[%add3A_10, %dma_start3A_96] : memref<10240x64xf32, #tpu.memory_space<vmem_shared>> -> memref<128x64xf32, #tpu.memory_space<vmem_shared>>
      %dma_start3A_98 = arith.constant 0 : i32
      %dma_start3A_99 = tpu.memref_slice %arg12[%add3A_10, %dma_start3A_98] : memref<10240x64xf32, #tpu.memory_space<vmem_shared>> -> memref<128x64xf32, #tpu.memory_space<vmem_shared>>
      tpu.enqueue_dma source(%arg11 : memref<128x64xf32, #tpu.memory_space<vmem>>) target(%dma_start3A_99 : memref<128x64xf32, #tpu.memory_space<vmem_shared>>) target_semaphore(%run_scoped3A : memref<!tpu.dma_semaphore, #tpu.memory_space<semaphore_mem>>)
      %dma_wait3A_100 = arith.constant 0 : i32
      %dma_wait3A_101 = tpu.memref_slice %arg12[%add3A_10, %dma_wait3A_100] : memref<10240x64xf32, #tpu.memory_space<vmem_shared>> -> memref<128x64xf32, #tpu.memory_space<vmem_shared>>
      %dma_wait3A_102 = arith.constant 0 : i32
      %dma_wait3A_103 = tpu.memref_slice %arg12[%add3A_10, %dma_wait3A_102] : memref<10240x64xf32, #tpu.memory_space<vmem_shared>> -> memref<128x64xf32, #tpu.memory_space<vmem_shared>>
      tpu.wait_dma2 semaphore(%run_scoped3A : memref<!tpu.dma_semaphore, #tpu.memory_space<semaphore_mem>>) src(%arg11 : memref<128x64xf32, #tpu.memory_space<vmem>>) dst(%dma_wait3A_103 : memref<128x64xf32, #tpu.memory_space<vmem_shared>>)
      tpu.yield
    }) : () -> ()
    %add3A_11 = arith.constant 256 : i32
    %add3A_12 = arith.addi %multiple_of3A, %add3A_11 : i32
    "tpu.region"() ({
      %run_scoped3A = tpu.sem_alloc : memref<!tpu.dma_semaphore, #tpu.memory_space<semaphore_mem>>
      %dma_start3A_96 = arith.constant 0 : i32
      %dma_start3A_97 = tpu.memref_slice %arg12[%add3A_12, %dma_start3A_96] : memref<10240x64xf32, #tpu.memory_space<vmem_shared>> -> memref<128x64xf32, #tpu.memory_space<vmem_shared>>
      %dma_start3A_98 = arith.constant 0 : i32
      %dma_start3A_99 = tpu.memref_slice %arg12[%add3A_12, %dma_start3A_98] : memref<10240x64xf32, #tpu.memory_space<vmem_shared>> -> memref<128x64xf32, #tpu.memory_space<vmem_shared>>
      tpu.enqueue_dma source(%arg11 : memref<128x64xf32, #tpu.memory_space<vmem>>) target(%dma_start3A_99 : memref<128x64xf32, #tpu.memory_space<vmem_shared>>) target_semaphore(%run_scoped3A : memref<!tpu.dma_semaphore, #tpu.memory_space<semaphore_mem>>)
      %dma_wait3A_100 = arith.constant 0 : i32
      %dma_wait3A_101 = tpu.memref_slice %arg12[%add3A_12, %dma_wait3A_100] : memref<10240x64xf32, #tpu.memory_space<vmem_shared>> -> memref<128x64xf32, #tpu.memory_space<vmem_shared>>
      %dma_wait3A_102 = arith.constant 0 : i32
      %dma_wait3A_103 = tpu.memref_slice %arg12[%add3A_12, %dma_wait3A_102] : memref<10240x64xf32, #tpu.memory_space<vmem_shared>> -> memref<128x64xf32, #tpu.memory_space<vmem_shared>>
      tpu.wait_dma2 semaphore(%run_scoped3A : memref<!tpu.dma_semaphore, #tpu.memory_space<semaphore_mem>>) src(%arg11 : memref<128x64xf32, #tpu.memory_space<vmem>>) dst(%dma_wait3A_103 : memref<128x64xf32, #tpu.memory_space<vmem_shared>>)
      tpu.yield
    }) : () -> ()
    %add3A_13 = arith.constant 384 : i32
    %add3A_14 = arith.addi %multiple_of3A, %add3A_13 : i32
    "tpu.region"() ({
      %run_scoped3A = tpu.sem_alloc : memref<!tpu.dma_semaphore, #tpu.memory_space<semaphore_mem>>
      %dma_start3A_96 = arith.constant 0 : i32
      %dma_start3A_97 = tpu.memref_slice %arg12[%add3A_14, %dma_start3A_96] : memref<10240x64xf32, #tpu.memory_space<vmem_shared>> -> memref<128x64xf32, #tpu.memory_space<vmem_shared>>
      %dma_start3A_98 = arith.constant 0 : i32
      %dma_start3A_99 = tpu.memref_slice %arg12[%add3A_14, %dma_start3A_98] : memref<10240x64xf32, #tpu.memory_space<vmem_shared>> -> memref<128x64xf32, #tpu.memory_space<vmem_shared>>
      tpu.enqueue_dma source(%arg11 : memref<128x64xf32, #tpu.memory_space<vmem>>) target(%dma_start3A_99 : memref<128x64xf32, #tpu.memory_space<vmem_shared>>) target_semaphore(%run_scoped3A : memref<!tpu.dma_semaphore, #tpu.memory_space<semaphore_mem>>)
      %dma_wait3A_100 = arith.constant 0 : i32
      %dma_wait3A_101 = tpu.memref_slice %arg12[%add3A_14, %dma_wait3A_100] : memref<10240x64xf32, #tpu.memory_space<vmem_shared>> -> memref<128x64xf32, #tpu.memory_space<vmem_shared>>
      %dma_wait3A_102 = arith.constant 0 : i32
      %dma_wait3A_103 = tpu.memref_slice %arg12[%add3A_14, %dma_wait3A_102] : memref<10240x64xf32, #tpu.memory_space<vmem_shared>> -> memref<128x64xf32, #tpu.memory_space<vmem_shared>>
      tpu.wait_dma2 semaphore(%run_scoped3A : memref<!tpu.dma_semaphore, #tpu.memory_space<semaphore_mem>>) src(%arg11 : memref<128x64xf32, #tpu.memory_space<vmem>>) dst(%dma_wait3A_103 : memref<128x64xf32, #tpu.memory_space<vmem_shared>>)
      tpu.yield
    }) : () -> ()
    %add3A_15 = arith.constant 512 : i32
    %add3A_16 = arith.addi %multiple_of3A, %add3A_15 : i32
    "tpu.region"() ({
      %run_scoped3A = tpu.sem_alloc : memref<!tpu.dma_semaphore, #tpu.memory_space<semaphore_mem>>
      %dma_start3A_96 = arith.constant 0 : i32
      %dma_start3A_97 = tpu.memref_slice %arg12[%add3A_16, %dma_start3A_96] : memref<10240x64xf32, #tpu.memory_space<vmem_shared>> -> memref<128x64xf32, #tpu.memory_space<vmem_shared>>
      %dma_start3A_98 = arith.constant 0 : i32
      %dma_start3A_99 = tpu.memref_slice %arg12[%add3A_16, %dma_start3A_98] : memref<10240x64xf32, #tpu.memory_space<vmem_shared>> -> memref<128x64xf32, #tpu.memory_space<vmem_shared>>
      tpu.enqueue_dma source(%arg11 : memref<128x64xf32, #tpu.memory_space<vmem>>) target(%dma_start3A_99 : memref<128x64xf32, #tpu.memory_space<vmem_shared>>) target_semaphore(%run_scoped3A : memref<!tpu.dma_semaphore, #tpu.memory_space<semaphore_mem>>)
      %dma_wait3A_100 = arith.constant 0 : i32
      %dma_wait3A_101 = tpu.memref_slice %arg12[%add3A_16, %dma_wait3A_100] : memref<10240x64xf32, #tpu.memory_space<vmem_shared>> -> memref<128x64xf32, #tpu.memory_space<vmem_shared>>
      %dma_wait3A_102 = arith.constant 0 : i32
      %dma_wait3A_103 = tpu.memref_slice %arg12[%add3A_16, %dma_wait3A_102] : memref<10240x64xf32, #tpu.memory_space<vmem_shared>> -> memref<128x64xf32, #tpu.memory_space<vmem_shared>>
      tpu.wait_dma2 semaphore(%run_scoped3A : memref<!tpu.dma_semaphore, #tpu.memory_space<semaphore_mem>>) src(%arg11 : memref<128x64xf32, #tpu.memory_space<vmem>>) dst(%dma_wait3A_103 : memref<128x64xf32, #tpu.memory_space<vmem_shared>>)
      tpu.yield
    }) : () -> ()
    "tpu.region"() ({
      %run_scoped3A = tpu.sem_alloc : memref<!tpu.dma_semaphore, #tpu.memory_space<semaphore_mem>>
      %dma_start3A_96 = arith.constant 0 : i32
      %dma_start3A_97 = arith.constant 0 : i32
      %dma_start3A_98 = tpu.memref_slice %arg3[%add3A, %dma_start3A_96, %dma_start3A_97] : memref<32x125x80xi32, #tpu.memory_space<hbm>> -> memref<1x125x80xi32, #tpu.memory_space<hbm>>
      %dma_start3A_99 = tpu.memref_squeeze %dma_start3A_98 : memref<1x125x80xi32, #tpu.memory_space<hbm>> -> memref<125x80xi32, #tpu.memory_space<hbm>>
      %dma_start3A_100 = arith.constant 0 : i32
      %dma_start3A_101 = arith.constant 0 : i32
      %dma_start3A_102 = tpu.memref_slice %arg3[%add3A, %dma_start3A_100, %dma_start3A_101] : memref<32x125x80xi32, #tpu.memory_space<hbm>> -> memref<1x125x80xi32, #tpu.memory_space<hbm>>
      %dma_start3A_103 = tpu.memref_squeeze %dma_start3A_102 : memref<1x125x80xi32, #tpu.memory_space<hbm>> -> memref<125x80xi32, #tpu.memory_space<hbm>>
      tpu.enqueue_dma source(%dma_start3A_103 : memref<125x80xi32, #tpu.memory_space<hbm>>) target(%arg7 : memref<125x80xi32, #tpu.memory_space<vmem>>) target_semaphore(%run_scoped3A : memref<!tpu.dma_semaphore, #tpu.memory_space<semaphore_mem>>)
      %dma_wait3A_104 = arith.constant 0 : i32
      %dma_wait3A_105 = arith.constant 0 : i32
      %dma_wait3A_106 = tpu.memref_slice %arg3[%add3A, %dma_wait3A_104, %dma_wait3A_105] : memref<32x125x80xi32, #tpu.memory_space<hbm>> -> memref<1x125x80xi32, #tpu.memory_space<hbm>>
      %dma_wait3A_107 = tpu.memref_squeeze %dma_wait3A_106 : memref<1x125x80xi32, #tpu.memory_space<hbm>> -> memref<125x80xi32, #tpu.memory_space<hbm>>
      %dma_wait3A_108 = arith.constant 0 : i32
      %dma_wait3A_109 = arith.constant 0 : i32
      %dma_wait3A_110 = tpu.memref_slice %arg3[%add3A, %dma_wait3A_108, %dma_wait3A_109] : memref<32x125x80xi32, #tpu.memory_space<hbm>> -> memref<1x125x80xi32, #tpu.memory_space<hbm>>
      %dma_wait3A_111 = tpu.memref_squeeze %dma_wait3A_110 : memref<1x125x80xi32, #tpu.memory_space<hbm>> -> memref<125x80xi32, #tpu.memory_space<hbm>>
      tpu.wait_dma2 semaphore(%run_scoped3A : memref<!tpu.dma_semaphore, #tpu.memory_space<semaphore_mem>>) src(%dma_wait3A_111 : memref<125x80xi32, #tpu.memory_space<hbm>>) dst(%arg7 : memref<125x80xi32, #tpu.memory_space<vmem>>)
      tpu.yield
    }) : () -> ()
    "tpu.region"() ({
      %run_scoped3A = tpu.sem_alloc : memref<!tpu.dma_semaphore, #tpu.memory_space<semaphore_mem>>
      %dma_start3A_96 = arith.constant 0 : i32
      %dma_start3A_97 = arith.constant 0 : i32
      %dma_start3A_98 = tpu.memref_slice %arg4[%add3A, %dma_start3A_96, %dma_start3A_97] : memref<32x125x80xi32, #tpu.memory_space<hbm>> -> memref<1x125x80xi32, #tpu.memory_space<hbm>>
      %dma_start3A_99 = tpu.memref_squeeze %dma_start3A_98 : memref<1x125x80xi32, #tpu.memory_space<hbm>> -> memref<125x80xi32, #tpu.memory_space<hbm>>
      %dma_start3A_100 = arith.constant 0 : i32
      %dma_start3A_101 = arith.constant 0 : i32
      %dma_start3A_102 = tpu.memref_slice %arg4[%add3A, %dma_start3A_100, %dma_start3A_101] : memref<32x125x80xi32, #tpu.memory_space<hbm>> -> memref<1x125x80xi32, #tpu.memory_space<hbm>>
      %dma_start3A_103 = tpu.memref_squeeze %dma_start3A_102 : memref<1x125x80xi32, #tpu.memory_space<hbm>> -> memref<125x80xi32, #tpu.memory_space<hbm>>
      tpu.enqueue_dma source(%dma_start3A_103 : memref<125x80xi32, #tpu.memory_space<hbm>>) target(%arg8 : memref<125x80xi32, #tpu.memory_space<vmem>>) target_semaphore(%run_scoped3A : memref<!tpu.dma_semaphore, #tpu.memory_space<semaphore_mem>>)
      %dma_wait3A_104 = arith.constant 0 : i32
      %dma_wait3A_105 = arith.constant 0 : i32
      %dma_wait3A_106 = tpu.memref_slice %arg4[%add3A, %dma_wait3A_104, %dma_wait3A_105] : memref<32x125x80xi32, #tpu.memory_space<hbm>> -> memref<1x125x80xi32, #tpu.memory_space<hbm>>
      %dma_wait3A_107 = tpu.memref_squeeze %dma_wait3A_106 : memref<1x125x80xi32, #tpu.memory_space<hbm>> -> memref<125x80xi32, #tpu.memory_space<hbm>>
      %dma_wait3A_108 = arith.constant 0 : i32
      %dma_wait3A_109 = arith.constant 0 : i32
      %dma_wait3A_110 = tpu.memref_slice %arg4[%add3A, %dma_wait3A_108, %dma_wait3A_109] : memref<32x125x80xi32, #tpu.memory_space<hbm>> -> memref<1x125x80xi32, #tpu.memory_space<hbm>>
      %dma_wait3A_111 = tpu.memref_squeeze %dma_wait3A_110 : memref<1x125x80xi32, #tpu.memory_space<hbm>> -> memref<125x80xi32, #tpu.memory_space<hbm>>
      tpu.wait_dma2 semaphore(%run_scoped3A : memref<!tpu.dma_semaphore, #tpu.memory_space<semaphore_mem>>) src(%dma_wait3A_111 : memref<125x80xi32, #tpu.memory_space<hbm>>) dst(%arg8 : memref<125x80xi32, #tpu.memory_space<vmem>>)
      tpu.yield
    }) : () -> ()
    "tpu.region"() ({
      %run_scoped3A = tpu.sem_alloc : memref<!tpu.dma_semaphore, #tpu.memory_space<semaphore_mem>>
      %dma_start3A_96 = arith.constant 0 : i32
      %dma_start3A_97 = arith.constant 0 : i32
      %dma_start3A_98 = tpu.memref_slice %arg5[%add3A, %dma_start3A_96, %dma_start3A_97] : memref<32x125x80xf32, #tpu.memory_space<hbm>> -> memref<1x125x80xf32, #tpu.memory_space<hbm>>
      %dma_start3A_99 = tpu.memref_squeeze %dma_start3A_98 : memref<1x125x80xf32, #tpu.memory_space<hbm>> -> memref<125x80xf32, #tpu.memory_space<hbm>>
      %dma_start3A_100 = arith.constant 0 : i32
      %dma_start3A_101 = arith.constant 0 : i32
      %dma_start3A_102 = tpu.memref_slice %arg5[%add3A, %dma_start3A_100, %dma_start3A_101] : memref<32x125x80xf32, #tpu.memory_space<hbm>> -> memref<1x125x80xf32, #tpu.memory_space<hbm>>
      %dma_start3A_103 = tpu.memref_squeeze %dma_start3A_102 : memref<1x125x80xf32, #tpu.memory_space<hbm>> -> memref<125x80xf32, #tpu.memory_space<hbm>>
      tpu.enqueue_dma source(%dma_start3A_103 : memref<125x80xf32, #tpu.memory_space<hbm>>) target(%arg9 : memref<125x80xf32, #tpu.memory_space<vmem>>) target_semaphore(%run_scoped3A : memref<!tpu.dma_semaphore, #tpu.memory_space<semaphore_mem>>)
      %dma_wait3A_104 = arith.constant 0 : i32
      %dma_wait3A_105 = arith.constant 0 : i32
      %dma_wait3A_106 = tpu.memref_slice %arg5[%add3A, %dma_wait3A_104, %dma_wait3A_105] : memref<32x125x80xf32, #tpu.memory_space<hbm>> -> memref<1x125x80xf32, #tpu.memory_space<hbm>>
      %dma_wait3A_107 = tpu.memref_squeeze %dma_wait3A_106 : memref<1x125x80xf32, #tpu.memory_space<hbm>> -> memref<125x80xf32, #tpu.memory_space<hbm>>
      %dma_wait3A_108 = arith.constant 0 : i32
      %dma_wait3A_109 = arith.constant 0 : i32
      %dma_wait3A_110 = tpu.memref_slice %arg5[%add3A, %dma_wait3A_108, %dma_wait3A_109] : memref<32x125x80xf32, #tpu.memory_space<hbm>> -> memref<1x125x80xf32, #tpu.memory_space<hbm>>
      %dma_wait3A_111 = tpu.memref_squeeze %dma_wait3A_110 : memref<1x125x80xf32, #tpu.memory_space<hbm>> -> memref<125x80xf32, #tpu.memory_space<hbm>>
      tpu.wait_dma2 semaphore(%run_scoped3A : memref<!tpu.dma_semaphore, #tpu.memory_space<semaphore_mem>>) src(%dma_wait3A_111 : memref<125x80xf32, #tpu.memory_space<hbm>>) dst(%arg9 : memref<125x80xf32, #tpu.memory_space<vmem>>)
      tpu.yield
    }) : () -> ()
    %barrier3A = arith.constant 0 : index
    tpu.barrier barrier_id(%barrier3A)
    %dma_start3A = arith.constant 0 : i32
    %dma_start3A_17 = arith.constant 0 : i32
    %dma_start3A_18 = arith.constant 0 : i32
    %dma_start3A_19 = arith.constant 0 : i32
    %dma_start3A_20 = arith.constant 0 : i32
    %dma_start3A_21 = tpu.memref_slice %arg10[%dma_start3A_17, %dma_start3A_19, %dma_start3A_20] : memref<5x80x64xf32, #tpu.memory_space<vmem>> -> memref<1x80x64xf32, #tpu.memory_space<vmem>>
    %dma_start3A_22 = tpu.memref_squeeze %dma_start3A_21 : memref<1x80x64xf32, #tpu.memory_space<vmem>> -> memref<80x64xf32, #tpu.memory_space<vmem>>
    %dma_start3A_23 = arith.constant 0 : i32
    %dma_start3A_24 = tpu.memref_slice %arg7[%dma_start3A, %dma_start3A_23] : memref<125x80xi32, #tpu.memory_space<vmem>> -> memref<1x80xi32, #tpu.memory_space<vmem>>
    %dma_start3A_25 = tpu.memref_squeeze %dma_start3A_24 : memref<1x80xi32, #tpu.memory_space<vmem>> -> memref<80xi32, #tpu.memory_space<vmem>>
    %dma_start3A_26 = arith.constant 0 : i32
    %dma_start3A_27 = arith.constant 0 : i32
    %dma_start3A_28 = tpu.memref_slice %arg2[%dma_start3A_26, %dma_start3A_27] : memref<10000x64xf32, #tpu.memory_space<hbm>> -> memref<10000x64xf32, #tpu.memory_space<hbm>>
    %dma_start3A_29 = tpu.memref_slice %arg13[%dma_start3A_18] : memref<5x!tpu.dma_semaphore, #tpu.memory_space<semaphore_mem>> -> memref<1x!tpu.dma_semaphore, #tpu.memory_space<semaphore_mem>>
    %dma_start3A_30 = tpu.memref_squeeze %dma_start3A_29 : memref<1x!tpu.dma_semaphore, #tpu.memory_space<semaphore_mem>> -> memref<!tpu.dma_semaphore, #tpu.memory_space<semaphore_mem>>
    tpu.enqueue_indirect_dma source(%dma_start3A_28 : memref<10000x64xf32, #tpu.memory_space<hbm>>) target(%dma_start3A_22 : memref<80x64xf32, #tpu.memory_space<vmem>>) offsets(%dma_start3A_25 : memref<80xi32, #tpu.memory_space<vmem>>) semaphore(%dma_start3A_30 : memref<!tpu.dma_semaphore, #tpu.memory_space<semaphore_mem>>)
    %dma_start3A_31 = arith.constant 1 : i32
    %dma_start3A_32 = arith.constant 1 : i32
    %dma_start3A_33 = arith.constant 1 : i32
    %dma_start3A_34 = arith.constant 0 : i32
    %dma_start3A_35 = arith.constant 0 : i32
    %dma_start3A_36 = tpu.memref_slice %arg10[%dma_start3A_32, %dma_start3A_34, %dma_start3A_35] : memref<5x80x64xf32, #tpu.memory_space<vmem>> -> memref<1x80x64xf32, #tpu.memory_space<vmem>>
    %dma_start3A_37 = tpu.memref_squeeze %dma_start3A_36 : memref<1x80x64xf32, #tpu.memory_space<vmem>> -> memref<80x64xf32, #tpu.memory_space<vmem>>
    %dma_start3A_38 = arith.constant 0 : i32
    %dma_start3A_39 = tpu.memref_slice %arg7[%dma_start3A_31, %dma_start3A_38] : memref<125x80xi32, #tpu.memory_space<vmem>> -> memref<1x80xi32, #tpu.memory_space<vmem>>
    %dma_start3A_40 = tpu.memref_squeeze %dma_start3A_39 : memref<1x80xi32, #tpu.memory_space<vmem>> -> memref<80xi32, #tpu.memory_space<vmem>>
    %dma_start3A_41 = arith.constant 0 : i32
    %dma_start3A_42 = arith.constant 0 : i32
    %dma_start3A_43 = tpu.memref_slice %arg2[%dma_start3A_41, %dma_start3A_42] : memref<10000x64xf32, #tpu.memory_space<hbm>> -> memref<10000x64xf32, #tpu.memory_space<hbm>>
    %dma_start3A_44 = tpu.memref_slice %arg13[%dma_start3A_33] : memref<5x!tpu.dma_semaphore, #tpu.memory_space<semaphore_mem>> -> memref<1x!tpu.dma_semaphore, #tpu.memory_space<semaphore_mem>>
    %dma_start3A_45 = tpu.memref_squeeze %dma_start3A_44 : memref<1x!tpu.dma_semaphore, #tpu.memory_space<semaphore_mem>> -> memref<!tpu.dma_semaphore, #tpu.memory_space<semaphore_mem>>
    tpu.enqueue_indirect_dma source(%dma_start3A_43 : memref<10000x64xf32, #tpu.memory_space<hbm>>) target(%dma_start3A_37 : memref<80x64xf32, #tpu.memory_space<vmem>>) offsets(%dma_start3A_40 : memref<80xi32, #tpu.memory_space<vmem>>) semaphore(%dma_start3A_45 : memref<!tpu.dma_semaphore, #tpu.memory_space<semaphore_mem>>)
    %dma_start3A_46 = arith.constant 2 : i32
    %dma_start3A_47 = arith.constant 2 : i32
    %dma_start3A_48 = arith.constant 2 : i32
    %dma_start3A_49 = arith.constant 0 : i32
    %dma_start3A_50 = arith.constant 0 : i32
    %dma_start3A_51 = tpu.memref_slice %arg10[%dma_start3A_47, %dma_start3A_49, %dma_start3A_50] : memref<5x80x64xf32, #tpu.memory_space<vmem>> -> memref<1x80x64xf32, #tpu.memory_space<vmem>>
    %dma_start3A_52 = tpu.memref_squeeze %dma_start3A_51 : memref<1x80x64xf32, #tpu.memory_space<vmem>> -> memref<80x64xf32, #tpu.memory_space<vmem>>
    %dma_start3A_53 = arith.constant 0 : i32
    %dma_start3A_54 = tpu.memref_slice %arg7[%dma_start3A_46, %dma_start3A_53] : memref<125x80xi32, #tpu.memory_space<vmem>> -> memref<1x80xi32, #tpu.memory_space<vmem>>
    %dma_start3A_55 = tpu.memref_squeeze %dma_start3A_54 : memref<1x80xi32, #tpu.memory_space<vmem>> -> memref<80xi32, #tpu.memory_space<vmem>>
    %dma_start3A_56 = arith.constant 0 : i32
    %dma_start3A_57 = arith.constant 0 : i32
    %dma_start3A_58 = tpu.memref_slice %arg2[%dma_start3A_56, %dma_start3A_57] : memref<10000x64xf32, #tpu.memory_space<hbm>> -> memref<10000x64xf32, #tpu.memory_space<hbm>>
    %dma_start3A_59 = tpu.memref_slice %arg13[%dma_start3A_48] : memref<5x!tpu.dma_semaphore, #tpu.memory_space<semaphore_mem>> -> memref<1x!tpu.dma_semaphore, #tpu.memory_space<semaphore_mem>>
    %dma_start3A_60 = tpu.memref_squeeze %dma_start3A_59 : memref<1x!tpu.dma_semaphore, #tpu.memory_space<semaphore_mem>> -> memref<!tpu.dma_semaphore, #tpu.memory_space<semaphore_mem>>
    tpu.enqueue_indirect_dma source(%dma_start3A_58 : memref<10000x64xf32, #tpu.memory_space<hbm>>) target(%dma_start3A_52 : memref<80x64xf32, #tpu.memory_space<vmem>>) offsets(%dma_start3A_55 : memref<80xi32, #tpu.memory_space<vmem>>) semaphore(%dma_start3A_60 : memref<!tpu.dma_semaphore, #tpu.memory_space<semaphore_mem>>)
    %dma_start3A_61 = arith.constant 3 : i32
    %dma_start3A_62 = arith.constant 3 : i32
    %dma_start3A_63 = arith.constant 3 : i32
    %dma_start3A_64 = arith.constant 0 : i32
    %dma_start3A_65 = arith.constant 0 : i32
    %dma_start3A_66 = tpu.memref_slice %arg10[%dma_start3A_62, %dma_start3A_64, %dma_start3A_65] : memref<5x80x64xf32, #tpu.memory_space<vmem>> -> memref<1x80x64xf32, #tpu.memory_space<vmem>>
    %dma_start3A_67 = tpu.memref_squeeze %dma_start3A_66 : memref<1x80x64xf32, #tpu.memory_space<vmem>> -> memref<80x64xf32, #tpu.memory_space<vmem>>
    %dma_start3A_68 = arith.constant 0 : i32
    %dma_start3A_69 = tpu.memref_slice %arg7[%dma_start3A_61, %dma_start3A_68] : memref<125x80xi32, #tpu.memory_space<vmem>> -> memref<1x80xi32, #tpu.memory_space<vmem>>
    %dma_start3A_70 = tpu.memref_squeeze %dma_start3A_69 : memref<1x80xi32, #tpu.memory_space<vmem>> -> memref<80xi32, #tpu.memory_space<vmem>>
    %dma_start3A_71 = arith.constant 0 : i32
    %dma_start3A_72 = arith.constant 0 : i32
    %dma_start3A_73 = tpu.memref_slice %arg2[%dma_start3A_71, %dma_start3A_72] : memref<10000x64xf32, #tpu.memory_space<hbm>> -> memref<10000x64xf32, #tpu.memory_space<hbm>>
    %dma_start3A_74 = tpu.memref_slice %arg13[%dma_start3A_63] : memref<5x!tpu.dma_semaphore, #tpu.memory_space<semaphore_mem>> -> memref<1x!tpu.dma_semaphore, #tpu.memory_space<semaphore_mem>>
    %dma_start3A_75 = tpu.memref_squeeze %dma_start3A_74 : memref<1x!tpu.dma_semaphore, #tpu.memory_space<semaphore_mem>> -> memref<!tpu.dma_semaphore, #tpu.memory_space<semaphore_mem>>
    tpu.enqueue_indirect_dma source(%dma_start3A_73 : memref<10000x64xf32, #tpu.memory_space<hbm>>) target(%dma_start3A_67 : memref<80x64xf32, #tpu.memory_space<vmem>>) offsets(%dma_start3A_70 : memref<80xi32, #tpu.memory_space<vmem>>) semaphore(%dma_start3A_75 : memref<!tpu.dma_semaphore, #tpu.memory_space<semaphore_mem>>)
    %scan3A_76 = arith.constant 0 : i32
    %scan3A_77 = arith.constant 25 : i32
    %scan3A_78 = arith.addi %scan3A_76, %scan3A_77 : i32
    %scan3A_79 = arith.constant 1 : i32
    scf.for %scan3A_96 = %scan3A_76 to %scan3A_78 step %scan3A_79  : i32 {
      %mul3A_97 = arith.constant 5 : i32
      %mul3A_98 = arith.muli %scan3A_96, %mul3A_97 : i32
      %add3A_99 = arith.constant 0 : i32
      %add3A_100 = arith.addi %add3A_99, %mul3A_98 : i32
      %add3A_101 = arith.constant 0 : i32
      %add3A_102 = arith.addi %add3A_100, %add3A_101 : i32
      %add3A_103 = arith.constant 5 : i32
      %add3A_104 = arith.addi %add3A_102, %add3A_103 : i32
      %sub3A = arith.constant 1 : i32
      %sub3A_105 = arith.subi %add3A_104, %sub3A : i32
      %dma_wait3A_106 = arith.constant 0 : i32
      %dma_wait3A_107 = arith.constant 0 : i32
      %dma_wait3A_108 = arith.constant 0 : i32
      %dma_wait3A_109 = arith.constant 0 : i32
      %dma_wait3A_110 = tpu.memref_slice %arg10[%dma_wait3A_106, %dma_wait3A_108, %dma_wait3A_109] : memref<5x80x64xf32, #tpu.memory_space<vmem>> -> memref<1x80x64xf32, #tpu.memory_space<vmem>>
      %dma_wait3A_111 = tpu.memref_squeeze %dma_wait3A_110 : memref<1x80x64xf32, #tpu.memory_space<vmem>> -> memref<80x64xf32, #tpu.memory_space<vmem>>
      %dma_wait3A_112 = arith.constant 0 : i32
      %dma_wait3A_113 = tpu.memref_slice %arg7[%add3A_102, %dma_wait3A_112] : memref<125x80xi32, #tpu.memory_space<vmem>> -> memref<1x80xi32, #tpu.memory_space<vmem>>
      %dma_wait3A_114 = tpu.memref_squeeze %dma_wait3A_113 : memref<1x80xi32, #tpu.memory_space<vmem>> -> memref<80xi32, #tpu.memory_space<vmem>>
      %dma_wait3A_115 = arith.constant 0 : i32
      %dma_wait3A_116 = arith.constant 0 : i32
      %dma_wait3A_117 = tpu.memref_slice %arg2[%dma_wait3A_115, %dma_wait3A_116] : memref<10000x64xf32, #tpu.memory_space<hbm>> -> memref<10000x64xf32, #tpu.memory_space<hbm>>
      %dma_wait3A_118 = tpu.memref_slice %arg13[%dma_wait3A_107] : memref<5x!tpu.dma_semaphore, #tpu.memory_space<semaphore_mem>> -> memref<1x!tpu.dma_semaphore, #tpu.memory_space<semaphore_mem>>
      %dma_wait3A_119 = tpu.memref_squeeze %dma_wait3A_118 : memref<1x!tpu.dma_semaphore, #tpu.memory_space<semaphore_mem>> -> memref<!tpu.dma_semaphore, #tpu.memory_space<semaphore_mem>>
      tpu.wait_indirect_dma semaphore(%dma_wait3A_119 : memref<!tpu.dma_semaphore, #tpu.memory_space<semaphore_mem>>) src(%dma_wait3A_117 : memref<10000x64xf32, #tpu.memory_space<hbm>>) dst(%dma_wait3A_111 : memref<80x64xf32, #tpu.memory_space<vmem>>)
      %dma_start3A_120 = arith.constant 0 : i32
      %dma_start3A_121 = arith.constant 0 : i32
      %dma_start3A_122 = arith.constant 0 : i32
      %dma_start3A_123 = arith.constant 0 : i32
      %dma_start3A_124 = tpu.memref_slice %arg10[%dma_start3A_120, %dma_start3A_122, %dma_start3A_123] : memref<5x80x64xf32, #tpu.memory_space<vmem>> -> memref<1x80x64xf32, #tpu.memory_space<vmem>>
      %dma_start3A_125 = tpu.memref_squeeze %dma_start3A_124 : memref<1x80x64xf32, #tpu.memory_space<vmem>> -> memref<80x64xf32, #tpu.memory_space<vmem>>
      %dma_start3A_126 = arith.constant 0 : i32
      %dma_start3A_127 = tpu.memref_slice %arg8[%add3A_102, %dma_start3A_126] : memref<125x80xi32, #tpu.memory_space<vmem>> -> memref<1x80xi32, #tpu.memory_space<vmem>>
      %dma_start3A_128 = tpu.memref_squeeze %dma_start3A_127 : memref<1x80xi32, #tpu.memory_space<vmem>> -> memref<80xi32, #tpu.memory_space<vmem>>
      %dma_start3A_129 = arith.constant 0 : i32
      %dma_start3A_130 = arith.constant 0 : i32
      %dma_start3A_131 = tpu.memref_slice %arg12[%dma_start3A_129, %dma_start3A_130] : memref<10240x64xf32, #tpu.memory_space<vmem_shared>> -> memref<10240x64xf32, #tpu.memory_space<vmem_shared>>
      %dma_start3A_132 = tpu.memref_slice %arg14[%dma_start3A_121] : memref<5x!tpu.dma_semaphore, #tpu.memory_space<semaphore_mem>> -> memref<1x!tpu.dma_semaphore, #tpu.memory_space<semaphore_mem>>
      %dma_start3A_133 = tpu.memref_squeeze %dma_start3A_132 : memref<1x!tpu.dma_semaphore, #tpu.memory_space<semaphore_mem>> -> memref<!tpu.dma_semaphore, #tpu.memory_space<semaphore_mem>>
      tpu.enqueue_indirect_dma source(%dma_start3A_125 : memref<80x64xf32, #tpu.memory_space<vmem>>) target(%dma_start3A_131 : memref<10240x64xf32, #tpu.memory_space<vmem_shared>>) offsets(%dma_start3A_128 : memref<80xi32, #tpu.memory_space<vmem>>) semaphore(%dma_start3A_133 : memref<!tpu.dma_semaphore, #tpu.memory_space<semaphore_mem>>) {add = true}
      %gt3A = arith.constant 0 : i32
      %gt3A_134 = arith.cmpi sgt, %add3A_102, %gt3A : i32
      %convert_element_type3A = arith.extui %gt3A_134 : i1 to i32
      %cond3A = arith.constant 0 : i32
      %cond3A_135 = arith.cmpi ne, %convert_element_type3A, %cond3A : i32
      scf.if %cond3A_135 {
        %sub3A_316 = arith.constant 1 : i32
        %sub3A_317 = arith.subi %add3A_102, %sub3A_316 : i32
        %dma_wait3A_318 = arith.constant 4 : i32
        %dma_wait3A_319 = arith.constant 4 : i32
        %dma_wait3A_320 = arith.constant 0 : i32
        %dma_wait3A_321 = arith.constant 0 : i32
        %dma_wait3A_322 = tpu.memref_slice %arg10[%dma_wait3A_318, %dma_wait3A_320, %dma_wait3A_321] : memref<5x80x64xf32, #tpu.memory_space<vmem>> -> memref<1x80x64xf32, #tpu.memory_space<vmem>>
        %dma_wait3A_323 = tpu.memref_squeeze %dma_wait3A_322 : memref<1x80x64xf32, #tpu.memory_space<vmem>> -> memref<80x64xf32, #tpu.memory_space<vmem>>
        %dma_wait3A_324 = arith.constant 0 : i32
        %dma_wait3A_325 = tpu.memref_slice %arg8[%sub3A_317, %dma_wait3A_324] : memref<125x80xi32, #tpu.memory_space<vmem>> -> memref<1x80xi32, #tpu.memory_space<vmem>>
        %dma_wait3A_326 = tpu.memref_squeeze %dma_wait3A_325 : memref<1x80xi32, #tpu.memory_space<vmem>> -> memref<80xi32, #tpu.memory_space<vmem>>
        %dma_wait3A_327 = arith.constant 0 : i32
        %dma_wait3A_328 = arith.constant 0 : i32
        %dma_wait3A_329 = tpu.memref_slice %arg12[%dma_wait3A_327, %dma_wait3A_328] : memref<10240x64xf32, #tpu.memory_space<vmem_shared>> -> memref<10240x64xf32, #tpu.memory_space<vmem_shared>>
        %dma_wait3A_330 = tpu.memref_slice %arg14[%dma_wait3A_319] : memref<5x!tpu.dma_semaphore, #tpu.memory_space<semaphore_mem>> -> memref<1x!tpu.dma_semaphore, #tpu.memory_space<semaphore_mem>>
        %dma_wait3A_331 = tpu.memref_squeeze %dma_wait3A_330 : memref<1x!tpu.dma_semaphore, #tpu.memory_space<semaphore_mem>> -> memref<!tpu.dma_semaphore, #tpu.memory_space<semaphore_mem>>
        tpu.wait_indirect_dma semaphore(%dma_wait3A_331 : memref<!tpu.dma_semaphore, #tpu.memory_space<semaphore_mem>>) src(%dma_wait3A_323 : memref<80x64xf32, #tpu.memory_space<vmem>>) dst(%dma_wait3A_329 : memref<10240x64xf32, #tpu.memory_space<vmem_shared>>)
      } else {
      }
      %lt3A = arith.constant 125 : i32
      %lt3A_136 = arith.cmpi slt, %sub3A_105, %lt3A : i32
      %convert_element_type3A_137 = arith.extui %lt3A_136 : i1 to i32
      %cond3A_138 = arith.constant 0 : i32
      %cond3A_139 = arith.cmpi ne, %convert_element_type3A_137, %cond3A_138 : i32
      scf.if %cond3A_139 {
        %dma_start3A_316 = arith.constant 4 : i32
        %dma_start3A_317 = arith.constant 4 : i32
        %dma_start3A_318 = arith.constant 0 : i32
        %dma_start3A_319 = arith.constant 0 : i32
        %dma_start3A_320 = tpu.memref_slice %arg10[%dma_start3A_316, %dma_start3A_318, %dma_start3A_319] : memref<5x80x64xf32, #tpu.memory_space<vmem>> -> memref<1x80x64xf32, #tpu.memory_space<vmem>>
        %dma_start3A_321 = tpu.memref_squeeze %dma_start3A_320 : memref<1x80x64xf32, #tpu.memory_space<vmem>> -> memref<80x64xf32, #tpu.memory_space<vmem>>
        %dma_start3A_322 = arith.constant 0 : i32
        %dma_start3A_323 = tpu.memref_slice %arg7[%sub3A_105, %dma_start3A_322] : memref<125x80xi32, #tpu.memory_space<vmem>> -> memref<1x80xi32, #tpu.memory_space<vmem>>
        %dma_start3A_324 = tpu.memref_squeeze %dma_start3A_323 : memref<1x80xi32, #tpu.memory_space<vmem>> -> memref<80xi32, #tpu.memory_space<vmem>>
        %dma_start3A_325 = arith.constant 0 : i32
        %dma_start3A_326 = arith.constant 0 : i32
        %dma_start3A_327 = tpu.memref_slice %arg2[%dma_start3A_325, %dma_start3A_326] : memref<10000x64xf32, #tpu.memory_space<hbm>> -> memref<10000x64xf32, #tpu.memory_space<hbm>>
        %dma_start3A_328 = tpu.memref_slice %arg13[%dma_start3A_317] : memref<5x!tpu.dma_semaphore, #tpu.memory_space<semaphore_mem>> -> memref<1x!tpu.dma_semaphore, #tpu.memory_space<semaphore_mem>>
        %dma_start3A_329 = tpu.memref_squeeze %dma_start3A_328 : memref<1x!tpu.dma_semaphore, #tpu.memory_space<semaphore_mem>> -> memref<!tpu.dma_semaphore, #tpu.memory_space<semaphore_mem>>
        tpu.enqueue_indirect_dma source(%dma_start3A_327 : memref<10000x64xf32, #tpu.memory_space<hbm>>) target(%dma_start3A_321 : memref<80x64xf32, #tpu.memory_space<vmem>>) offsets(%dma_start3A_324 : memref<80xi32, #tpu.memory_space<vmem>>) semaphore(%dma_start3A_329 : memref<!tpu.dma_semaphore, #tpu.memory_space<semaphore_mem>>)
      } else {
      }
      %add3A_140 = arith.constant 1 : i32
      %add3A_141 = arith.addi %add3A_100, %add3A_140 : i32
      %add3A_142 = arith.constant 5 : i32
      %add3A_143 = arith.addi %add3A_141, %add3A_142 : i32
      %sub3A_144 = arith.constant 1 : i32
      %sub3A_145 = arith.subi %add3A_143, %sub3A_144 : i32
      %dma_wait3A_146 = arith.constant 1 : i32
      %dma_wait3A_147 = arith.constant 1 : i32
      %dma_wait3A_148 = arith.constant 0 : i32
      %dma_wait3A_149 = arith.constant 0 : i32
      %dma_wait3A_150 = tpu.memref_slice %arg10[%dma_wait3A_146, %dma_wait3A_148, %dma_wait3A_149] : memref<5x80x64xf32, #tpu.memory_space<vmem>> -> memref<1x80x64xf32, #tpu.memory_space<vmem>>
      %dma_wait3A_151 = tpu.memref_squeeze %dma_wait3A_150 : memref<1x80x64xf32, #tpu.memory_space<vmem>> -> memref<80x64xf32, #tpu.memory_space<vmem>>
      %dma_wait3A_152 = arith.constant 0 : i32
      %dma_wait3A_153 = tpu.memref_slice %arg7[%add3A_141, %dma_wait3A_152] : memref<125x80xi32, #tpu.memory_space<vmem>> -> memref<1x80xi32, #tpu.memory_space<vmem>>
      %dma_wait3A_154 = tpu.memref_squeeze %dma_wait3A_153 : memref<1x80xi32, #tpu.memory_space<vmem>> -> memref<80xi32, #tpu.memory_space<vmem>>
      %dma_wait3A_155 = arith.constant 0 : i32
      %dma_wait3A_156 = arith.constant 0 : i32
      %dma_wait3A_157 = tpu.memref_slice %arg2[%dma_wait3A_155, %dma_wait3A_156] : memref<10000x64xf32, #tpu.memory_space<hbm>> -> memref<10000x64xf32, #tpu.memory_space<hbm>>
      %dma_wait3A_158 = tpu.memref_slice %arg13[%dma_wait3A_147] : memref<5x!tpu.dma_semaphore, #tpu.memory_space<semaphore_mem>> -> memref<1x!tpu.dma_semaphore, #tpu.memory_space<semaphore_mem>>
      %dma_wait3A_159 = tpu.memref_squeeze %dma_wait3A_158 : memref<1x!tpu.dma_semaphore, #tpu.memory_space<semaphore_mem>> -> memref<!tpu.dma_semaphore, #tpu.memory_space<semaphore_mem>>
      tpu.wait_indirect_dma semaphore(%dma_wait3A_159 : memref<!tpu.dma_semaphore, #tpu.memory_space<semaphore_mem>>) src(%dma_wait3A_157 : memref<10000x64xf32, #tpu.memory_space<hbm>>) dst(%dma_wait3A_151 : memref<80x64xf32, #tpu.memory_space<vmem>>)
      %dma_start3A_160 = arith.constant 1 : i32
      %dma_start3A_161 = arith.constant 1 : i32
      %dma_start3A_162 = arith.constant 0 : i32
      %dma_start3A_163 = arith.constant 0 : i32
      %dma_start3A_164 = tpu.memref_slice %arg10[%dma_start3A_160, %dma_start3A_162, %dma_start3A_163] : memref<5x80x64xf32, #tpu.memory_space<vmem>> -> memref<1x80x64xf32, #tpu.memory_space<vmem>>
      %dma_start3A_165 = tpu.memref_squeeze %dma_start3A_164 : memref<1x80x64xf32, #tpu.memory_space<vmem>> -> memref<80x64xf32, #tpu.memory_space<vmem>>
      %dma_start3A_166 = arith.constant 0 : i32
      %dma_start3A_167 = tpu.memref_slice %arg8[%add3A_141, %dma_start3A_166] : memref<125x80xi32, #tpu.memory_space<vmem>> -> memref<1x80xi32, #tpu.memory_space<vmem>>
      %dma_start3A_168 = tpu.memref_squeeze %dma_start3A_167 : memref<1x80xi32, #tpu.memory_space<vmem>> -> memref<80xi32, #tpu.memory_space<vmem>>
      %dma_start3A_169 = arith.constant 0 : i32
      %dma_start3A_170 = arith.constant 0 : i32
      %dma_start3A_171 = tpu.memref_slice %arg12[%dma_start3A_169, %dma_start3A_170] : memref<10240x64xf32, #tpu.memory_space<vmem_shared>> -> memref<10240x64xf32, #tpu.memory_space<vmem_shared>>
      %dma_start3A_172 = tpu.memref_slice %arg14[%dma_start3A_161] : memref<5x!tpu.dma_semaphore, #tpu.memory_space<semaphore_mem>> -> memref<1x!tpu.dma_semaphore, #tpu.memory_space<semaphore_mem>>
      %dma_start3A_173 = tpu.memref_squeeze %dma_start3A_172 : memref<1x!tpu.dma_semaphore, #tpu.memory_space<semaphore_mem>> -> memref<!tpu.dma_semaphore, #tpu.memory_space<semaphore_mem>>
      tpu.enqueue_indirect_dma source(%dma_start3A_165 : memref<80x64xf32, #tpu.memory_space<vmem>>) target(%dma_start3A_171 : memref<10240x64xf32, #tpu.memory_space<vmem_shared>>) offsets(%dma_start3A_168 : memref<80xi32, #tpu.memory_space<vmem>>) semaphore(%dma_start3A_173 : memref<!tpu.dma_semaphore, #tpu.memory_space<semaphore_mem>>) {add = true}
      %gt3A_174 = arith.constant 0 : i32
      %gt3A_175 = arith.cmpi sgt, %add3A_141, %gt3A_174 : i32
      %convert_element_type3A_176 = arith.extui %gt3A_175 : i1 to i32
      %cond3A_177 = arith.constant 0 : i32
      %cond3A_178 = arith.cmpi ne, %convert_element_type3A_176, %cond3A_177 : i32
      scf.if %cond3A_178 {
        %sub3A_316 = arith.constant 1 : i32
        %sub3A_317 = arith.subi %add3A_141, %sub3A_316 : i32
        %dma_wait3A_318 = arith.constant 0 : i32
        %dma_wait3A_319 = arith.constant 0 : i32
        %dma_wait3A_320 = arith.constant 0 : i32
        %dma_wait3A_321 = arith.constant 0 : i32
        %dma_wait3A_322 = tpu.memref_slice %arg10[%dma_wait3A_318, %dma_wait3A_320, %dma_wait3A_321] : memref<5x80x64xf32, #tpu.memory_space<vmem>> -> memref<1x80x64xf32, #tpu.memory_space<vmem>>
        %dma_wait3A_323 = tpu.memref_squeeze %dma_wait3A_322 : memref<1x80x64xf32, #tpu.memory_space<vmem>> -> memref<80x64xf32, #tpu.memory_space<vmem>>
        %dma_wait3A_324 = arith.constant 0 : i32
        %dma_wait3A_325 = tpu.memref_slice %arg8[%sub3A_317, %dma_wait3A_324] : memref<125x80xi32, #tpu.memory_space<vmem>> -> memref<1x80xi32, #tpu.memory_space<vmem>>
        %dma_wait3A_326 = tpu.memref_squeeze %dma_wait3A_325 : memref<1x80xi32, #tpu.memory_space<vmem>> -> memref<80xi32, #tpu.memory_space<vmem>>
        %dma_wait3A_327 = arith.constant 0 : i32
        %dma_wait3A_328 = arith.constant 0 : i32
        %dma_wait3A_329 = tpu.memref_slice %arg12[%dma_wait3A_327, %dma_wait3A_328] : memref<10240x64xf32, #tpu.memory_space<vmem_shared>> -> memref<10240x64xf32, #tpu.memory_space<vmem_shared>>
        %dma_wait3A_330 = tpu.memref_slice %arg14[%dma_wait3A_319] : memref<5x!tpu.dma_semaphore, #tpu.memory_space<semaphore_mem>> -> memref<1x!tpu.dma_semaphore, #tpu.memory_space<semaphore_mem>>
        %dma_wait3A_331 = tpu.memref_squeeze %dma_wait3A_330 : memref<1x!tpu.dma_semaphore, #tpu.memory_space<semaphore_mem>> -> memref<!tpu.dma_semaphore, #tpu.memory_space<semaphore_mem>>
        tpu.wait_indirect_dma semaphore(%dma_wait3A_331 : memref<!tpu.dma_semaphore, #tpu.memory_space<semaphore_mem>>) src(%dma_wait3A_323 : memref<80x64xf32, #tpu.memory_space<vmem>>) dst(%dma_wait3A_329 : memref<10240x64xf32, #tpu.memory_space<vmem_shared>>)
      } else {
      }
      %lt3A_179 = arith.constant 125 : i32
      %lt3A_180 = arith.cmpi slt, %sub3A_145, %lt3A_179 : i32
      %convert_element_type3A_181 = arith.extui %lt3A_180 : i1 to i32
      %cond3A_182 = arith.constant 0 : i32
      %cond3A_183 = arith.cmpi ne, %convert_element_type3A_181, %cond3A_182 : i32
      scf.if %cond3A_183 {
        %dma_start3A_316 = arith.constant 0 : i32
        %dma_start3A_317 = arith.constant 0 : i32
        %dma_start3A_318 = arith.constant 0 : i32
        %dma_start3A_319 = arith.constant 0 : i32
        %dma_start3A_320 = tpu.memref_slice %arg10[%dma_start3A_316, %dma_start3A_318, %dma_start3A_319] : memref<5x80x64xf32, #tpu.memory_space<vmem>> -> memref<1x80x64xf32, #tpu.memory_space<vmem>>
        %dma_start3A_321 = tpu.memref_squeeze %dma_start3A_320 : memref<1x80x64xf32, #tpu.memory_space<vmem>> -> memref<80x64xf32, #tpu.memory_space<vmem>>
        %dma_start3A_322 = arith.constant 0 : i32
        %dma_start3A_323 = tpu.memref_slice %arg7[%sub3A_145, %dma_start3A_322] : memref<125x80xi32, #tpu.memory_space<vmem>> -> memref<1x80xi32, #tpu.memory_space<vmem>>
        %dma_start3A_324 = tpu.memref_squeeze %dma_start3A_323 : memref<1x80xi32, #tpu.memory_space<vmem>> -> memref<80xi32, #tpu.memory_space<vmem>>
        %dma_start3A_325 = arith.constant 0 : i32
        %dma_start3A_326 = arith.constant 0 : i32
        %dma_start3A_327 = tpu.memref_slice %arg2[%dma_start3A_325, %dma_start3A_326] : memref<10000x64xf32, #tpu.memory_space<hbm>> -> memref<10000x64xf32, #tpu.memory_space<hbm>>
        %dma_start3A_328 = tpu.memref_slice %arg13[%dma_start3A_317] : memref<5x!tpu.dma_semaphore, #tpu.memory_space<semaphore_mem>> -> memref<1x!tpu.dma_semaphore, #tpu.memory_space<semaphore_mem>>
        %dma_start3A_329 = tpu.memref_squeeze %dma_start3A_328 : memref<1x!tpu.dma_semaphore, #tpu.memory_space<semaphore_mem>> -> memref<!tpu.dma_semaphore, #tpu.memory_space<semaphore_mem>>
        tpu.enqueue_indirect_dma source(%dma_start3A_327 : memref<10000x64xf32, #tpu.memory_space<hbm>>) target(%dma_start3A_321 : memref<80x64xf32, #tpu.memory_space<vmem>>) offsets(%dma_start3A_324 : memref<80xi32, #tpu.memory_space<vmem>>) semaphore(%dma_start3A_329 : memref<!tpu.dma_semaphore, #tpu.memory_space<semaphore_mem>>)
      } else {
      }
      %add3A_184 = arith.constant 2 : i32
      %add3A_185 = arith.addi %add3A_100, %add3A_184 : i32
      %add3A_186 = arith.constant 5 : i32
      %add3A_187 = arith.addi %add3A_185, %add3A_186 : i32
      %sub3A_188 = arith.constant 1 : i32
      %sub3A_189 = arith.subi %add3A_187, %sub3A_188 : i32
      %dma_wait3A_190 = arith.constant 2 : i32
      %dma_wait3A_191 = arith.constant 2 : i32
      %dma_wait3A_192 = arith.constant 0 : i32
      %dma_wait3A_193 = arith.constant 0 : i32
      %dma_wait3A_194 = tpu.memref_slice %arg10[%dma_wait3A_190, %dma_wait3A_192, %dma_wait3A_193] : memref<5x80x64xf32, #tpu.memory_space<vmem>> -> memref<1x80x64xf32, #tpu.memory_space<vmem>>
      %dma_wait3A_195 = tpu.memref_squeeze %dma_wait3A_194 : memref<1x80x64xf32, #tpu.memory_space<vmem>> -> memref<80x64xf32, #tpu.memory_space<vmem>>
      %dma_wait3A_196 = arith.constant 0 : i32
      %dma_wait3A_197 = tpu.memref_slice %arg7[%add3A_185, %dma_wait3A_196] : memref<125x80xi32, #tpu.memory_space<vmem>> -> memref<1x80xi32, #tpu.memory_space<vmem>>
      %dma_wait3A_198 = tpu.memref_squeeze %dma_wait3A_197 : memref<1x80xi32, #tpu.memory_space<vmem>> -> memref<80xi32, #tpu.memory_space<vmem>>
      %dma_wait3A_199 = arith.constant 0 : i32
      %dma_wait3A_200 = arith.constant 0 : i32
      %dma_wait3A_201 = tpu.memref_slice %arg2[%dma_wait3A_199, %dma_wait3A_200] : memref<10000x64xf32, #tpu.memory_space<hbm>> -> memref<10000x64xf32, #tpu.memory_space<hbm>>
      %dma_wait3A_202 = tpu.memref_slice %arg13[%dma_wait3A_191] : memref<5x!tpu.dma_semaphore, #tpu.memory_space<semaphore_mem>> -> memref<1x!tpu.dma_semaphore, #tpu.memory_space<semaphore_mem>>
      %dma_wait3A_203 = tpu.memref_squeeze %dma_wait3A_202 : memref<1x!tpu.dma_semaphore, #tpu.memory_space<semaphore_mem>> -> memref<!tpu.dma_semaphore, #tpu.memory_space<semaphore_mem>>
      tpu.wait_indirect_dma semaphore(%dma_wait3A_203 : memref<!tpu.dma_semaphore, #tpu.memory_space<semaphore_mem>>) src(%dma_wait3A_201 : memref<10000x64xf32, #tpu.memory_space<hbm>>) dst(%dma_wait3A_195 : memref<80x64xf32, #tpu.memory_space<vmem>>)
      %dma_start3A_204 = arith.constant 2 : i32
      %dma_start3A_205 = arith.constant 2 : i32
      %dma_start3A_206 = arith.constant 0 : i32
      %dma_start3A_207 = arith.constant 0 : i32
      %dma_start3A_208 = tpu.memref_slice %arg10[%dma_start3A_204, %dma_start3A_206, %dma_start3A_207] : memref<5x80x64xf32, #tpu.memory_space<vmem>> -> memref<1x80x64xf32, #tpu.memory_space<vmem>>
      %dma_start3A_209 = tpu.memref_squeeze %dma_start3A_208 : memref<1x80x64xf32, #tpu.memory_space<vmem>> -> memref<80x64xf32, #tpu.memory_space<vmem>>
      %dma_start3A_210 = arith.constant 0 : i32
      %dma_start3A_211 = tpu.memref_slice %arg8[%add3A_185, %dma_start3A_210] : memref<125x80xi32, #tpu.memory_space<vmem>> -> memref<1x80xi32, #tpu.memory_space<vmem>>
      %dma_start3A_212 = tpu.memref_squeeze %dma_start3A_211 : memref<1x80xi32, #tpu.memory_space<vmem>> -> memref<80xi32, #tpu.memory_space<vmem>>
      %dma_start3A_213 = arith.constant 0 : i32
      %dma_start3A_214 = arith.constant 0 : i32
      %dma_start3A_215 = tpu.memref_slice %arg12[%dma_start3A_213, %dma_start3A_214] : memref<10240x64xf32, #tpu.memory_space<vmem_shared>> -> memref<10240x64xf32, #tpu.memory_space<vmem_shared>>
      %dma_start3A_216 = tpu.memref_slice %arg14[%dma_start3A_205] : memref<5x!tpu.dma_semaphore, #tpu.memory_space<semaphore_mem>> -> memref<1x!tpu.dma_semaphore, #tpu.memory_space<semaphore_mem>>
      %dma_start3A_217 = tpu.memref_squeeze %dma_start3A_216 : memref<1x!tpu.dma_semaphore, #tpu.memory_space<semaphore_mem>> -> memref<!tpu.dma_semaphore, #tpu.memory_space<semaphore_mem>>
      tpu.enqueue_indirect_dma source(%dma_start3A_209 : memref<80x64xf32, #tpu.memory_space<vmem>>) target(%dma_start3A_215 : memref<10240x64xf32, #tpu.memory_space<vmem_shared>>) offsets(%dma_start3A_212 : memref<80xi32, #tpu.memory_space<vmem>>) semaphore(%dma_start3A_217 : memref<!tpu.dma_semaphore, #tpu.memory_space<semaphore_mem>>) {add = true}
      %gt3A_218 = arith.constant 0 : i32
      %gt3A_219 = arith.cmpi sgt, %add3A_185, %gt3A_218 : i32
      %convert_element_type3A_220 = arith.extui %gt3A_219 : i1 to i32
      %cond3A_221 = arith.constant 0 : i32
      %cond3A_222 = arith.cmpi ne, %convert_element_type3A_220, %cond3A_221 : i32
      scf.if %cond3A_222 {
        %sub3A_316 = arith.constant 1 : i32
        %sub3A_317 = arith.subi %add3A_185, %sub3A_316 : i32
        %dma_wait3A_318 = arith.constant 1 : i32
        %dma_wait3A_319 = arith.constant 1 : i32
        %dma_wait3A_320 = arith.constant 0 : i32
        %dma_wait3A_321 = arith.constant 0 : i32
        %dma_wait3A_322 = tpu.memref_slice %arg10[%dma_wait3A_318, %dma_wait3A_320, %dma_wait3A_321] : memref<5x80x64xf32, #tpu.memory_space<vmem>> -> memref<1x80x64xf32, #tpu.memory_space<vmem>>
        %dma_wait3A_323 = tpu.memref_squeeze %dma_wait3A_322 : memref<1x80x64xf32, #tpu.memory_space<vmem>> -> memref<80x64xf32, #tpu.memory_space<vmem>>
        %dma_wait3A_324 = arith.constant 0 : i32
        %dma_wait3A_325 = tpu.memref_slice %arg8[%sub3A_317, %dma_wait3A_324] : memref<125x80xi32, #tpu.memory_space<vmem>> -> memref<1x80xi32, #tpu.memory_space<vmem>>
        %dma_wait3A_326 = tpu.memref_squeeze %dma_wait3A_325 : memref<1x80xi32, #tpu.memory_space<vmem>> -> memref<80xi32, #tpu.memory_space<vmem>>
        %dma_wait3A_327 = arith.constant 0 : i32
        %dma_wait3A_328 = arith.constant 0 : i32
        %dma_wait3A_329 = tpu.memref_slice %arg12[%dma_wait3A_327, %dma_wait3A_328] : memref<10240x64xf32, #tpu.memory_space<vmem_shared>> -> memref<10240x64xf32, #tpu.memory_space<vmem_shared>>
        %dma_wait3A_330 = tpu.memref_slice %arg14[%dma_wait3A_319] : memref<5x!tpu.dma_semaphore, #tpu.memory_space<semaphore_mem>> -> memref<1x!tpu.dma_semaphore, #tpu.memory_space<semaphore_mem>>
        %dma_wait3A_331 = tpu.memref_squeeze %dma_wait3A_330 : memref<1x!tpu.dma_semaphore, #tpu.memory_space<semaphore_mem>> -> memref<!tpu.dma_semaphore, #tpu.memory_space<semaphore_mem>>
        tpu.wait_indirect_dma semaphore(%dma_wait3A_331 : memref<!tpu.dma_semaphore, #tpu.memory_space<semaphore_mem>>) src(%dma_wait3A_323 : memref<80x64xf32, #tpu.memory_space<vmem>>) dst(%dma_wait3A_329 : memref<10240x64xf32, #tpu.memory_space<vmem_shared>>)
      } else {
      }
      %lt3A_223 = arith.constant 125 : i32
      %lt3A_224 = arith.cmpi slt, %sub3A_189, %lt3A_223 : i32
      %convert_element_type3A_225 = arith.extui %lt3A_224 : i1 to i32
      %cond3A_226 = arith.constant 0 : i32
      %cond3A_227 = arith.cmpi ne, %convert_element_type3A_225, %cond3A_226 : i32
      scf.if %cond3A_227 {
        %dma_start3A_316 = arith.constant 1 : i32
        %dma_start3A_317 = arith.constant 1 : i32
        %dma_start3A_318 = arith.constant 0 : i32
        %dma_start3A_319 = arith.constant 0 : i32
        %dma_start3A_320 = tpu.memref_slice %arg10[%dma_start3A_316, %dma_start3A_318, %dma_start3A_319] : memref<5x80x64xf32, #tpu.memory_space<vmem>> -> memref<1x80x64xf32, #tpu.memory_space<vmem>>
        %dma_start3A_321 = tpu.memref_squeeze %dma_start3A_320 : memref<1x80x64xf32, #tpu.memory_space<vmem>> -> memref<80x64xf32, #tpu.memory_space<vmem>>
        %dma_start3A_322 = arith.constant 0 : i32
        %dma_start3A_323 = tpu.memref_slice %arg7[%sub3A_189, %dma_start3A_322] : memref<125x80xi32, #tpu.memory_space<vmem>> -> memref<1x80xi32, #tpu.memory_space<vmem>>
        %dma_start3A_324 = tpu.memref_squeeze %dma_start3A_323 : memref<1x80xi32, #tpu.memory_space<vmem>> -> memref<80xi32, #tpu.memory_space<vmem>>
        %dma_start3A_325 = arith.constant 0 : i32
        %dma_start3A_326 = arith.constant 0 : i32
        %dma_start3A_327 = tpu.memref_slice %arg2[%dma_start3A_325, %dma_start3A_326] : memref<10000x64xf32, #tpu.memory_space<hbm>> -> memref<10000x64xf32, #tpu.memory_space<hbm>>
        %dma_start3A_328 = tpu.memref_slice %arg13[%dma_start3A_317] : memref<5x!tpu.dma_semaphore, #tpu.memory_space<semaphore_mem>> -> memref<1x!tpu.dma_semaphore, #tpu.memory_space<semaphore_mem>>
        %dma_start3A_329 = tpu.memref_squeeze %dma_start3A_328 : memref<1x!tpu.dma_semaphore, #tpu.memory_space<semaphore_mem>> -> memref<!tpu.dma_semaphore, #tpu.memory_space<semaphore_mem>>
        tpu.enqueue_indirect_dma source(%dma_start3A_327 : memref<10000x64xf32, #tpu.memory_space<hbm>>) target(%dma_start3A_321 : memref<80x64xf32, #tpu.memory_space<vmem>>) offsets(%dma_start3A_324 : memref<80xi32, #tpu.memory_space<vmem>>) semaphore(%dma_start3A_329 : memref<!tpu.dma_semaphore, #tpu.memory_space<semaphore_mem>>)
      } else {
      }
      %add3A_228 = arith.constant 3 : i32
      %add3A_229 = arith.addi %add3A_100, %add3A_228 : i32
      %add3A_230 = arith.constant 5 : i32
      %add3A_231 = arith.addi %add3A_229, %add3A_230 : i32
      %sub3A_232 = arith.constant 1 : i32
      %sub3A_233 = arith.subi %add3A_231, %sub3A_232 : i32
      %dma_wait3A_234 = arith.constant 3 : i32
      %dma_wait3A_235 = arith.constant 3 : i32
      %dma_wait3A_236 = arith.constant 0 : i32
      %dma_wait3A_237 = arith.constant 0 : i32
      %dma_wait3A_238 = tpu.memref_slice %arg10[%dma_wait3A_234, %dma_wait3A_236, %dma_wait3A_237] : memref<5x80x64xf32, #tpu.memory_space<vmem>> -> memref<1x80x64xf32, #tpu.memory_space<vmem>>
      %dma_wait3A_239 = tpu.memref_squeeze %dma_wait3A_238 : memref<1x80x64xf32, #tpu.memory_space<vmem>> -> memref<80x64xf32, #tpu.memory_space<vmem>>
      %dma_wait3A_240 = arith.constant 0 : i32
      %dma_wait3A_241 = tpu.memref_slice %arg7[%add3A_229, %dma_wait3A_240] : memref<125x80xi32, #tpu.memory_space<vmem>> -> memref<1x80xi32, #tpu.memory_space<vmem>>
      %dma_wait3A_242 = tpu.memref_squeeze %dma_wait3A_241 : memref<1x80xi32, #tpu.memory_space<vmem>> -> memref<80xi32, #tpu.memory_space<vmem>>
      %dma_wait3A_243 = arith.constant 0 : i32
      %dma_wait3A_244 = arith.constant 0 : i32
      %dma_wait3A_245 = tpu.memref_slice %arg2[%dma_wait3A_243, %dma_wait3A_244] : memref<10000x64xf32, #tpu.memory_space<hbm>> -> memref<10000x64xf32, #tpu.memory_space<hbm>>
      %dma_wait3A_246 = tpu.memref_slice %arg13[%dma_wait3A_235] : memref<5x!tpu.dma_semaphore, #tpu.memory_space<semaphore_mem>> -> memref<1x!tpu.dma_semaphore, #tpu.memory_space<semaphore_mem>>
      %dma_wait3A_247 = tpu.memref_squeeze %dma_wait3A_246 : memref<1x!tpu.dma_semaphore, #tpu.memory_space<semaphore_mem>> -> memref<!tpu.dma_semaphore, #tpu.memory_space<semaphore_mem>>
      tpu.wait_indirect_dma semaphore(%dma_wait3A_247 : memref<!tpu.dma_semaphore, #tpu.memory_space<semaphore_mem>>) src(%dma_wait3A_245 : memref<10000x64xf32, #tpu.memory_space<hbm>>) dst(%dma_wait3A_239 : memref<80x64xf32, #tpu.memory_space<vmem>>)
      %dma_start3A_248 = arith.constant 3 : i32
      %dma_start3A_249 = arith.constant 3 : i32
      %dma_start3A_250 = arith.constant 0 : i32
      %dma_start3A_251 = arith.constant 0 : i32
      %dma_start3A_252 = tpu.memref_slice %arg10[%dma_start3A_248, %dma_start3A_250, %dma_start3A_251] : memref<5x80x64xf32, #tpu.memory_space<vmem>> -> memref<1x80x64xf32, #tpu.memory_space<vmem>>
      %dma_start3A_253 = tpu.memref_squeeze %dma_start3A_252 : memref<1x80x64xf32, #tpu.memory_space<vmem>> -> memref<80x64xf32, #tpu.memory_space<vmem>>
      %dma_start3A_254 = arith.constant 0 : i32
      %dma_start3A_255 = tpu.memref_slice %arg8[%add3A_229, %dma_start3A_254] : memref<125x80xi32, #tpu.memory_space<vmem>> -> memref<1x80xi32, #tpu.memory_space<vmem>>
      %dma_start3A_256 = tpu.memref_squeeze %dma_start3A_255 : memref<1x80xi32, #tpu.memory_space<vmem>> -> memref<80xi32, #tpu.memory_space<vmem>>
      %dma_start3A_257 = arith.constant 0 : i32
      %dma_start3A_258 = arith.constant 0 : i32
      %dma_start3A_259 = tpu.memref_slice %arg12[%dma_start3A_257, %dma_start3A_258] : memref<10240x64xf32, #tpu.memory_space<vmem_shared>> -> memref<10240x64xf32, #tpu.memory_space<vmem_shared>>
      %dma_start3A_260 = tpu.memref_slice %arg14[%dma_start3A_249] : memref<5x!tpu.dma_semaphore, #tpu.memory_space<semaphore_mem>> -> memref<1x!tpu.dma_semaphore, #tpu.memory_space<semaphore_mem>>
      %dma_start3A_261 = tpu.memref_squeeze %dma_start3A_260 : memref<1x!tpu.dma_semaphore, #tpu.memory_space<semaphore_mem>> -> memref<!tpu.dma_semaphore, #tpu.memory_space<semaphore_mem>>
      tpu.enqueue_indirect_dma source(%dma_start3A_253 : memref<80x64xf32, #tpu.memory_space<vmem>>) target(%dma_start3A_259 : memref<10240x64xf32, #tpu.memory_space<vmem_shared>>) offsets(%dma_start3A_256 : memref<80xi32, #tpu.memory_space<vmem>>) semaphore(%dma_start3A_261 : memref<!tpu.dma_semaphore, #tpu.memory_space<semaphore_mem>>) {add = true}
      %gt3A_262 = arith.constant 0 : i32
      %gt3A_263 = arith.cmpi sgt, %add3A_229, %gt3A_262 : i32
      %convert_element_type3A_264 = arith.extui %gt3A_263 : i1 to i32
      %cond3A_265 = arith.constant 0 : i32
      %cond3A_266 = arith.cmpi ne, %convert_element_type3A_264, %cond3A_265 : i32
      scf.if %cond3A_266 {
        %sub3A_316 = arith.constant 1 : i32
        %sub3A_317 = arith.subi %add3A_229, %sub3A_316 : i32
        %dma_wait3A_318 = arith.constant 2 : i32
        %dma_wait3A_319 = arith.constant 2 : i32
        %dma_wait3A_320 = arith.constant 0 : i32
        %dma_wait3A_321 = arith.constant 0 : i32
        %dma_wait3A_322 = tpu.memref_slice %arg10[%dma_wait3A_318, %dma_wait3A_320, %dma_wait3A_321] : memref<5x80x64xf32, #tpu.memory_space<vmem>> -> memref<1x80x64xf32, #tpu.memory_space<vmem>>
        %dma_wait3A_323 = tpu.memref_squeeze %dma_wait3A_322 : memref<1x80x64xf32, #tpu.memory_space<vmem>> -> memref<80x64xf32, #tpu.memory_space<vmem>>
        %dma_wait3A_324 = arith.constant 0 : i32
        %dma_wait3A_325 = tpu.memref_slice %arg8[%sub3A_317, %dma_wait3A_324] : memref<125x80xi32, #tpu.memory_space<vmem>> -> memref<1x80xi32, #tpu.memory_space<vmem>>
        %dma_wait3A_326 = tpu.memref_squeeze %dma_wait3A_325 : memref<1x80xi32, #tpu.memory_space<vmem>> -> memref<80xi32, #tpu.memory_space<vmem>>
        %dma_wait3A_327 = arith.constant 0 : i32
        %dma_wait3A_328 = arith.constant 0 : i32
        %dma_wait3A_329 = tpu.memref_slice %arg12[%dma_wait3A_327, %dma_wait3A_328] : memref<10240x64xf32, #tpu.memory_space<vmem_shared>> -> memref<10240x64xf32, #tpu.memory_space<vmem_shared>>
        %dma_wait3A_330 = tpu.memref_slice %arg14[%dma_wait3A_319] : memref<5x!tpu.dma_semaphore, #tpu.memory_space<semaphore_mem>> -> memref<1x!tpu.dma_semaphore, #tpu.memory_space<semaphore_mem>>
        %dma_wait3A_331 = tpu.memref_squeeze %dma_wait3A_330 : memref<1x!tpu.dma_semaphore, #tpu.memory_space<semaphore_mem>> -> memref<!tpu.dma_semaphore, #tpu.memory_space<semaphore_mem>>
        tpu.wait_indirect_dma semaphore(%dma_wait3A_331 : memref<!tpu.dma_semaphore, #tpu.memory_space<semaphore_mem>>) src(%dma_wait3A_323 : memref<80x64xf32, #tpu.memory_space<vmem>>) dst(%dma_wait3A_329 : memref<10240x64xf32, #tpu.memory_space<vmem_shared>>)
      } else {
      }
      %lt3A_267 = arith.constant 125 : i32
      %lt3A_268 = arith.cmpi slt, %sub3A_233, %lt3A_267 : i32
      %convert_element_type3A_269 = arith.extui %lt3A_268 : i1 to i32
      %cond3A_270 = arith.constant 0 : i32
      %cond3A_271 = arith.cmpi ne, %convert_element_type3A_269, %cond3A_270 : i32
      scf.if %cond3A_271 {
        %dma_start3A_316 = arith.constant 2 : i32
        %dma_start3A_317 = arith.constant 2 : i32
        %dma_start3A_318 = arith.constant 0 : i32
        %dma_start3A_319 = arith.constant 0 : i32
        %dma_start3A_320 = tpu.memref_slice %arg10[%dma_start3A_316, %dma_start3A_318, %dma_start3A_319] : memref<5x80x64xf32, #tpu.memory_space<vmem>> -> memref<1x80x64xf32, #tpu.memory_space<vmem>>
        %dma_start3A_321 = tpu.memref_squeeze %dma_start3A_320 : memref<1x80x64xf32, #tpu.memory_space<vmem>> -> memref<80x64xf32, #tpu.memory_space<vmem>>
        %dma_start3A_322 = arith.constant 0 : i32
        %dma_start3A_323 = tpu.memref_slice %arg7[%sub3A_233, %dma_start3A_322] : memref<125x80xi32, #tpu.memory_space<vmem>> -> memref<1x80xi32, #tpu.memory_space<vmem>>
        %dma_start3A_324 = tpu.memref_squeeze %dma_start3A_323 : memref<1x80xi32, #tpu.memory_space<vmem>> -> memref<80xi32, #tpu.memory_space<vmem>>
        %dma_start3A_325 = arith.constant 0 : i32
        %dma_start3A_326 = arith.constant 0 : i32
        %dma_start3A_327 = tpu.memref_slice %arg2[%dma_start3A_325, %dma_start3A_326] : memref<10000x64xf32, #tpu.memory_space<hbm>> -> memref<10000x64xf32, #tpu.memory_space<hbm>>
        %dma_start3A_328 = tpu.memref_slice %arg13[%dma_start3A_317] : memref<5x!tpu.dma_semaphore, #tpu.memory_space<semaphore_mem>> -> memref<1x!tpu.dma_semaphore, #tpu.memory_space<semaphore_mem>>
        %dma_start3A_329 = tpu.memref_squeeze %dma_start3A_328 : memref<1x!tpu.dma_semaphore, #tpu.memory_space<semaphore_mem>> -> memref<!tpu.dma_semaphore, #tpu.memory_space<semaphore_mem>>
        tpu.enqueue_indirect_dma source(%dma_start3A_327 : memref<10000x64xf32, #tpu.memory_space<hbm>>) target(%dma_start3A_321 : memref<80x64xf32, #tpu.memory_space<vmem>>) offsets(%dma_start3A_324 : memref<80xi32, #tpu.memory_space<vmem>>) semaphore(%dma_start3A_329 : memref<!tpu.dma_semaphore, #tpu.memory_space<semaphore_mem>>)
      } else {
      }
      %add3A_272 = arith.constant 4 : i32
      %add3A_273 = arith.addi %add3A_100, %add3A_272 : i32
      %add3A_274 = arith.constant 5 : i32
      %add3A_275 = arith.addi %add3A_273, %add3A_274 : i32
      %sub3A_276 = arith.constant 1 : i32
      %sub3A_277 = arith.subi %add3A_275, %sub3A_276 : i32
      %dma_wait3A_278 = arith.constant 4 : i32
      %dma_wait3A_279 = arith.constant 4 : i32
      %dma_wait3A_280 = arith.constant 0 : i32
      %dma_wait3A_281 = arith.constant 0 : i32
      %dma_wait3A_282 = tpu.memref_slice %arg10[%dma_wait3A_278, %dma_wait3A_280, %dma_wait3A_281] : memref<5x80x64xf32, #tpu.memory_space<vmem>> -> memref<1x80x64xf32, #tpu.memory_space<vmem>>
      %dma_wait3A_283 = tpu.memref_squeeze %dma_wait3A_282 : memref<1x80x64xf32, #tpu.memory_space<vmem>> -> memref<80x64xf32, #tpu.memory_space<vmem>>
      %dma_wait3A_284 = arith.constant 0 : i32
      %dma_wait3A_285 = tpu.memref_slice %arg7[%add3A_273, %dma_wait3A_284] : memref<125x80xi32, #tpu.memory_space<vmem>> -> memref<1x80xi32, #tpu.memory_space<vmem>>
      %dma_wait3A_286 = tpu.memref_squeeze %dma_wait3A_285 : memref<1x80xi32, #tpu.memory_space<vmem>> -> memref<80xi32, #tpu.memory_space<vmem>>
      %dma_wait3A_287 = arith.constant 0 : i32
      %dma_wait3A_288 = arith.constant 0 : i32
      %dma_wait3A_289 = tpu.memref_slice %arg2[%dma_wait3A_287, %dma_wait3A_288] : memref<10000x64xf32, #tpu.memory_space<hbm>> -> memref<10000x64xf32, #tpu.memory_space<hbm>>
      %dma_wait3A_290 = tpu.memref_slice %arg13[%dma_wait3A_279] : memref<5x!tpu.dma_semaphore, #tpu.memory_space<semaphore_mem>> -> memref<1x!tpu.dma_semaphore, #tpu.memory_space<semaphore_mem>>
      %dma_wait3A_291 = tpu.memref_squeeze %dma_wait3A_290 : memref<1x!tpu.dma_semaphore, #tpu.memory_space<semaphore_mem>> -> memref<!tpu.dma_semaphore, #tpu.memory_space<semaphore_mem>>
      tpu.wait_indirect_dma semaphore(%dma_wait3A_291 : memref<!tpu.dma_semaphore, #tpu.memory_space<semaphore_mem>>) src(%dma_wait3A_289 : memref<10000x64xf32, #tpu.memory_space<hbm>>) dst(%dma_wait3A_283 : memref<80x64xf32, #tpu.memory_space<vmem>>)
      %dma_start3A_292 = arith.constant 4 : i32
      %dma_start3A_293 = arith.constant 4 : i32
      %dma_start3A_294 = arith.constant 0 : i32
      %dma_start3A_295 = arith.constant 0 : i32
      %dma_start3A_296 = tpu.memref_slice %arg10[%dma_start3A_292, %dma_start3A_294, %dma_start3A_295] : memref<5x80x64xf32, #tpu.memory_space<vmem>> -> memref<1x80x64xf32, #tpu.memory_space<vmem>>
      %dma_start3A_297 = tpu.memref_squeeze %dma_start3A_296 : memref<1x80x64xf32, #tpu.memory_space<vmem>> -> memref<80x64xf32, #tpu.memory_space<vmem>>
      %dma_start3A_298 = arith.constant 0 : i32
      %dma_start3A_299 = tpu.memref_slice %arg8[%add3A_273, %dma_start3A_298] : memref<125x80xi32, #tpu.memory_space<vmem>> -> memref<1x80xi32, #tpu.memory_space<vmem>>
      %dma_start3A_300 = tpu.memref_squeeze %dma_start3A_299 : memref<1x80xi32, #tpu.memory_space<vmem>> -> memref<80xi32, #tpu.memory_space<vmem>>
      %dma_start3A_301 = arith.constant 0 : i32
      %dma_start3A_302 = arith.constant 0 : i32
      %dma_start3A_303 = tpu.memref_slice %arg12[%dma_start3A_301, %dma_start3A_302] : memref<10240x64xf32, #tpu.memory_space<vmem_shared>> -> memref<10240x64xf32, #tpu.memory_space<vmem_shared>>
      %dma_start3A_304 = tpu.memref_slice %arg14[%dma_start3A_293] : memref<5x!tpu.dma_semaphore, #tpu.memory_space<semaphore_mem>> -> memref<1x!tpu.dma_semaphore, #tpu.memory_space<semaphore_mem>>
      %dma_start3A_305 = tpu.memref_squeeze %dma_start3A_304 : memref<1x!tpu.dma_semaphore, #tpu.memory_space<semaphore_mem>> -> memref<!tpu.dma_semaphore, #tpu.memory_space<semaphore_mem>>
      tpu.enqueue_indirect_dma source(%dma_start3A_297 : memref<80x64xf32, #tpu.memory_space<vmem>>) target(%dma_start3A_303 : memref<10240x64xf32, #tpu.memory_space<vmem_shared>>) offsets(%dma_start3A_300 : memref<80xi32, #tpu.memory_space<vmem>>) semaphore(%dma_start3A_305 : memref<!tpu.dma_semaphore, #tpu.memory_space<semaphore_mem>>) {add = true}
      %gt3A_306 = arith.constant 0 : i32
      %gt3A_307 = arith.cmpi sgt, %add3A_273, %gt3A_306 : i32
      %convert_element_type3A_308 = arith.extui %gt3A_307 : i1 to i32
      %cond3A_309 = arith.constant 0 : i32
      %cond3A_310 = arith.cmpi ne, %convert_element_type3A_308, %cond3A_309 : i32
      scf.if %cond3A_310 {
        %sub3A_316 = arith.constant 1 : i32
        %sub3A_317 = arith.subi %add3A_273, %sub3A_316 : i32
        %dma_wait3A_318 = arith.constant 3 : i32
        %dma_wait3A_319 = arith.constant 3 : i32
        %dma_wait3A_320 = arith.constant 0 : i32
        %dma_wait3A_321 = arith.constant 0 : i32
        %dma_wait3A_322 = tpu.memref_slice %arg10[%dma_wait3A_318, %dma_wait3A_320, %dma_wait3A_321] : memref<5x80x64xf32, #tpu.memory_space<vmem>> -> memref<1x80x64xf32, #tpu.memory_space<vmem>>
        %dma_wait3A_323 = tpu.memref_squeeze %dma_wait3A_322 : memref<1x80x64xf32, #tpu.memory_space<vmem>> -> memref<80x64xf32, #tpu.memory_space<vmem>>
        %dma_wait3A_324 = arith.constant 0 : i32
        %dma_wait3A_325 = tpu.memref_slice %arg8[%sub3A_317, %dma_wait3A_324] : memref<125x80xi32, #tpu.memory_space<vmem>> -> memref<1x80xi32, #tpu.memory_space<vmem>>
        %dma_wait3A_326 = tpu.memref_squeeze %dma_wait3A_325 : memref<1x80xi32, #tpu.memory_space<vmem>> -> memref<80xi32, #tpu.memory_space<vmem>>
        %dma_wait3A_327 = arith.constant 0 : i32
        %dma_wait3A_328 = arith.constant 0 : i32
        %dma_wait3A_329 = tpu.memref_slice %arg12[%dma_wait3A_327, %dma_wait3A_328] : memref<10240x64xf32, #tpu.memory_space<vmem_shared>> -> memref<10240x64xf32, #tpu.memory_space<vmem_shared>>
        %dma_wait3A_330 = tpu.memref_slice %arg14[%dma_wait3A_319] : memref<5x!tpu.dma_semaphore, #tpu.memory_space<semaphore_mem>> -> memref<1x!tpu.dma_semaphore, #tpu.memory_space<semaphore_mem>>
        %dma_wait3A_331 = tpu.memref_squeeze %dma_wait3A_330 : memref<1x!tpu.dma_semaphore, #tpu.memory_space<semaphore_mem>> -> memref<!tpu.dma_semaphore, #tpu.memory_space<semaphore_mem>>
        tpu.wait_indirect_dma semaphore(%dma_wait3A_331 : memref<!tpu.dma_semaphore, #tpu.memory_space<semaphore_mem>>) src(%dma_wait3A_323 : memref<80x64xf32, #tpu.memory_space<vmem>>) dst(%dma_wait3A_329 : memref<10240x64xf32, #tpu.memory_space<vmem_shared>>)
      } else {
      }
      %lt3A_311 = arith.constant 125 : i32
      %lt3A_312 = arith.cmpi slt, %sub3A_277, %lt3A_311 : i32
      %convert_element_type3A_313 = arith.extui %lt3A_312 : i1 to i32
      %cond3A_314 = arith.constant 0 : i32
      %cond3A_315 = arith.cmpi ne, %convert_element_type3A_313, %cond3A_314 : i32
      scf.if %cond3A_315 {
        %dma_start3A_316 = arith.constant 3 : i32
        %dma_start3A_317 = arith.constant 3 : i32
        %dma_start3A_318 = arith.constant 0 : i32
        %dma_start3A_319 = arith.constant 0 : i32
        %dma_start3A_320 = tpu.memref_slice %arg10[%dma_start3A_316, %dma_start3A_318, %dma_start3A_319] : memref<5x80x64xf32, #tpu.memory_space<vmem>> -> memref<1x80x64xf32, #tpu.memory_space<vmem>>
        %dma_start3A_321 = tpu.memref_squeeze %dma_start3A_320 : memref<1x80x64xf32, #tpu.memory_space<vmem>> -> memref<80x64xf32, #tpu.memory_space<vmem>>
        %dma_start3A_322 = arith.constant 0 : i32
        %dma_start3A_323 = tpu.memref_slice %arg7[%sub3A_277, %dma_start3A_322] : memref<125x80xi32, #tpu.memory_space<vmem>> -> memref<1x80xi32, #tpu.memory_space<vmem>>
        %dma_start3A_324 = tpu.memref_squeeze %dma_start3A_323 : memref<1x80xi32, #tpu.memory_space<vmem>> -> memref<80xi32, #tpu.memory_space<vmem>>
        %dma_start3A_325 = arith.constant 0 : i32
        %dma_start3A_326 = arith.constant 0 : i32
        %dma_start3A_327 = tpu.memref_slice %arg2[%dma_start3A_325, %dma_start3A_326] : memref<10000x64xf32, #tpu.memory_space<hbm>> -> memref<10000x64xf32, #tpu.memory_space<hbm>>
        %dma_start3A_328 = tpu.memref_slice %arg13[%dma_start3A_317] : memref<5x!tpu.dma_semaphore, #tpu.memory_space<semaphore_mem>> -> memref<1x!tpu.dma_semaphore, #tpu.memory_space<semaphore_mem>>
        %dma_start3A_329 = tpu.memref_squeeze %dma_start3A_328 : memref<1x!tpu.dma_semaphore, #tpu.memory_space<semaphore_mem>> -> memref<!tpu.dma_semaphore, #tpu.memory_space<semaphore_mem>>
        tpu.enqueue_indirect_dma source(%dma_start3A_327 : memref<10000x64xf32, #tpu.memory_space<hbm>>) target(%dma_start3A_321 : memref<80x64xf32, #tpu.memory_space<vmem>>) offsets(%dma_start3A_324 : memref<80xi32, #tpu.memory_space<vmem>>) semaphore(%dma_start3A_329 : memref<!tpu.dma_semaphore, #tpu.memory_space<semaphore_mem>>)
      } else {
      }
    }
    %scan3A_80 = arith.constant 25 : i32
    %dma_wait3A = arith.constant 4 : i32
    %dma_wait3A_81 = arith.constant 124 : i32
    %dma_wait3A_82 = arith.constant 4 : i32
    %dma_wait3A_83 = arith.constant 0 : i32
    %dma_wait3A_84 = arith.constant 0 : i32
    %dma_wait3A_85 = tpu.memref_slice %arg10[%dma_wait3A, %dma_wait3A_83, %dma_wait3A_84] : memref<5x80x64xf32, #tpu.memory_space<vmem>> -> memref<1x80x64xf32, #tpu.memory_space<vmem>>
    %dma_wait3A_86 = tpu.memref_squeeze %dma_wait3A_85 : memref<1x80x64xf32, #tpu.memory_space<vmem>> -> memref<80x64xf32, #tpu.memory_space<vmem>>
    %dma_wait3A_87 = arith.constant 0 : i32
    %dma_wait3A_88 = tpu.memref_slice %arg8[%dma_wait3A_81, %dma_wait3A_87] : memref<125x80xi32, #tpu.memory_space<vmem>> -> memref<1x80xi32, #tpu.memory_space<vmem>>
    %dma_wait3A_89 = tpu.memref_squeeze %dma_wait3A_88 : memref<1x80xi32, #tpu.memory_space<vmem>> -> memref<80xi32, #tpu.memory_space<vmem>>
    %dma_wait3A_90 = arith.constant 0 : i32
    %dma_wait3A_91 = arith.constant 0 : i32
    %dma_wait3A_92 = tpu.memref_slice %arg12[%dma_wait3A_90, %dma_wait3A_91] : memref<10240x64xf32, #tpu.memory_space<vmem_shared>> -> memref<10240x64xf32, #tpu.memory_space<vmem_shared>>
    %dma_wait3A_93 = tpu.memref_slice %arg14[%dma_wait3A_82] : memref<5x!tpu.dma_semaphore, #tpu.memory_space<semaphore_mem>> -> memref<1x!tpu.dma_semaphore, #tpu.memory_space<semaphore_mem>>
    %dma_wait3A_94 = tpu.memref_squeeze %dma_wait3A_93 : memref<1x!tpu.dma_semaphore, #tpu.memory_space<semaphore_mem>> -> memref<!tpu.dma_semaphore, #tpu.memory_space<semaphore_mem>>
    tpu.wait_indirect_dma semaphore(%dma_wait3A_94 : memref<!tpu.dma_semaphore, #tpu.memory_space<semaphore_mem>>) src(%dma_wait3A_86 : memref<80x64xf32, #tpu.memory_space<vmem>>) dst(%dma_wait3A_92 : memref<10240x64xf32, #tpu.memory_space<vmem_shared>>)
    %barrier3A_95 = arith.constant 0 : index
    tpu.barrier barrier_id(%barrier3A_95)
    "tpu.region"() ({
      %run_scoped3A = tpu.sem_alloc : memref<!tpu.dma_semaphore, #tpu.memory_space<semaphore_mem>>
      %dma_start3A_96 = arith.constant 0 : i32
      %dma_start3A_97 = tpu.memref_slice %arg6[%arg0, %multiple_of3A, %dma_start3A_96] : memref<2x10240x64xf32, #tpu.memory_space<hbm>> -> memref<1x640x64xf32, #tpu.memory_space<hbm>>
      %dma_start3A_98 = tpu.memref_squeeze %dma_start3A_97 : memref<1x640x64xf32, #tpu.memory_space<hbm>> -> memref<640x64xf32, #tpu.memory_space<hbm>>
      %dma_start3A_99 = arith.constant 0 : i32
      %dma_start3A_100 = tpu.memref_slice %arg12[%multiple_of3A, %dma_start3A_99] : memref<10240x64xf32, #tpu.memory_space<vmem_shared>> -> memref<640x64xf32, #tpu.memory_space<vmem_shared>>
      tpu.enqueue_dma source(%dma_start3A_100 : memref<640x64xf32, #tpu.memory_space<vmem_shared>>) target(%dma_start3A_98 : memref<640x64xf32, #tpu.memory_space<hbm>>) target_semaphore(%run_scoped3A : memref<!tpu.dma_semaphore, #tpu.memory_space<semaphore_mem>>)
      %dma_wait3A_101 = arith.constant 0 : i32
      %dma_wait3A_102 = tpu.memref_slice %arg6[%arg0, %multiple_of3A, %dma_wait3A_101] : memref<2x10240x64xf32, #tpu.memory_space<hbm>> -> memref<1x640x64xf32, #tpu.memory_space<hbm>>
      %dma_wait3A_103 = tpu.memref_squeeze %dma_wait3A_102 : memref<1x640x64xf32, #tpu.memory_space<hbm>> -> memref<640x64xf32, #tpu.memory_space<hbm>>
      %dma_wait3A_104 = arith.constant 0 : i32
      %dma_wait3A_105 = tpu.memref_slice %arg12[%multiple_of3A, %dma_wait3A_104] : memref<10240x64xf32, #tpu.memory_space<vmem_shared>> -> memref<640x64xf32, #tpu.memory_space<vmem_shared>>
      tpu.wait_dma2 semaphore(%run_scoped3A : memref<!tpu.dma_semaphore, #tpu.memory_space<semaphore_mem>>) src(%dma_wait3A_105 : memref<640x64xf32, #tpu.memory_space<vmem_shared>>) dst(%dma_wait3A_103 : memref<640x64xf32, #tpu.memory_space<hbm>>)
      tpu.yield
    }) : () -> ()
    return
  }
}

#map = affine_map<(d0, d1) -> (0, 0)>
#map1 = affine_map<(d0, d1) -> (0, 0, 0)>
module attributes {stable_mosaic.version = 14 : i64} {
  func.func @spmm(%arg0: i32, %arg1: i32, %arg2: memref<10000x48xf32, #tpu.memory_space<hbm>>, %arg3: memref<32x125x80xi32, #tpu.memory_space<hbm>>, %arg4: memref<32x125x80xi32, #tpu.memory_space<hbm>>, %arg5: memref<32x125x80xf32, #tpu.memory_space<hbm>>, %arg6: memref<2x10240x48xf32, #tpu.memory_space<hbm>>, %arg7: memref<125x80xi32, #tpu.memory_space<vmem>>, %arg8: memref<125x80xi32, #tpu.memory_space<vmem>>, %arg9: memref<125x80xf32, #tpu.memory_space<vmem>>, %arg10: memref<5x80x48xf32, #tpu.memory_space<vmem>>, %arg11: memref<128x48xf32, #tpu.memory_space<vmem>>, %arg12: memref<10240x48xf32, #tpu.memory_space<vmem_shared>>, %arg13: memref<5x!tpu.dma_semaphore, #tpu.memory_space<semaphore_mem>>, %arg14: memref<5x!tpu.dma_semaphore, #tpu.memory_space<semaphore_mem>>) attributes {dimension_semantics = [#tpu.dimension_semantics<core_parallel>, #tpu.dimension_semantics<subcore_parallel>], iteration_bounds = array<i64: 2, 16>, scalar_prefetch = 0 : i64, scratch_operands = 8 : i64, tpu.core_type = #tpu.core_type<sc_vector_subcore>, window_params = [{transform_indices = #map}, {transform_indices = #map1}, {transform_indices = #map1}, {transform_indices = #map1}, {transform_indices = #map1}]} {
    %mul3A = arith.constant 2 : i32
    %mul3A_0 = arith.muli %arg1, %mul3A : i32
    %add3A = arith.addi %mul3A_0, %arg0 : i32
    %scan3A = arith.constant 0 : i32
    %scan3A_1 = arith.constant 128 : i32
    %scan3A_2 = arith.addi %scan3A, %scan3A_1 : i32
    %scan3A_3 = arith.constant 1 : i32
    scf.for %scan3A_96 = %scan3A to %scan3A_2 step %scan3A_3  : i32 {
      %broadcast_in_dim3A = arith.constant 0.000000e+00 : f32
      %broadcast_in_dim3A_97 = vector.broadcast %broadcast_in_dim3A : f32 to vector<16xf32>
      %swap3A = arith.index_cast %scan3A_96 : i32 to index
      %swap3A_98 = arith.constant 0 : index
      %swap3A_99 = tpu.vector_load %arg11[%swap3A, %swap3A_98] {strides = array<i32>} : memref<128x48xf32, #tpu.memory_space<vmem>>, vector<1x16xf32>,
      %swap3A_100 = vector.shape_cast %swap3A_99 : vector<1x16xf32> to vector<16xf32>
      %swap3A_101 = vector.shape_cast %broadcast_in_dim3A_97 : vector<16xf32> to vector<1x16xf32>
      tpu.vector_store %arg11[%swap3A, %swap3A_98], %swap3A_101 {strides = array<i32>} : memref<128x48xf32, #tpu.memory_space<vmem>>, vector<1x16xf32>,
      %broadcast_in_dim3A_102 = arith.constant 0.000000e+00 : f32
      %broadcast_in_dim3A_103 = vector.broadcast %broadcast_in_dim3A_102 : f32 to vector<16xf32>
      %swap3A_104 = arith.index_cast %scan3A_96 : i32 to index
      %swap3A_105 = arith.constant 16 : index
      %swap3A_106 = tpu.vector_load %arg11[%swap3A_104, %swap3A_105] {strides = array<i32>} : memref<128x48xf32, #tpu.memory_space<vmem>>, vector<1x16xf32>,
      %swap3A_107 = vector.shape_cast %swap3A_106 : vector<1x16xf32> to vector<16xf32>
      %swap3A_108 = vector.shape_cast %broadcast_in_dim3A_103 : vector<16xf32> to vector<1x16xf32>
      tpu.vector_store %arg11[%swap3A_104, %swap3A_105], %swap3A_108 {strides = array<i32>} : memref<128x48xf32, #tpu.memory_space<vmem>>, vector<1x16xf32>,
      %broadcast_in_dim3A_109 = arith.constant 0.000000e+00 : f32
      %broadcast_in_dim3A_110 = vector.broadcast %broadcast_in_dim3A_109 : f32 to vector<16xf32>
      %swap3A_111 = arith.index_cast %scan3A_96 : i32 to index
      %swap3A_112 = arith.constant 32 : index
      %swap3A_113 = tpu.vector_load %arg11[%swap3A_111, %swap3A_112] {strides = array<i32>} : memref<128x48xf32, #tpu.memory_space<vmem>>, vector<1x16xf32>,
      %swap3A_114 = vector.shape_cast %swap3A_113 : vector<1x16xf32> to vector<16xf32>
      %swap3A_115 = vector.shape_cast %broadcast_in_dim3A_110 : vector<16xf32> to vector<1x16xf32>
      tpu.vector_store %arg11[%swap3A_111, %swap3A_112], %swap3A_115 {strides = array<i32>} : memref<128x48xf32, #tpu.memory_space<vmem>>, vector<1x16xf32>,
    }
    %scan3A_4 = arith.constant 128 : i32
    %mul3A_5 = arith.constant 640 : i32
    %mul3A_6 = arith.muli %arg1, %mul3A_5 : i32
    %multiple_of3A = tpu.assume_multiple %mul3A_6, 8 : i32
    %add3A_7 = arith.constant 0 : i32
    %add3A_8 = arith.addi %multiple_of3A, %add3A_7 : i32
    "tpu.region"() ({
      %run_scoped3A = tpu.sem_alloc : memref<!tpu.dma_semaphore, #tpu.memory_space<semaphore_mem>>
      %dma_start3A_96 = arith.constant 0 : i32
      %dma_start3A_97 = tpu.memref_slice %arg12[%add3A_8, %dma_start3A_96] : memref<10240x48xf32, #tpu.memory_space<vmem_shared>> -> memref<128x48xf32, #tpu.memory_space<vmem_shared>>
      %dma_start3A_98 = arith.constant 0 : i32
      %dma_start3A_99 = tpu.memref_slice %arg12[%add3A_8, %dma_start3A_98] : memref<10240x48xf32, #tpu.memory_space<vmem_shared>> -> memref<128x48xf32, #tpu.memory_space<vmem_shared>>
      tpu.enqueue_dma source(%arg11 : memref<128x48xf32, #tpu.memory_space<vmem>>) target(%dma_start3A_99 : memref<128x48xf32, #tpu.memory_space<vmem_shared>>) target_semaphore(%run_scoped3A : memref<!tpu.dma_semaphore, #tpu.memory_space<semaphore_mem>>)
      %dma_wait3A_100 = arith.constant 0 : i32
      %dma_wait3A_101 = tpu.memref_slice %arg12[%add3A_8, %dma_wait3A_100] : memref<10240x48xf32, #tpu.memory_space<vmem_shared>> -> memref<128x48xf32, #tpu.memory_space<vmem_shared>>
      %dma_wait3A_102 = arith.constant 0 : i32
      %dma_wait3A_103 = tpu.memref_slice %arg12[%add3A_8, %dma_wait3A_102] : memref<10240x48xf32, #tpu.memory_space<vmem_shared>> -> memref<128x48xf32, #tpu.memory_space<vmem_shared>>
      tpu.wait_dma2 semaphore(%run_scoped3A : memref<!tpu.dma_semaphore, #tpu.memory_space<semaphore_mem>>) src(%arg11 : memref<128x48xf32, #tpu.memory_space<vmem>>) dst(%dma_wait3A_103 : memref<128x48xf32, #tpu.memory_space<vmem_shared>>)
      tpu.yield
    }) : () -> ()
    %add3A_9 = arith.constant 128 : i32
    %add3A_10 = arith.addi %multiple_of3A, %add3A_9 : i32
    "tpu.region"() ({
      %run_scoped3A = tpu.sem_alloc : memref<!tpu.dma_semaphore, #tpu.memory_space<semaphore_mem>>
      %dma_start3A_96 = arith.constant 0 : i32
      %dma_start3A_97 = tpu.memref_slice %arg12[%add3A_10, %dma_start3A_96] : memref<10240x48xf32, #tpu.memory_space<vmem_shared>> -> memref<128x48xf32, #tpu.memory_space<vmem_shared>>
      %dma_start3A_98 = arith.constant 0 : i32
      %dma_start3A_99 = tpu.memref_slice %arg12[%add3A_10, %dma_start3A_98] : memref<10240x48xf32, #tpu.memory_space<vmem_shared>> -> memref<128x48xf32, #tpu.memory_space<vmem_shared>>
      tpu.enqueue_dma source(%arg11 : memref<128x48xf32, #tpu.memory_space<vmem>>) target(%dma_start3A_99 : memref<128x48xf32, #tpu.memory_space<vmem_shared>>) target_semaphore(%run_scoped3A : memref<!tpu.dma_semaphore, #tpu.memory_space<semaphore_mem>>)
      %dma_wait3A_100 = arith.constant 0 : i32
      %dma_wait3A_101 = tpu.memref_slice %arg12[%add3A_10, %dma_wait3A_100] : memref<10240x48xf32, #tpu.memory_space<vmem_shared>> -> memref<128x48xf32, #tpu.memory_space<vmem_shared>>
      %dma_wait3A_102 = arith.constant 0 : i32
      %dma_wait3A_103 = tpu.memref_slice %arg12[%add3A_10, %dma_wait3A_102] : memref<10240x48xf32, #tpu.memory_space<vmem_shared>> -> memref<128x48xf32, #tpu.memory_space<vmem_shared>>
      tpu.wait_dma2 semaphore(%run_scoped3A : memref<!tpu.dma_semaphore, #tpu.memory_space<semaphore_mem>>) src(%arg11 : memref<128x48xf32, #tpu.memory_space<vmem>>) dst(%dma_wait3A_103 : memref<128x48xf32, #tpu.memory_space<vmem_shared>>)
      tpu.yield
    }) : () -> ()
    %add3A_11 = arith.constant 256 : i32
    %add3A_12 = arith.addi %multiple_of3A, %add3A_11 : i32
    "tpu.region"() ({
      %run_scoped3A = tpu.sem_alloc : memref<!tpu.dma_semaphore, #tpu.memory_space<semaphore_mem>>
      %dma_start3A_96 = arith.constant 0 : i32
      %dma_start3A_97 = tpu.memref_slice %arg12[%add3A_12, %dma_start3A_96] : memref<10240x48xf32, #tpu.memory_space<vmem_shared>> -> memref<128x48xf32, #tpu.memory_space<vmem_shared>>
      %dma_start3A_98 = arith.constant 0 : i32
      %dma_start3A_99 = tpu.memref_slice %arg12[%add3A_12, %dma_start3A_98] : memref<10240x48xf32, #tpu.memory_space<vmem_shared>> -> memref<128x48xf32, #tpu.memory_space<vmem_shared>>
      tpu.enqueue_dma source(%arg11 : memref<128x48xf32, #tpu.memory_space<vmem>>) target(%dma_start3A_99 : memref<128x48xf32, #tpu.memory_space<vmem_shared>>) target_semaphore(%run_scoped3A : memref<!tpu.dma_semaphore, #tpu.memory_space<semaphore_mem>>)
      %dma_wait3A_100 = arith.constant 0 : i32
      %dma_wait3A_101 = tpu.memref_slice %arg12[%add3A_12, %dma_wait3A_100] : memref<10240x48xf32, #tpu.memory_space<vmem_shared>> -> memref<128x48xf32, #tpu.memory_space<vmem_shared>>
      %dma_wait3A_102 = arith.constant 0 : i32
      %dma_wait3A_103 = tpu.memref_slice %arg12[%add3A_12, %dma_wait3A_102] : memref<10240x48xf32, #tpu.memory_space<vmem_shared>> -> memref<128x48xf32, #tpu.memory_space<vmem_shared>>
      tpu.wait_dma2 semaphore(%run_scoped3A : memref<!tpu.dma_semaphore, #tpu.memory_space<semaphore_mem>>) src(%arg11 : memref<128x48xf32, #tpu.memory_space<vmem>>) dst(%dma_wait3A_103 : memref<128x48xf32, #tpu.memory_space<vmem_shared>>)
      tpu.yield
    }) : () -> ()
    %add3A_13 = arith.constant 384 : i32
    %add3A_14 = arith.addi %multiple_of3A, %add3A_13 : i32
    "tpu.region"() ({
      %run_scoped3A = tpu.sem_alloc : memref<!tpu.dma_semaphore, #tpu.memory_space<semaphore_mem>>
      %dma_start3A_96 = arith.constant 0 : i32
      %dma_start3A_97 = tpu.memref_slice %arg12[%add3A_14, %dma_start3A_96] : memref<10240x48xf32, #tpu.memory_space<vmem_shared>> -> memref<128x48xf32, #tpu.memory_space<vmem_shared>>
      %dma_start3A_98 = arith.constant 0 : i32
      %dma_start3A_99 = tpu.memref_slice %arg12[%add3A_14, %dma_start3A_98] : memref<10240x48xf32, #tpu.memory_space<vmem_shared>> -> memref<128x48xf32, #tpu.memory_space<vmem_shared>>
      tpu.enqueue_dma source(%arg11 : memref<128x48xf32, #tpu.memory_space<vmem>>) target(%dma_start3A_99 : memref<128x48xf32, #tpu.memory_space<vmem_shared>>) target_semaphore(%run_scoped3A : memref<!tpu.dma_semaphore, #tpu.memory_space<semaphore_mem>>)
      %dma_wait3A_100 = arith.constant 0 : i32
      %dma_wait3A_101 = tpu.memref_slice %arg12[%add3A_14, %dma_wait3A_100] : memref<10240x48xf32, #tpu.memory_space<vmem_shared>> -> memref<128x48xf32, #tpu.memory_space<vmem_shared>>
      %dma_wait3A_102 = arith.constant 0 : i32
      %dma_wait3A_103 = tpu.memref_slice %arg12[%add3A_14, %dma_wait3A_102] : memref<10240x48xf32, #tpu.memory_space<vmem_shared>> -> memref<128x48xf32, #tpu.memory_space<vmem_shared>>
      tpu.wait_dma2 semaphore(%run_scoped3A : memref<!tpu.dma_semaphore, #tpu.memory_space<semaphore_mem>>) src(%arg11 : memref<128x48xf32, #tpu.memory_space<vmem>>) dst(%dma_wait3A_103 : memref<128x48xf32, #tpu.memory_space<vmem_shared>>)
      tpu.yield
    }) : () -> ()
    %add3A_15 = arith.constant 512 : i32
    %add3A_16 = arith.addi %multiple_of3A, %add3A_15 : i32
    "tpu.region"() ({
      %run_scoped3A = tpu.sem_alloc : memref<!tpu.dma_semaphore, #tpu.memory_space<semaphore_mem>>
      %dma_start3A_96 = arith.constant 0 : i32
      %dma_start3A_97 = tpu.memref_slice %arg12[%add3A_16, %dma_start3A_96] : memref<10240x48xf32, #tpu.memory_space<vmem_shared>> -> memref<128x48xf32, #tpu.memory_space<vmem_shared>>
      %dma_start3A_98 = arith.constant 0 : i32
      %dma_start3A_99 = tpu.memref_slice %arg12[%add3A_16, %dma_start3A_98] : memref<10240x48xf32, #tpu.memory_space<vmem_shared>> -> memref<128x48xf32, #tpu.memory_space<vmem_shared>>
      tpu.enqueue_dma source(%arg11 : memref<128x48xf32, #tpu.memory_space<vmem>>) target(%dma_start3A_99 : memref<128x48xf32, #tpu.memory_space<vmem_shared>>) target_semaphore(%run_scoped3A : memref<!tpu.dma_semaphore, #tpu.memory_space<semaphore_mem>>)
      %dma_wait3A_100 = arith.constant 0 : i32
      %dma_wait3A_101 = tpu.memref_slice %arg12[%add3A_16, %dma_wait3A_100] : memref<10240x48xf32, #tpu.memory_space<vmem_shared>> -> memref<128x48xf32, #tpu.memory_space<vmem_shared>>
      %dma_wait3A_102 = arith.constant 0 : i32
      %dma_wait3A_103 = tpu.memref_slice %arg12[%add3A_16, %dma_wait3A_102] : memref<10240x48xf32, #tpu.memory_space<vmem_shared>> -> memref<128x48xf32, #tpu.memory_space<vmem_shared>>
      tpu.wait_dma2 semaphore(%run_scoped3A : memref<!tpu.dma_semaphore, #tpu.memory_space<semaphore_mem>>) src(%arg11 : memref<128x48xf32, #tpu.memory_space<vmem>>) dst(%dma_wait3A_103 : memref<128x48xf32, #tpu.memory_space<vmem_shared>>)
      tpu.yield
    }) : () -> ()
    "tpu.region"() ({
      %run_scoped3A = tpu.sem_alloc : memref<!tpu.dma_semaphore, #tpu.memory_space<semaphore_mem>>
      %dma_start3A_96 = arith.constant 0 : i32
      %dma_start3A_97 = arith.constant 0 : i32
      %dma_start3A_98 = tpu.memref_slice %arg3[%add3A, %dma_start3A_96, %dma_start3A_97] : memref<32x125x80xi32, #tpu.memory_space<hbm>> -> memref<1x125x80xi32, #tpu.memory_space<hbm>>
      %dma_start3A_99 = tpu.memref_squeeze %dma_start3A_98 : memref<1x125x80xi32, #tpu.memory_space<hbm>> -> memref<125x80xi32, #tpu.memory_space<hbm>>
      %dma_start3A_100 = arith.constant 0 : i32
      %dma_start3A_101 = arith.constant 0 : i32
      %dma_start3A_102 = tpu.memref_slice %arg3[%add3A, %dma_start3A_100, %dma_start3A_101] : memref<32x125x80xi32, #tpu.memory_space<hbm>> -> memref<1x125x80xi32, #tpu.memory_space<hbm>>
      %dma_start3A_103 = tpu.memref_squeeze %dma_start3A_102 : memref<1x125x80xi32, #tpu.memory_space<hbm>> -> memref<125x80xi32, #tpu.memory_space<hbm>>
      tpu.enqueue_dma source(%dma_start3A_103 : memref<125x80xi32, #tpu.memory_space<hbm>>) target(%arg7 : memref<125x80xi32, #tpu.memory_space<vmem>>) target_semaphore(%run_scoped3A : memref<!tpu.dma_semaphore, #tpu.memory_space<semaphore_mem>>)
      %dma_wait3A_104 = arith.constant 0 : i32
      %dma_wait3A_105 = arith.constant 0 : i32
      %dma_wait3A_106 = tpu.memref_slice %arg3[%add3A, %dma_wait3A_104, %dma_wait3A_105] : memref<32x125x80xi32, #tpu.memory_space<hbm>> -> memref<1x125x80xi32, #tpu.memory_space<hbm>>
      %dma_wait3A_107 = tpu.memref_squeeze %dma_wait3A_106 : memref<1x125x80xi32, #tpu.memory_space<hbm>> -> memref<125x80xi32, #tpu.memory_space<hbm>>
      %dma_wait3A_108 = arith.constant 0 : i32
      %dma_wait3A_109 = arith.constant 0 : i32
      %dma_wait3A_110 = tpu.memref_slice %arg3[%add3A, %dma_wait3A_108, %dma_wait3A_109] : memref<32x125x80xi32, #tpu.memory_space<hbm>> -> memref<1x125x80xi32, #tpu.memory_space<hbm>>
      %dma_wait3A_111 = tpu.memref_squeeze %dma_wait3A_110 : memref<1x125x80xi32, #tpu.memory_space<hbm>> -> memref<125x80xi32, #tpu.memory_space<hbm>>
      tpu.wait_dma2 semaphore(%run_scoped3A : memref<!tpu.dma_semaphore, #tpu.memory_space<semaphore_mem>>) src(%dma_wait3A_111 : memref<125x80xi32, #tpu.memory_space<hbm>>) dst(%arg7 : memref<125x80xi32, #tpu.memory_space<vmem>>)
      tpu.yield
    }) : () -> ()
    "tpu.region"() ({
      %run_scoped3A = tpu.sem_alloc : memref<!tpu.dma_semaphore, #tpu.memory_space<semaphore_mem>>
      %dma_start3A_96 = arith.constant 0 : i32
      %dma_start3A_97 = arith.constant 0 : i32
      %dma_start3A_98 = tpu.memref_slice %arg4[%add3A, %dma_start3A_96, %dma_start3A_97] : memref<32x125x80xi32, #tpu.memory_space<hbm>> -> memref<1x125x80xi32, #tpu.memory_space<hbm>>
      %dma_start3A_99 = tpu.memref_squeeze %dma_start3A_98 : memref<1x125x80xi32, #tpu.memory_space<hbm>> -> memref<125x80xi32, #tpu.memory_space<hbm>>
      %dma_start3A_100 = arith.constant 0 : i32
      %dma_start3A_101 = arith.constant 0 : i32
      %dma_start3A_102 = tpu.memref_slice %arg4[%add3A, %dma_start3A_100, %dma_start3A_101] : memref<32x125x80xi32, #tpu.memory_space<hbm>> -> memref<1x125x80xi32, #tpu.memory_space<hbm>>
      %dma_start3A_103 = tpu.memref_squeeze %dma_start3A_102 : memref<1x125x80xi32, #tpu.memory_space<hbm>> -> memref<125x80xi32, #tpu.memory_space<hbm>>
      tpu.enqueue_dma source(%dma_start3A_103 : memref<125x80xi32, #tpu.memory_space<hbm>>) target(%arg8 : memref<125x80xi32, #tpu.memory_space<vmem>>) target_semaphore(%run_scoped3A : memref<!tpu.dma_semaphore, #tpu.memory_space<semaphore_mem>>)
      %dma_wait3A_104 = arith.constant 0 : i32
      %dma_wait3A_105 = arith.constant 0 : i32
      %dma_wait3A_106 = tpu.memref_slice %arg4[%add3A, %dma_wait3A_104, %dma_wait3A_105] : memref<32x125x80xi32, #tpu.memory_space<hbm>> -> memref<1x125x80xi32, #tpu.memory_space<hbm>>
      %dma_wait3A_107 = tpu.memref_squeeze %dma_wait3A_106 : memref<1x125x80xi32, #tpu.memory_space<hbm>> -> memref<125x80xi32, #tpu.memory_space<hbm>>
      %dma_wait3A_108 = arith.constant 0 : i32
      %dma_wait3A_109 = arith.constant 0 : i32
      %dma_wait3A_110 = tpu.memref_slice %arg4[%add3A, %dma_wait3A_108, %dma_wait3A_109] : memref<32x125x80xi32, #tpu.memory_space<hbm>> -> memref<1x125x80xi32, #tpu.memory_space<hbm>>
      %dma_wait3A_111 = tpu.memref_squeeze %dma_wait3A_110 : memref<1x125x80xi32, #tpu.memory_space<hbm>> -> memref<125x80xi32, #tpu.memory_space<hbm>>
      tpu.wait_dma2 semaphore(%run_scoped3A : memref<!tpu.dma_semaphore, #tpu.memory_space<semaphore_mem>>) src(%dma_wait3A_111 : memref<125x80xi32, #tpu.memory_space<hbm>>) dst(%arg8 : memref<125x80xi32, #tpu.memory_space<vmem>>)
      tpu.yield
    }) : () -> ()
    "tpu.region"() ({
      %run_scoped3A = tpu.sem_alloc : memref<!tpu.dma_semaphore, #tpu.memory_space<semaphore_mem>>
      %dma_start3A_96 = arith.constant 0 : i32
      %dma_start3A_97 = arith.constant 0 : i32
      %dma_start3A_98 = tpu.memref_slice %arg5[%add3A, %dma_start3A_96, %dma_start3A_97] : memref<32x125x80xf32, #tpu.memory_space<hbm>> -> memref<1x125x80xf32, #tpu.memory_space<hbm>>
      %dma_start3A_99 = tpu.memref_squeeze %dma_start3A_98 : memref<1x125x80xf32, #tpu.memory_space<hbm>> -> memref<125x80xf32, #tpu.memory_space<hbm>>
      %dma_start3A_100 = arith.constant 0 : i32
      %dma_start3A_101 = arith.constant 0 : i32
      %dma_start3A_102 = tpu.memref_slice %arg5[%add3A, %dma_start3A_100, %dma_start3A_101] : memref<32x125x80xf32, #tpu.memory_space<hbm>> -> memref<1x125x80xf32, #tpu.memory_space<hbm>>
      %dma_start3A_103 = tpu.memref_squeeze %dma_start3A_102 : memref<1x125x80xf32, #tpu.memory_space<hbm>> -> memref<125x80xf32, #tpu.memory_space<hbm>>
      tpu.enqueue_dma source(%dma_start3A_103 : memref<125x80xf32, #tpu.memory_space<hbm>>) target(%arg9 : memref<125x80xf32, #tpu.memory_space<vmem>>) target_semaphore(%run_scoped3A : memref<!tpu.dma_semaphore, #tpu.memory_space<semaphore_mem>>)
      %dma_wait3A_104 = arith.constant 0 : i32
      %dma_wait3A_105 = arith.constant 0 : i32
      %dma_wait3A_106 = tpu.memref_slice %arg5[%add3A, %dma_wait3A_104, %dma_wait3A_105] : memref<32x125x80xf32, #tpu.memory_space<hbm>> -> memref<1x125x80xf32, #tpu.memory_space<hbm>>
      %dma_wait3A_107 = tpu.memref_squeeze %dma_wait3A_106 : memref<1x125x80xf32, #tpu.memory_space<hbm>> -> memref<125x80xf32, #tpu.memory_space<hbm>>
      %dma_wait3A_108 = arith.constant 0 : i32
      %dma_wait3A_109 = arith.constant 0 : i32
      %dma_wait3A_110 = tpu.memref_slice %arg5[%add3A, %dma_wait3A_108, %dma_wait3A_109] : memref<32x125x80xf32, #tpu.memory_space<hbm>> -> memref<1x125x80xf32, #tpu.memory_space<hbm>>
      %dma_wait3A_111 = tpu.memref_squeeze %dma_wait3A_110 : memref<1x125x80xf32, #tpu.memory_space<hbm>> -> memref<125x80xf32, #tpu.memory_space<hbm>>
      tpu.wait_dma2 semaphore(%run_scoped3A : memref<!tpu.dma_semaphore, #tpu.memory_space<semaphore_mem>>) src(%dma_wait3A_111 : memref<125x80xf32, #tpu.memory_space<hbm>>) dst(%arg9 : memref<125x80xf32, #tpu.memory_space<vmem>>)
      tpu.yield
    }) : () -> ()
    %barrier3A = arith.constant 0 : index
    tpu.barrier barrier_id(%barrier3A)
    %dma_start3A = arith.constant 0 : i32
    %dma_start3A_17 = arith.constant 0 : i32
    %dma_start3A_18 = arith.constant 0 : i32
    %dma_start3A_19 = arith.constant 0 : i32
    %dma_start3A_20 = arith.constant 0 : i32
    %dma_start3A_21 = tpu.memref_slice %arg10[%dma_start3A_17, %dma_start3A_19, %dma_start3A_20] : memref<5x80x48xf32, #tpu.memory_space<vmem>> -> memref<1x80x48xf32, #tpu.memory_space<vmem>>
    %dma_start3A_22 = tpu.memref_squeeze %dma_start3A_21 : memref<1x80x48xf32, #tpu.memory_space<vmem>> -> memref<80x48xf32, #tpu.memory_space<vmem>>
    %dma_start3A_23 = arith.constant 0 : i32
    %dma_start3A_24 = tpu.memref_slice %arg7[%dma_start3A, %dma_start3A_23] : memref<125x80xi32, #tpu.memory_space<vmem>> -> memref<1x80xi32, #tpu.memory_space<vmem>>
    %dma_start3A_25 = tpu.memref_squeeze %dma_start3A_24 : memref<1x80xi32, #tpu.memory_space<vmem>> -> memref<80xi32, #tpu.memory_space<vmem>>
    %dma_start3A_26 = arith.constant 0 : i32
    %dma_start3A_27 = arith.constant 0 : i32
    %dma_start3A_28 = tpu.memref_slice %arg2[%dma_start3A_26, %dma_start3A_27] : memref<10000x48xf32, #tpu.memory_space<hbm>> -> memref<10000x48xf32, #tpu.memory_space<hbm>>
    %dma_start3A_29 = tpu.memref_slice %arg13[%dma_start3A_18] : memref<5x!tpu.dma_semaphore, #tpu.memory_space<semaphore_mem>> -> memref<1x!tpu.dma_semaphore, #tpu.memory_space<semaphore_mem>>
    %dma_start3A_30 = tpu.memref_squeeze %dma_start3A_29 : memref<1x!tpu.dma_semaphore, #tpu.memory_space<semaphore_mem>> -> memref<!tpu.dma_semaphore, #tpu.memory_space<semaphore_mem>>
    tpu.enqueue_indirect_dma source(%dma_start3A_28 : memref<10000x48xf32, #tpu.memory_space<hbm>>) target(%dma_start3A_22 : memref<80x48xf32, #tpu.memory_space<vmem>>) offsets(%dma_start3A_25 : memref<80xi32, #tpu.memory_space<vmem>>) semaphore(%dma_start3A_30 : memref<!tpu.dma_semaphore, #tpu.memory_space<semaphore_mem>>)
    %dma_start3A_31 = arith.constant 1 : i32
    %dma_start3A_32 = arith.constant 1 : i32
    %dma_start3A_33 = arith.constant 1 : i32
    %dma_start3A_34 = arith.constant 0 : i32
    %dma_start3A_35 = arith.constant 0 : i32
    %dma_start3A_36 = tpu.memref_slice %arg10[%dma_start3A_32, %dma_start3A_34, %dma_start3A_35] : memref<5x80x48xf32, #tpu.memory_space<vmem>> -> memref<1x80x48xf32, #tpu.memory_space<vmem>>
    %dma_start3A_37 = tpu.memref_squeeze %dma_start3A_36 : memref<1x80x48xf32, #tpu.memory_space<vmem>> -> memref<80x48xf32, #tpu.memory_space<vmem>>
    %dma_start3A_38 = arith.constant 0 : i32
    %dma_start3A_39 = tpu.memref_slice %arg7[%dma_start3A_31, %dma_start3A_38] : memref<125x80xi32, #tpu.memory_space<vmem>> -> memref<1x80xi32, #tpu.memory_space<vmem>>
    %dma_start3A_40 = tpu.memref_squeeze %dma_start3A_39 : memref<1x80xi32, #tpu.memory_space<vmem>> -> memref<80xi32, #tpu.memory_space<vmem>>
    %dma_start3A_41 = arith.constant 0 : i32
    %dma_start3A_42 = arith.constant 0 : i32
    %dma_start3A_43 = tpu.memref_slice %arg2[%dma_start3A_41, %dma_start3A_42] : memref<10000x48xf32, #tpu.memory_space<hbm>> -> memref<10000x48xf32, #tpu.memory_space<hbm>>
    %dma_start3A_44 = tpu.memref_slice %arg13[%dma_start3A_33] : memref<5x!tpu.dma_semaphore, #tpu.memory_space<semaphore_mem>> -> memref<1x!tpu.dma_semaphore, #tpu.memory_space<semaphore_mem>>
    %dma_start3A_45 = tpu.memref_squeeze %dma_start3A_44 : memref<1x!tpu.dma_semaphore, #tpu.memory_space<semaphore_mem>> -> memref<!tpu.dma_semaphore, #tpu.memory_space<semaphore_mem>>
    tpu.enqueue_indirect_dma source(%dma_start3A_43 : memref<10000x48xf32, #tpu.memory_space<hbm>>) target(%dma_start3A_37 : memref<80x48xf32, #tpu.memory_space<vmem>>) offsets(%dma_start3A_40 : memref<80xi32, #tpu.memory_space<vmem>>) semaphore(%dma_start3A_45 : memref<!tpu.dma_semaphore, #tpu.memory_space<semaphore_mem>>)
    %dma_start3A_46 = arith.constant 2 : i32
    %dma_start3A_47 = arith.constant 2 : i32
    %dma_start3A_48 = arith.constant 2 : i32
    %dma_start3A_49 = arith.constant 0 : i32
    %dma_start3A_50 = arith.constant 0 : i32
    %dma_start3A_51 = tpu.memref_slice %arg10[%dma_start3A_47, %dma_start3A_49, %dma_start3A_50] : memref<5x80x48xf32, #tpu.memory_space<vmem>> -> memref<1x80x48xf32, #tpu.memory_space<vmem>>
    %dma_start3A_52 = tpu.memref_squeeze %dma_start3A_51 : memref<1x80x48xf32, #tpu.memory_space<vmem>> -> memref<80x48xf32, #tpu.memory_space<vmem>>
    %dma_start3A_53 = arith.constant 0 : i32
    %dma_start3A_54 = tpu.memref_slice %arg7[%dma_start3A_46, %dma_start3A_53] : memref<125x80xi32, #tpu.memory_space<vmem>> -> memref<1x80xi32, #tpu.memory_space<vmem>>
    %dma_start3A_55 = tpu.memref_squeeze %dma_start3A_54 : memref<1x80xi32, #tpu.memory_space<vmem>> -> memref<80xi32, #tpu.memory_space<vmem>>
    %dma_start3A_56 = arith.constant 0 : i32
    %dma_start3A_57 = arith.constant 0 : i32
    %dma_start3A_58 = tpu.memref_slice %arg2[%dma_start3A_56, %dma_start3A_57] : memref<10000x48xf32, #tpu.memory_space<hbm>> -> memref<10000x48xf32, #tpu.memory_space<hbm>>
    %dma_start3A_59 = tpu.memref_slice %arg13[%dma_start3A_48] : memref<5x!tpu.dma_semaphore, #tpu.memory_space<semaphore_mem>> -> memref<1x!tpu.dma_semaphore, #tpu.memory_space<semaphore_mem>>
    %dma_start3A_60 = tpu.memref_squeeze %dma_start3A_59 : memref<1x!tpu.dma_semaphore, #tpu.memory_space<semaphore_mem>> -> memref<!tpu.dma_semaphore, #tpu.memory_space<semaphore_mem>>
    tpu.enqueue_indirect_dma source(%dma_start3A_58 : memref<10000x48xf32, #tpu.memory_space<hbm>>) target(%dma_start3A_52 : memref<80x48xf32, #tpu.memory_space<vmem>>) offsets(%dma_start3A_55 : memref<80xi32, #tpu.memory_space<vmem>>) semaphore(%dma_start3A_60 : memref<!tpu.dma_semaphore, #tpu.memory_space<semaphore_mem>>)
    %dma_start3A_61 = arith.constant 3 : i32
    %dma_start3A_62 = arith.constant 3 : i32
    %dma_start3A_63 = arith.constant 3 : i32
    %dma_start3A_64 = arith.constant 0 : i32
    %dma_start3A_65 = arith.constant 0 : i32
    %dma_start3A_66 = tpu.memref_slice %arg10[%dma_start3A_62, %dma_start3A_64, %dma_start3A_65] : memref<5x80x48xf32, #tpu.memory_space<vmem>> -> memref<1x80x48xf32, #tpu.memory_space<vmem>>
    %dma_start3A_67 = tpu.memref_squeeze %dma_start3A_66 : memref<1x80x48xf32, #tpu.memory_space<vmem>> -> memref<80x48xf32, #tpu.memory_space<vmem>>
    %dma_start3A_68 = arith.constant 0 : i32
    %dma_start3A_69 = tpu.memref_slice %arg7[%dma_start3A_61, %dma_start3A_68] : memref<125x80xi32, #tpu.memory_space<vmem>> -> memref<1x80xi32, #tpu.memory_space<vmem>>
    %dma_start3A_70 = tpu.memref_squeeze %dma_start3A_69 : memref<1x80xi32, #tpu.memory_space<vmem>> -> memref<80xi32, #tpu.memory_space<vmem>>
    %dma_start3A_71 = arith.constant 0 : i32
    %dma_start3A_72 = arith.constant 0 : i32
    %dma_start3A_73 = tpu.memref_slice %arg2[%dma_start3A_71, %dma_start3A_72] : memref<10000x48xf32, #tpu.memory_space<hbm>> -> memref<10000x48xf32, #tpu.memory_space<hbm>>
    %dma_start3A_74 = tpu.memref_slice %arg13[%dma_start3A_63] : memref<5x!tpu.dma_semaphore, #tpu.memory_space<semaphore_mem>> -> memref<1x!tpu.dma_semaphore, #tpu.memory_space<semaphore_mem>>
    %dma_start3A_75 = tpu.memref_squeeze %dma_start3A_74 : memref<1x!tpu.dma_semaphore, #tpu.memory_space<semaphore_mem>> -> memref<!tpu.dma_semaphore, #tpu.memory_space<semaphore_mem>>
    tpu.enqueue_indirect_dma source(%dma_start3A_73 : memref<10000x48xf32, #tpu.memory_space<hbm>>) target(%dma_start3A_67 : memref<80x48xf32, #tpu.memory_space<vmem>>) offsets(%dma_start3A_70 : memref<80xi32, #tpu.memory_space<vmem>>) semaphore(%dma_start3A_75 : memref<!tpu.dma_semaphore, #tpu.memory_space<semaphore_mem>>)
    %scan3A_76 = arith.constant 0 : i32
    %scan3A_77 = arith.constant 25 : i32
    %scan3A_78 = arith.addi %scan3A_76, %scan3A_77 : i32
    %scan3A_79 = arith.constant 1 : i32
    scf.for %scan3A_96 = %scan3A_76 to %scan3A_78 step %scan3A_79  : i32 {
      %mul3A_97 = arith.constant 5 : i32
      %mul3A_98 = arith.muli %scan3A_96, %mul3A_97 : i32
      %add3A_99 = arith.constant 0 : i32
      %add3A_100 = arith.addi %add3A_99, %mul3A_98 : i32
      %add3A_101 = arith.constant 0 : i32
      %add3A_102 = arith.addi %add3A_100, %add3A_101 : i32
      %add3A_103 = arith.constant 5 : i32
      %add3A_104 = arith.addi %add3A_102, %add3A_103 : i32
      %sub3A = arith.constant 1 : i32
      %sub3A_105 = arith.subi %add3A_104, %sub3A : i32
      %dma_wait3A_106 = arith.constant 0 : i32
      %dma_wait3A_107 = arith.constant 0 : i32
      %dma_wait3A_108 = arith.constant 0 : i32
      %dma_wait3A_109 = arith.constant 0 : i32
      %dma_wait3A_110 = tpu.memref_slice %arg10[%dma_wait3A_106, %dma_wait3A_108, %dma_wait3A_109] : memref<5x80x48xf32, #tpu.memory_space<vmem>> -> memref<1x80x48xf32, #tpu.memory_space<vmem>>
      %dma_wait3A_111 = tpu.memref_squeeze %dma_wait3A_110 : memref<1x80x48xf32, #tpu.memory_space<vmem>> -> memref<80x48xf32, #tpu.memory_space<vmem>>
      %dma_wait3A_112 = arith.constant 0 : i32
      %dma_wait3A_113 = tpu.memref_slice %arg7[%add3A_102, %dma_wait3A_112] : memref<125x80xi32, #tpu.memory_space<vmem>> -> memref<1x80xi32, #tpu.memory_space<vmem>>
      %dma_wait3A_114 = tpu.memref_squeeze %dma_wait3A_113 : memref<1x80xi32, #tpu.memory_space<vmem>> -> memref<80xi32, #tpu.memory_space<vmem>>
      %dma_wait3A_115 = arith.constant 0 : i32
      %dma_wait3A_116 = arith.constant 0 : i32
      %dma_wait3A_117 = tpu.memref_slice %arg2[%dma_wait3A_115, %dma_wait3A_116] : memref<10000x48xf32, #tpu.memory_space<hbm>> -> memref<10000x48xf32, #tpu.memory_space<hbm>>
      %dma_wait3A_118 = tpu.memref_slice %arg13[%dma_wait3A_107] : memref<5x!tpu.dma_semaphore, #tpu.memory_space<semaphore_mem>> -> memref<1x!tpu.dma_semaphore, #tpu.memory_space<semaphore_mem>>
      %dma_wait3A_119 = tpu.memref_squeeze %dma_wait3A_118 : memref<1x!tpu.dma_semaphore, #tpu.memory_space<semaphore_mem>> -> memref<!tpu.dma_semaphore, #tpu.memory_space<semaphore_mem>>
      tpu.wait_indirect_dma semaphore(%dma_wait3A_119 : memref<!tpu.dma_semaphore, #tpu.memory_space<semaphore_mem>>) src(%dma_wait3A_117 : memref<10000x48xf32, #tpu.memory_space<hbm>>) dst(%dma_wait3A_111 : memref<80x48xf32, #tpu.memory_space<vmem>>)
      %dma_start3A_120 = arith.constant 0 : i32
      %dma_start3A_121 = arith.constant 0 : i32
      %dma_start3A_122 = arith.constant 0 : i32
      %dma_start3A_123 = arith.constant 0 : i32
      %dma_start3A_124 = tpu.memref_slice %arg10[%dma_start3A_120, %dma_start3A_122, %dma_start3A_123] : memref<5x80x48xf32, #tpu.memory_space<vmem>> -> memref<1x80x48xf32, #tpu.memory_space<vmem>>
      %dma_start3A_125 = tpu.memref_squeeze %dma_start3A_124 : memref<1x80x48xf32, #tpu.memory_space<vmem>> -> memref<80x48xf32, #tpu.memory_space<vmem>>
      %dma_start3A_126 = arith.constant 0 : i32
      %dma_start3A_127 = tpu.memref_slice %arg8[%add3A_102, %dma_start3A_126] : memref<125x80xi32, #tpu.memory_space<vmem>> -> memref<1x80xi32, #tpu.memory_space<vmem>>
      %dma_start3A_128 = tpu.memref_squeeze %dma_start3A_127 : memref<1x80xi32, #tpu.memory_space<vmem>> -> memref<80xi32, #tpu.memory_space<vmem>>
      %dma_start3A_129 = arith.constant 0 : i32
      %dma_start3A_130 = arith.constant 0 : i32
      %dma_start3A_131 = tpu.memref_slice %arg12[%dma_start3A_129, %dma_start3A_130] : memref<10240x48xf32, #tpu.memory_space<vmem_shared>> -> memref<10240x48xf32, #tpu.memory_space<vmem_shared>>
      %dma_start3A_132 = tpu.memref_slice %arg14[%dma_start3A_121] : memref<5x!tpu.dma_semaphore, #tpu.memory_space<semaphore_mem>> -> memref<1x!tpu.dma_semaphore, #tpu.memory_space<semaphore_mem>>
      %dma_start3A_133 = tpu.memref_squeeze %dma_start3A_132 : memref<1x!tpu.dma_semaphore, #tpu.memory_space<semaphore_mem>> -> memref<!tpu.dma_semaphore, #tpu.memory_space<semaphore_mem>>
      tpu.enqueue_indirect_dma source(%dma_start3A_125 : memref<80x48xf32, #tpu.memory_space<vmem>>) target(%dma_start3A_131 : memref<10240x48xf32, #tpu.memory_space<vmem_shared>>) offsets(%dma_start3A_128 : memref<80xi32, #tpu.memory_space<vmem>>) semaphore(%dma_start3A_133 : memref<!tpu.dma_semaphore, #tpu.memory_space<semaphore_mem>>) {add = true}
      %gt3A = arith.constant 0 : i32
      %gt3A_134 = arith.cmpi sgt, %add3A_102, %gt3A : i32
      %convert_element_type3A = arith.extui %gt3A_134 : i1 to i32
      %cond3A = arith.constant 0 : i32
      %cond3A_135 = arith.cmpi ne, %convert_element_type3A, %cond3A : i32
      scf.if %cond3A_135 {
        %sub3A_316 = arith.constant 1 : i32
        %sub3A_317 = arith.subi %add3A_102, %sub3A_316 : i32
        %dma_wait3A_318 = arith.constant 4 : i32
        %dma_wait3A_319 = arith.constant 4 : i32
        %dma_wait3A_320 = arith.constant 0 : i32
        %dma_wait3A_321 = arith.constant 0 : i32
        %dma_wait3A_322 = tpu.memref_slice %arg10[%dma_wait3A_318, %dma_wait3A_320, %dma_wait3A_321] : memref<5x80x48xf32, #tpu.memory_space<vmem>> -> memref<1x80x48xf32, #tpu.memory_space<vmem>>
        %dma_wait3A_323 = tpu.memref_squeeze %dma_wait3A_322 : memref<1x80x48xf32, #tpu.memory_space<vmem>> -> memref<80x48xf32, #tpu.memory_space<vmem>>
        %dma_wait3A_324 = arith.constant 0 : i32
        %dma_wait3A_325 = tpu.memref_slice %arg8[%sub3A_317, %dma_wait3A_324] : memref<125x80xi32, #tpu.memory_space<vmem>> -> memref<1x80xi32, #tpu.memory_space<vmem>>
        %dma_wait3A_326 = tpu.memref_squeeze %dma_wait3A_325 : memref<1x80xi32, #tpu.memory_space<vmem>> -> memref<80xi32, #tpu.memory_space<vmem>>
        %dma_wait3A_327 = arith.constant 0 : i32
        %dma_wait3A_328 = arith.constant 0 : i32
        %dma_wait3A_329 = tpu.memref_slice %arg12[%dma_wait3A_327, %dma_wait3A_328] : memref<10240x48xf32, #tpu.memory_space<vmem_shared>> -> memref<10240x48xf32, #tpu.memory_space<vmem_shared>>
        %dma_wait3A_330 = tpu.memref_slice %arg14[%dma_wait3A_319] : memref<5x!tpu.dma_semaphore, #tpu.memory_space<semaphore_mem>> -> memref<1x!tpu.dma_semaphore, #tpu.memory_space<semaphore_mem>>
        %dma_wait3A_331 = tpu.memref_squeeze %dma_wait3A_330 : memref<1x!tpu.dma_semaphore, #tpu.memory_space<semaphore_mem>> -> memref<!tpu.dma_semaphore, #tpu.memory_space<semaphore_mem>>
        tpu.wait_indirect_dma semaphore(%dma_wait3A_331 : memref<!tpu.dma_semaphore, #tpu.memory_space<semaphore_mem>>) src(%dma_wait3A_323 : memref<80x48xf32, #tpu.memory_space<vmem>>) dst(%dma_wait3A_329 : memref<10240x48xf32, #tpu.memory_space<vmem_shared>>)
      } else {
      }
      %lt3A = arith.constant 125 : i32
      %lt3A_136 = arith.cmpi slt, %sub3A_105, %lt3A : i32
      %convert_element_type3A_137 = arith.extui %lt3A_136 : i1 to i32
      %cond3A_138 = arith.constant 0 : i32
      %cond3A_139 = arith.cmpi ne, %convert_element_type3A_137, %cond3A_138 : i32
      scf.if %cond3A_139 {
        %dma_start3A_316 = arith.constant 4 : i32
        %dma_start3A_317 = arith.constant 4 : i32
        %dma_start3A_318 = arith.constant 0 : i32
        %dma_start3A_319 = arith.constant 0 : i32
        %dma_start3A_320 = tpu.memref_slice %arg10[%dma_start3A_316, %dma_start3A_318, %dma_start3A_319] : memref<5x80x48xf32, #tpu.memory_space<vmem>> -> memref<1x80x48xf32, #tpu.memory_space<vmem>>
        %dma_start3A_321 = tpu.memref_squeeze %dma_start3A_320 : memref<1x80x48xf32, #tpu.memory_space<vmem>> -> memref<80x48xf32, #tpu.memory_space<vmem>>
        %dma_start3A_322 = arith.constant 0 : i32
        %dma_start3A_323 = tpu.memref_slice %arg7[%sub3A_105, %dma_start3A_322] : memref<125x80xi32, #tpu.memory_space<vmem>> -> memref<1x80xi32, #tpu.memory_space<vmem>>
        %dma_start3A_324 = tpu.memref_squeeze %dma_start3A_323 : memref<1x80xi32, #tpu.memory_space<vmem>> -> memref<80xi32, #tpu.memory_space<vmem>>
        %dma_start3A_325 = arith.constant 0 : i32
        %dma_start3A_326 = arith.constant 0 : i32
        %dma_start3A_327 = tpu.memref_slice %arg2[%dma_start3A_325, %dma_start3A_326] : memref<10000x48xf32, #tpu.memory_space<hbm>> -> memref<10000x48xf32, #tpu.memory_space<hbm>>
        %dma_start3A_328 = tpu.memref_slice %arg13[%dma_start3A_317] : memref<5x!tpu.dma_semaphore, #tpu.memory_space<semaphore_mem>> -> memref<1x!tpu.dma_semaphore, #tpu.memory_space<semaphore_mem>>
        %dma_start3A_329 = tpu.memref_squeeze %dma_start3A_328 : memref<1x!tpu.dma_semaphore, #tpu.memory_space<semaphore_mem>> -> memref<!tpu.dma_semaphore, #tpu.memory_space<semaphore_mem>>
        tpu.enqueue_indirect_dma source(%dma_start3A_327 : memref<10000x48xf32, #tpu.memory_space<hbm>>) target(%dma_start3A_321 : memref<80x48xf32, #tpu.memory_space<vmem>>) offsets(%dma_start3A_324 : memref<80xi32, #tpu.memory_space<vmem>>) semaphore(%dma_start3A_329 : memref<!tpu.dma_semaphore, #tpu.memory_space<semaphore_mem>>)
      } else {
      }
      %add3A_140 = arith.constant 1 : i32
      %add3A_141 = arith.addi %add3A_100, %add3A_140 : i32
      %add3A_142 = arith.constant 5 : i32
      %add3A_143 = arith.addi %add3A_141, %add3A_142 : i32
      %sub3A_144 = arith.constant 1 : i32
      %sub3A_145 = arith.subi %add3A_143, %sub3A_144 : i32
      %dma_wait3A_146 = arith.constant 1 : i32
      %dma_wait3A_147 = arith.constant 1 : i32
      %dma_wait3A_148 = arith.constant 0 : i32
      %dma_wait3A_149 = arith.constant 0 : i32
      %dma_wait3A_150 = tpu.memref_slice %arg10[%dma_wait3A_146, %dma_wait3A_148, %dma_wait3A_149] : memref<5x80x48xf32, #tpu.memory_space<vmem>> -> memref<1x80x48xf32, #tpu.memory_space<vmem>>
      %dma_wait3A_151 = tpu.memref_squeeze %dma_wait3A_150 : memref<1x80x48xf32, #tpu.memory_space<vmem>> -> memref<80x48xf32, #tpu.memory_space<vmem>>
      %dma_wait3A_152 = arith.constant 0 : i32
      %dma_wait3A_153 = tpu.memref_slice %arg7[%add3A_141, %dma_wait3A_152] : memref<125x80xi32, #tpu.memory_space<vmem>> -> memref<1x80xi32, #tpu.memory_space<vmem>>
      %dma_wait3A_154 = tpu.memref_squeeze %dma_wait3A_153 : memref<1x80xi32, #tpu.memory_space<vmem>> -> memref<80xi32, #tpu.memory_space<vmem>>
      %dma_wait3A_155 = arith.constant 0 : i32
      %dma_wait3A_156 = arith.constant 0 : i32
      %dma_wait3A_157 = tpu.memref_slice %arg2[%dma_wait3A_155, %dma_wait3A_156] : memref<10000x48xf32, #tpu.memory_space<hbm>> -> memref<10000x48xf32, #tpu.memory_space<hbm>>
      %dma_wait3A_158 = tpu.memref_slice %arg13[%dma_wait3A_147] : memref<5x!tpu.dma_semaphore, #tpu.memory_space<semaphore_mem>> -> memref<1x!tpu.dma_semaphore, #tpu.memory_space<semaphore_mem>>
      %dma_wait3A_159 = tpu.memref_squeeze %dma_wait3A_158 : memref<1x!tpu.dma_semaphore, #tpu.memory_space<semaphore_mem>> -> memref<!tpu.dma_semaphore, #tpu.memory_space<semaphore_mem>>
      tpu.wait_indirect_dma semaphore(%dma_wait3A_159 : memref<!tpu.dma_semaphore, #tpu.memory_space<semaphore_mem>>) src(%dma_wait3A_157 : memref<10000x48xf32, #tpu.memory_space<hbm>>) dst(%dma_wait3A_151 : memref<80x48xf32, #tpu.memory_space<vmem>>)
      %dma_start3A_160 = arith.constant 1 : i32
      %dma_start3A_161 = arith.constant 1 : i32
      %dma_start3A_162 = arith.constant 0 : i32
      %dma_start3A_163 = arith.constant 0 : i32
      %dma_start3A_164 = tpu.memref_slice %arg10[%dma_start3A_160, %dma_start3A_162, %dma_start3A_163] : memref<5x80x48xf32, #tpu.memory_space<vmem>> -> memref<1x80x48xf32, #tpu.memory_space<vmem>>
      %dma_start3A_165 = tpu.memref_squeeze %dma_start3A_164 : memref<1x80x48xf32, #tpu.memory_space<vmem>> -> memref<80x48xf32, #tpu.memory_space<vmem>>
      %dma_start3A_166 = arith.constant 0 : i32
      %dma_start3A_167 = tpu.memref_slice %arg8[%add3A_141, %dma_start3A_166] : memref<125x80xi32, #tpu.memory_space<vmem>> -> memref<1x80xi32, #tpu.memory_space<vmem>>
      %dma_start3A_168 = tpu.memref_squeeze %dma_start3A_167 : memref<1x80xi32, #tpu.memory_space<vmem>> -> memref<80xi32, #tpu.memory_space<vmem>>
      %dma_start3A_169 = arith.constant 0 : i32
      %dma_start3A_170 = arith.constant 0 : i32
      %dma_start3A_171 = tpu.memref_slice %arg12[%dma_start3A_169, %dma_start3A_170] : memref<10240x48xf32, #tpu.memory_space<vmem_shared>> -> memref<10240x48xf32, #tpu.memory_space<vmem_shared>>
      %dma_start3A_172 = tpu.memref_slice %arg14[%dma_start3A_161] : memref<5x!tpu.dma_semaphore, #tpu.memory_space<semaphore_mem>> -> memref<1x!tpu.dma_semaphore, #tpu.memory_space<semaphore_mem>>
      %dma_start3A_173 = tpu.memref_squeeze %dma_start3A_172 : memref<1x!tpu.dma_semaphore, #tpu.memory_space<semaphore_mem>> -> memref<!tpu.dma_semaphore, #tpu.memory_space<semaphore_mem>>
      tpu.enqueue_indirect_dma source(%dma_start3A_165 : memref<80x48xf32, #tpu.memory_space<vmem>>) target(%dma_start3A_171 : memref<10240x48xf32, #tpu.memory_space<vmem_shared>>) offsets(%dma_start3A_168 : memref<80xi32, #tpu.memory_space<vmem>>) semaphore(%dma_start3A_173 : memref<!tpu.dma_semaphore, #tpu.memory_space<semaphore_mem>>) {add = true}
      %gt3A_174 = arith.constant 0 : i32
      %gt3A_175 = arith.cmpi sgt, %add3A_141, %gt3A_174 : i32
      %convert_element_type3A_176 = arith.extui %gt3A_175 : i1 to i32
      %cond3A_177 = arith.constant 0 : i32
      %cond3A_178 = arith.cmpi ne, %convert_element_type3A_176, %cond3A_177 : i32
      scf.if %cond3A_178 {
        %sub3A_316 = arith.constant 1 : i32
        %sub3A_317 = arith.subi %add3A_141, %sub3A_316 : i32
        %dma_wait3A_318 = arith.constant 0 : i32
        %dma_wait3A_319 = arith.constant 0 : i32
        %dma_wait3A_320 = arith.constant 0 : i32
        %dma_wait3A_321 = arith.constant 0 : i32
        %dma_wait3A_322 = tpu.memref_slice %arg10[%dma_wait3A_318, %dma_wait3A_320, %dma_wait3A_321] : memref<5x80x48xf32, #tpu.memory_space<vmem>> -> memref<1x80x48xf32, #tpu.memory_space<vmem>>
        %dma_wait3A_323 = tpu.memref_squeeze %dma_wait3A_322 : memref<1x80x48xf32, #tpu.memory_space<vmem>> -> memref<80x48xf32, #tpu.memory_space<vmem>>
        %dma_wait3A_324 = arith.constant 0 : i32
        %dma_wait3A_325 = tpu.memref_slice %arg8[%sub3A_317, %dma_wait3A_324] : memref<125x80xi32, #tpu.memory_space<vmem>> -> memref<1x80xi32, #tpu.memory_space<vmem>>
        %dma_wait3A_326 = tpu.memref_squeeze %dma_wait3A_325 : memref<1x80xi32, #tpu.memory_space<vmem>> -> memref<80xi32, #tpu.memory_space<vmem>>
        %dma_wait3A_327 = arith.constant 0 : i32
        %dma_wait3A_328 = arith.constant 0 : i32
        %dma_wait3A_329 = tpu.memref_slice %arg12[%dma_wait3A_327, %dma_wait3A_328] : memref<10240x48xf32, #tpu.memory_space<vmem_shared>> -> memref<10240x48xf32, #tpu.memory_space<vmem_shared>>
        %dma_wait3A_330 = tpu.memref_slice %arg14[%dma_wait3A_319] : memref<5x!tpu.dma_semaphore, #tpu.memory_space<semaphore_mem>> -> memref<1x!tpu.dma_semaphore, #tpu.memory_space<semaphore_mem>>
        %dma_wait3A_331 = tpu.memref_squeeze %dma_wait3A_330 : memref<1x!tpu.dma_semaphore, #tpu.memory_space<semaphore_mem>> -> memref<!tpu.dma_semaphore, #tpu.memory_space<semaphore_mem>>
        tpu.wait_indirect_dma semaphore(%dma_wait3A_331 : memref<!tpu.dma_semaphore, #tpu.memory_space<semaphore_mem>>) src(%dma_wait3A_323 : memref<80x48xf32, #tpu.memory_space<vmem>>) dst(%dma_wait3A_329 : memref<10240x48xf32, #tpu.memory_space<vmem_shared>>)
      } else {
      }
      %lt3A_179 = arith.constant 125 : i32
      %lt3A_180 = arith.cmpi slt, %sub3A_145, %lt3A_179 : i32
      %convert_element_type3A_181 = arith.extui %lt3A_180 : i1 to i32
      %cond3A_182 = arith.constant 0 : i32
      %cond3A_183 = arith.cmpi ne, %convert_element_type3A_181, %cond3A_182 : i32
      scf.if %cond3A_183 {
        %dma_start3A_316 = arith.constant 0 : i32
        %dma_start3A_317 = arith.constant 0 : i32
        %dma_start3A_318 = arith.constant 0 : i32
        %dma_start3A_319 = arith.constant 0 : i32
        %dma_start3A_320 = tpu.memref_slice %arg10[%dma_start3A_316, %dma_start3A_318, %dma_start3A_319] : memref<5x80x48xf32, #tpu.memory_space<vmem>> -> memref<1x80x48xf32, #tpu.memory_space<vmem>>
        %dma_start3A_321 = tpu.memref_squeeze %dma_start3A_320 : memref<1x80x48xf32, #tpu.memory_space<vmem>> -> memref<80x48xf32, #tpu.memory_space<vmem>>
        %dma_start3A_322 = arith.constant 0 : i32
        %dma_start3A_323 = tpu.memref_slice %arg7[%sub3A_145, %dma_start3A_322] : memref<125x80xi32, #tpu.memory_space<vmem>> -> memref<1x80xi32, #tpu.memory_space<vmem>>
        %dma_start3A_324 = tpu.memref_squeeze %dma_start3A_323 : memref<1x80xi32, #tpu.memory_space<vmem>> -> memref<80xi32, #tpu.memory_space<vmem>>
        %dma_start3A_325 = arith.constant 0 : i32
        %dma_start3A_326 = arith.constant 0 : i32
        %dma_start3A_327 = tpu.memref_slice %arg2[%dma_start3A_325, %dma_start3A_326] : memref<10000x48xf32, #tpu.memory_space<hbm>> -> memref<10000x48xf32, #tpu.memory_space<hbm>>
        %dma_start3A_328 = tpu.memref_slice %arg13[%dma_start3A_317] : memref<5x!tpu.dma_semaphore, #tpu.memory_space<semaphore_mem>> -> memref<1x!tpu.dma_semaphore, #tpu.memory_space<semaphore_mem>>
        %dma_start3A_329 = tpu.memref_squeeze %dma_start3A_328 : memref<1x!tpu.dma_semaphore, #tpu.memory_space<semaphore_mem>> -> memref<!tpu.dma_semaphore, #tpu.memory_space<semaphore_mem>>
        tpu.enqueue_indirect_dma source(%dma_start3A_327 : memref<10000x48xf32, #tpu.memory_space<hbm>>) target(%dma_start3A_321 : memref<80x48xf32, #tpu.memory_space<vmem>>) offsets(%dma_start3A_324 : memref<80xi32, #tpu.memory_space<vmem>>) semaphore(%dma_start3A_329 : memref<!tpu.dma_semaphore, #tpu.memory_space<semaphore_mem>>)
      } else {
      }
      %add3A_184 = arith.constant 2 : i32
      %add3A_185 = arith.addi %add3A_100, %add3A_184 : i32
      %add3A_186 = arith.constant 5 : i32
      %add3A_187 = arith.addi %add3A_185, %add3A_186 : i32
      %sub3A_188 = arith.constant 1 : i32
      %sub3A_189 = arith.subi %add3A_187, %sub3A_188 : i32
      %dma_wait3A_190 = arith.constant 2 : i32
      %dma_wait3A_191 = arith.constant 2 : i32
      %dma_wait3A_192 = arith.constant 0 : i32
      %dma_wait3A_193 = arith.constant 0 : i32
      %dma_wait3A_194 = tpu.memref_slice %arg10[%dma_wait3A_190, %dma_wait3A_192, %dma_wait3A_193] : memref<5x80x48xf32, #tpu.memory_space<vmem>> -> memref<1x80x48xf32, #tpu.memory_space<vmem>>
      %dma_wait3A_195 = tpu.memref_squeeze %dma_wait3A_194 : memref<1x80x48xf32, #tpu.memory_space<vmem>> -> memref<80x48xf32, #tpu.memory_space<vmem>>
      %dma_wait3A_196 = arith.constant 0 : i32
      %dma_wait3A_197 = tpu.memref_slice %arg7[%add3A_185, %dma_wait3A_196] : memref<125x80xi32, #tpu.memory_space<vmem>> -> memref<1x80xi32, #tpu.memory_space<vmem>>
      %dma_wait3A_198 = tpu.memref_squeeze %dma_wait3A_197 : memref<1x80xi32, #tpu.memory_space<vmem>> -> memref<80xi32, #tpu.memory_space<vmem>>
      %dma_wait3A_199 = arith.constant 0 : i32
      %dma_wait3A_200 = arith.constant 0 : i32
      %dma_wait3A_201 = tpu.memref_slice %arg2[%dma_wait3A_199, %dma_wait3A_200] : memref<10000x48xf32, #tpu.memory_space<hbm>> -> memref<10000x48xf32, #tpu.memory_space<hbm>>
      %dma_wait3A_202 = tpu.memref_slice %arg13[%dma_wait3A_191] : memref<5x!tpu.dma_semaphore, #tpu.memory_space<semaphore_mem>> -> memref<1x!tpu.dma_semaphore, #tpu.memory_space<semaphore_mem>>
      %dma_wait3A_203 = tpu.memref_squeeze %dma_wait3A_202 : memref<1x!tpu.dma_semaphore, #tpu.memory_space<semaphore_mem>> -> memref<!tpu.dma_semaphore, #tpu.memory_space<semaphore_mem>>
      tpu.wait_indirect_dma semaphore(%dma_wait3A_203 : memref<!tpu.dma_semaphore, #tpu.memory_space<semaphore_mem>>) src(%dma_wait3A_201 : memref<10000x48xf32, #tpu.memory_space<hbm>>) dst(%dma_wait3A_195 : memref<80x48xf32, #tpu.memory_space<vmem>>)
      %dma_start3A_204 = arith.constant 2 : i32
      %dma_start3A_205 = arith.constant 2 : i32
      %dma_start3A_206 = arith.constant 0 : i32
      %dma_start3A_207 = arith.constant 0 : i32
      %dma_start3A_208 = tpu.memref_slice %arg10[%dma_start3A_204, %dma_start3A_206, %dma_start3A_207] : memref<5x80x48xf32, #tpu.memory_space<vmem>> -> memref<1x80x48xf32, #tpu.memory_space<vmem>>
      %dma_start3A_209 = tpu.memref_squeeze %dma_start3A_208 : memref<1x80x48xf32, #tpu.memory_space<vmem>> -> memref<80x48xf32, #tpu.memory_space<vmem>>
      %dma_start3A_210 = arith.constant 0 : i32
      %dma_start3A_211 = tpu.memref_slice %arg8[%add3A_185, %dma_start3A_210] : memref<125x80xi32, #tpu.memory_space<vmem>> -> memref<1x80xi32, #tpu.memory_space<vmem>>
      %dma_start3A_212 = tpu.memref_squeeze %dma_start3A_211 : memref<1x80xi32, #tpu.memory_space<vmem>> -> memref<80xi32, #tpu.memory_space<vmem>>
      %dma_start3A_213 = arith.constant 0 : i32
      %dma_start3A_214 = arith.constant 0 : i32
      %dma_start3A_215 = tpu.memref_slice %arg12[%dma_start3A_213, %dma_start3A_214] : memref<10240x48xf32, #tpu.memory_space<vmem_shared>> -> memref<10240x48xf32, #tpu.memory_space<vmem_shared>>
      %dma_start3A_216 = tpu.memref_slice %arg14[%dma_start3A_205] : memref<5x!tpu.dma_semaphore, #tpu.memory_space<semaphore_mem>> -> memref<1x!tpu.dma_semaphore, #tpu.memory_space<semaphore_mem>>
      %dma_start3A_217 = tpu.memref_squeeze %dma_start3A_216 : memref<1x!tpu.dma_semaphore, #tpu.memory_space<semaphore_mem>> -> memref<!tpu.dma_semaphore, #tpu.memory_space<semaphore_mem>>
      tpu.enqueue_indirect_dma source(%dma_start3A_209 : memref<80x48xf32, #tpu.memory_space<vmem>>) target(%dma_start3A_215 : memref<10240x48xf32, #tpu.memory_space<vmem_shared>>) offsets(%dma_start3A_212 : memref<80xi32, #tpu.memory_space<vmem>>) semaphore(%dma_start3A_217 : memref<!tpu.dma_semaphore, #tpu.memory_space<semaphore_mem>>) {add = true}
      %gt3A_218 = arith.constant 0 : i32
      %gt3A_219 = arith.cmpi sgt, %add3A_185, %gt3A_218 : i32
      %convert_element_type3A_220 = arith.extui %gt3A_219 : i1 to i32
      %cond3A_221 = arith.constant 0 : i32
      %cond3A_222 = arith.cmpi ne, %convert_element_type3A_220, %cond3A_221 : i32
      scf.if %cond3A_222 {
        %sub3A_316 = arith.constant 1 : i32
        %sub3A_317 = arith.subi %add3A_185, %sub3A_316 : i32
        %dma_wait3A_318 = arith.constant 1 : i32
        %dma_wait3A_319 = arith.constant 1 : i32
        %dma_wait3A_320 = arith.constant 0 : i32
        %dma_wait3A_321 = arith.constant 0 : i32
        %dma_wait3A_322 = tpu.memref_slice %arg10[%dma_wait3A_318, %dma_wait3A_320, %dma_wait3A_321] : memref<5x80x48xf32, #tpu.memory_space<vmem>> -> memref<1x80x48xf32, #tpu.memory_space<vmem>>
        %dma_wait3A_323 = tpu.memref_squeeze %dma_wait3A_322 : memref<1x80x48xf32, #tpu.memory_space<vmem>> -> memref<80x48xf32, #tpu.memory_space<vmem>>
        %dma_wait3A_324 = arith.constant 0 : i32
        %dma_wait3A_325 = tpu.memref_slice %arg8[%sub3A_317, %dma_wait3A_324] : memref<125x80xi32, #tpu.memory_space<vmem>> -> memref<1x80xi32, #tpu.memory_space<vmem>>
        %dma_wait3A_326 = tpu.memref_squeeze %dma_wait3A_325 : memref<1x80xi32, #tpu.memory_space<vmem>> -> memref<80xi32, #tpu.memory_space<vmem>>
        %dma_wait3A_327 = arith.constant 0 : i32
        %dma_wait3A_328 = arith.constant 0 : i32
        %dma_wait3A_329 = tpu.memref_slice %arg12[%dma_wait3A_327, %dma_wait3A_328] : memref<10240x48xf32, #tpu.memory_space<vmem_shared>> -> memref<10240x48xf32, #tpu.memory_space<vmem_shared>>
        %dma_wait3A_330 = tpu.memref_slice %arg14[%dma_wait3A_319] : memref<5x!tpu.dma_semaphore, #tpu.memory_space<semaphore_mem>> -> memref<1x!tpu.dma_semaphore, #tpu.memory_space<semaphore_mem>>
        %dma_wait3A_331 = tpu.memref_squeeze %dma_wait3A_330 : memref<1x!tpu.dma_semaphore, #tpu.memory_space<semaphore_mem>> -> memref<!tpu.dma_semaphore, #tpu.memory_space<semaphore_mem>>
        tpu.wait_indirect_dma semaphore(%dma_wait3A_331 : memref<!tpu.dma_semaphore, #tpu.memory_space<semaphore_mem>>) src(%dma_wait3A_323 : memref<80x48xf32, #tpu.memory_space<vmem>>) dst(%dma_wait3A_329 : memref<10240x48xf32, #tpu.memory_space<vmem_shared>>)
      } else {
      }
      %lt3A_223 = arith.constant 125 : i32
      %lt3A_224 = arith.cmpi slt, %sub3A_189, %lt3A_223 : i32
      %convert_element_type3A_225 = arith.extui %lt3A_224 : i1 to i32
      %cond3A_226 = arith.constant 0 : i32
      %cond3A_227 = arith.cmpi ne, %convert_element_type3A_225, %cond3A_226 : i32
      scf.if %cond3A_227 {
        %dma_start3A_316 = arith.constant 1 : i32
        %dma_start3A_317 = arith.constant 1 : i32
        %dma_start3A_318 = arith.constant 0 : i32
        %dma_start3A_319 = arith.constant 0 : i32
        %dma_start3A_320 = tpu.memref_slice %arg10[%dma_start3A_316, %dma_start3A_318, %dma_start3A_319] : memref<5x80x48xf32, #tpu.memory_space<vmem>> -> memref<1x80x48xf32, #tpu.memory_space<vmem>>
        %dma_start3A_321 = tpu.memref_squeeze %dma_start3A_320 : memref<1x80x48xf32, #tpu.memory_space<vmem>> -> memref<80x48xf32, #tpu.memory_space<vmem>>
        %dma_start3A_322 = arith.constant 0 : i32
        %dma_start3A_323 = tpu.memref_slice %arg7[%sub3A_189, %dma_start3A_322] : memref<125x80xi32, #tpu.memory_space<vmem>> -> memref<1x80xi32, #tpu.memory_space<vmem>>
        %dma_start3A_324 = tpu.memref_squeeze %dma_start3A_323 : memref<1x80xi32, #tpu.memory_space<vmem>> -> memref<80xi32, #tpu.memory_space<vmem>>
        %dma_start3A_325 = arith.constant 0 : i32
        %dma_start3A_326 = arith.constant 0 : i32
        %dma_start3A_327 = tpu.memref_slice %arg2[%dma_start3A_325, %dma_start3A_326] : memref<10000x48xf32, #tpu.memory_space<hbm>> -> memref<10000x48xf32, #tpu.memory_space<hbm>>
        %dma_start3A_328 = tpu.memref_slice %arg13[%dma_start3A_317] : memref<5x!tpu.dma_semaphore, #tpu.memory_space<semaphore_mem>> -> memref<1x!tpu.dma_semaphore, #tpu.memory_space<semaphore_mem>>
        %dma_start3A_329 = tpu.memref_squeeze %dma_start3A_328 : memref<1x!tpu.dma_semaphore, #tpu.memory_space<semaphore_mem>> -> memref<!tpu.dma_semaphore, #tpu.memory_space<semaphore_mem>>
        tpu.enqueue_indirect_dma source(%dma_start3A_327 : memref<10000x48xf32, #tpu.memory_space<hbm>>) target(%dma_start3A_321 : memref<80x48xf32, #tpu.memory_space<vmem>>) offsets(%dma_start3A_324 : memref<80xi32, #tpu.memory_space<vmem>>) semaphore(%dma_start3A_329 : memref<!tpu.dma_semaphore, #tpu.memory_space<semaphore_mem>>)
      } else {
      }
      %add3A_228 = arith.constant 3 : i32
      %add3A_229 = arith.addi %add3A_100, %add3A_228 : i32
      %add3A_230 = arith.constant 5 : i32
      %add3A_231 = arith.addi %add3A_229, %add3A_230 : i32
      %sub3A_232 = arith.constant 1 : i32
      %sub3A_233 = arith.subi %add3A_231, %sub3A_232 : i32
      %dma_wait3A_234 = arith.constant 3 : i32
      %dma_wait3A_235 = arith.constant 3 : i32
      %dma_wait3A_236 = arith.constant 0 : i32
      %dma_wait3A_237 = arith.constant 0 : i32
      %dma_wait3A_238 = tpu.memref_slice %arg10[%dma_wait3A_234, %dma_wait3A_236, %dma_wait3A_237] : memref<5x80x48xf32, #tpu.memory_space<vmem>> -> memref<1x80x48xf32, #tpu.memory_space<vmem>>
      %dma_wait3A_239 = tpu.memref_squeeze %dma_wait3A_238 : memref<1x80x48xf32, #tpu.memory_space<vmem>> -> memref<80x48xf32, #tpu.memory_space<vmem>>
      %dma_wait3A_240 = arith.constant 0 : i32
      %dma_wait3A_241 = tpu.memref_slice %arg7[%add3A_229, %dma_wait3A_240] : memref<125x80xi32, #tpu.memory_space<vmem>> -> memref<1x80xi32, #tpu.memory_space<vmem>>
      %dma_wait3A_242 = tpu.memref_squeeze %dma_wait3A_241 : memref<1x80xi32, #tpu.memory_space<vmem>> -> memref<80xi32, #tpu.memory_space<vmem>>
      %dma_wait3A_243 = arith.constant 0 : i32
      %dma_wait3A_244 = arith.constant 0 : i32
      %dma_wait3A_245 = tpu.memref_slice %arg2[%dma_wait3A_243, %dma_wait3A_244] : memref<10000x48xf32, #tpu.memory_space<hbm>> -> memref<10000x48xf32, #tpu.memory_space<hbm>>
      %dma_wait3A_246 = tpu.memref_slice %arg13[%dma_wait3A_235] : memref<5x!tpu.dma_semaphore, #tpu.memory_space<semaphore_mem>> -> memref<1x!tpu.dma_semaphore, #tpu.memory_space<semaphore_mem>>
      %dma_wait3A_247 = tpu.memref_squeeze %dma_wait3A_246 : memref<1x!tpu.dma_semaphore, #tpu.memory_space<semaphore_mem>> -> memref<!tpu.dma_semaphore, #tpu.memory_space<semaphore_mem>>
      tpu.wait_indirect_dma semaphore(%dma_wait3A_247 : memref<!tpu.dma_semaphore, #tpu.memory_space<semaphore_mem>>) src(%dma_wait3A_245 : memref<10000x48xf32, #tpu.memory_space<hbm>>) dst(%dma_wait3A_239 : memref<80x48xf32, #tpu.memory_space<vmem>>)
      %dma_start3A_248 = arith.constant 3 : i32
      %dma_start3A_249 = arith.constant 3 : i32
      %dma_start3A_250 = arith.constant 0 : i32
      %dma_start3A_251 = arith.constant 0 : i32
      %dma_start3A_252 = tpu.memref_slice %arg10[%dma_start3A_248, %dma_start3A_250, %dma_start3A_251] : memref<5x80x48xf32, #tpu.memory_space<vmem>> -> memref<1x80x48xf32, #tpu.memory_space<vmem>>
      %dma_start3A_253 = tpu.memref_squeeze %dma_start3A_252 : memref<1x80x48xf32, #tpu.memory_space<vmem>> -> memref<80x48xf32, #tpu.memory_space<vmem>>
      %dma_start3A_254 = arith.constant 0 : i32
      %dma_start3A_255 = tpu.memref_slice %arg8[%add3A_229, %dma_start3A_254] : memref<125x80xi32, #tpu.memory_space<vmem>> -> memref<1x80xi32, #tpu.memory_space<vmem>>
      %dma_start3A_256 = tpu.memref_squeeze %dma_start3A_255 : memref<1x80xi32, #tpu.memory_space<vmem>> -> memref<80xi32, #tpu.memory_space<vmem>>
      %dma_start3A_257 = arith.constant 0 : i32
      %dma_start3A_258 = arith.constant 0 : i32
      %dma_start3A_259 = tpu.memref_slice %arg12[%dma_start3A_257, %dma_start3A_258] : memref<10240x48xf32, #tpu.memory_space<vmem_shared>> -> memref<10240x48xf32, #tpu.memory_space<vmem_shared>>
      %dma_start3A_260 = tpu.memref_slice %arg14[%dma_start3A_249] : memref<5x!tpu.dma_semaphore, #tpu.memory_space<semaphore_mem>> -> memref<1x!tpu.dma_semaphore, #tpu.memory_space<semaphore_mem>>
      %dma_start3A_261 = tpu.memref_squeeze %dma_start3A_260 : memref<1x!tpu.dma_semaphore, #tpu.memory_space<semaphore_mem>> -> memref<!tpu.dma_semaphore, #tpu.memory_space<semaphore_mem>>
      tpu.enqueue_indirect_dma source(%dma_start3A_253 : memref<80x48xf32, #tpu.memory_space<vmem>>) target(%dma_start3A_259 : memref<10240x48xf32, #tpu.memory_space<vmem_shared>>) offsets(%dma_start3A_256 : memref<80xi32, #tpu.memory_space<vmem>>) semaphore(%dma_start3A_261 : memref<!tpu.dma_semaphore, #tpu.memory_space<semaphore_mem>>) {add = true}
      %gt3A_262 = arith.constant 0 : i32
      %gt3A_263 = arith.cmpi sgt, %add3A_229, %gt3A_262 : i32
      %convert_element_type3A_264 = arith.extui %gt3A_263 : i1 to i32
      %cond3A_265 = arith.constant 0 : i32
      %cond3A_266 = arith.cmpi ne, %convert_element_type3A_264, %cond3A_265 : i32
      scf.if %cond3A_266 {
        %sub3A_316 = arith.constant 1 : i32
        %sub3A_317 = arith.subi %add3A_229, %sub3A_316 : i32
        %dma_wait3A_318 = arith.constant 2 : i32
        %dma_wait3A_319 = arith.constant 2 : i32
        %dma_wait3A_320 = arith.constant 0 : i32
        %dma_wait3A_321 = arith.constant 0 : i32
        %dma_wait3A_322 = tpu.memref_slice %arg10[%dma_wait3A_318, %dma_wait3A_320, %dma_wait3A_321] : memref<5x80x48xf32, #tpu.memory_space<vmem>> -> memref<1x80x48xf32, #tpu.memory_space<vmem>>
        %dma_wait3A_323 = tpu.memref_squeeze %dma_wait3A_322 : memref<1x80x48xf32, #tpu.memory_space<vmem>> -> memref<80x48xf32, #tpu.memory_space<vmem>>
        %dma_wait3A_324 = arith.constant 0 : i32
        %dma_wait3A_325 = tpu.memref_slice %arg8[%sub3A_317, %dma_wait3A_324] : memref<125x80xi32, #tpu.memory_space<vmem>> -> memref<1x80xi32, #tpu.memory_space<vmem>>
        %dma_wait3A_326 = tpu.memref_squeeze %dma_wait3A_325 : memref<1x80xi32, #tpu.memory_space<vmem>> -> memref<80xi32, #tpu.memory_space<vmem>>
        %dma_wait3A_327 = arith.constant 0 : i32
        %dma_wait3A_328 = arith.constant 0 : i32
        %dma_wait3A_329 = tpu.memref_slice %arg12[%dma_wait3A_327, %dma_wait3A_328] : memref<10240x48xf32, #tpu.memory_space<vmem_shared>> -> memref<10240x48xf32, #tpu.memory_space<vmem_shared>>
        %dma_wait3A_330 = tpu.memref_slice %arg14[%dma_wait3A_319] : memref<5x!tpu.dma_semaphore, #tpu.memory_space<semaphore_mem>> -> memref<1x!tpu.dma_semaphore, #tpu.memory_space<semaphore_mem>>
        %dma_wait3A_331 = tpu.memref_squeeze %dma_wait3A_330 : memref<1x!tpu.dma_semaphore, #tpu.memory_space<semaphore_mem>> -> memref<!tpu.dma_semaphore, #tpu.memory_space<semaphore_mem>>
        tpu.wait_indirect_dma semaphore(%dma_wait3A_331 : memref<!tpu.dma_semaphore, #tpu.memory_space<semaphore_mem>>) src(%dma_wait3A_323 : memref<80x48xf32, #tpu.memory_space<vmem>>) dst(%dma_wait3A_329 : memref<10240x48xf32, #tpu.memory_space<vmem_shared>>)
      } else {
      }
      %lt3A_267 = arith.constant 125 : i32
      %lt3A_268 = arith.cmpi slt, %sub3A_233, %lt3A_267 : i32
      %convert_element_type3A_269 = arith.extui %lt3A_268 : i1 to i32
      %cond3A_270 = arith.constant 0 : i32
      %cond3A_271 = arith.cmpi ne, %convert_element_type3A_269, %cond3A_270 : i32
      scf.if %cond3A_271 {
        %dma_start3A_316 = arith.constant 2 : i32
        %dma_start3A_317 = arith.constant 2 : i32
        %dma_start3A_318 = arith.constant 0 : i32
        %dma_start3A_319 = arith.constant 0 : i32
        %dma_start3A_320 = tpu.memref_slice %arg10[%dma_start3A_316, %dma_start3A_318, %dma_start3A_319] : memref<5x80x48xf32, #tpu.memory_space<vmem>> -> memref<1x80x48xf32, #tpu.memory_space<vmem>>
        %dma_start3A_321 = tpu.memref_squeeze %dma_start3A_320 : memref<1x80x48xf32, #tpu.memory_space<vmem>> -> memref<80x48xf32, #tpu.memory_space<vmem>>
        %dma_start3A_322 = arith.constant 0 : i32
        %dma_start3A_323 = tpu.memref_slice %arg7[%sub3A_233, %dma_start3A_322] : memref<125x80xi32, #tpu.memory_space<vmem>> -> memref<1x80xi32, #tpu.memory_space<vmem>>
        %dma_start3A_324 = tpu.memref_squeeze %dma_start3A_323 : memref<1x80xi32, #tpu.memory_space<vmem>> -> memref<80xi32, #tpu.memory_space<vmem>>
        %dma_start3A_325 = arith.constant 0 : i32
        %dma_start3A_326 = arith.constant 0 : i32
        %dma_start3A_327 = tpu.memref_slice %arg2[%dma_start3A_325, %dma_start3A_326] : memref<10000x48xf32, #tpu.memory_space<hbm>> -> memref<10000x48xf32, #tpu.memory_space<hbm>>
        %dma_start3A_328 = tpu.memref_slice %arg13[%dma_start3A_317] : memref<5x!tpu.dma_semaphore, #tpu.memory_space<semaphore_mem>> -> memref<1x!tpu.dma_semaphore, #tpu.memory_space<semaphore_mem>>
        %dma_start3A_329 = tpu.memref_squeeze %dma_start3A_328 : memref<1x!tpu.dma_semaphore, #tpu.memory_space<semaphore_mem>> -> memref<!tpu.dma_semaphore, #tpu.memory_space<semaphore_mem>>
        tpu.enqueue_indirect_dma source(%dma_start3A_327 : memref<10000x48xf32, #tpu.memory_space<hbm>>) target(%dma_start3A_321 : memref<80x48xf32, #tpu.memory_space<vmem>>) offsets(%dma_start3A_324 : memref<80xi32, #tpu.memory_space<vmem>>) semaphore(%dma_start3A_329 : memref<!tpu.dma_semaphore, #tpu.memory_space<semaphore_mem>>)
      } else {
      }
      %add3A_272 = arith.constant 4 : i32
      %add3A_273 = arith.addi %add3A_100, %add3A_272 : i32
      %add3A_274 = arith.constant 5 : i32
      %add3A_275 = arith.addi %add3A_273, %add3A_274 : i32
      %sub3A_276 = arith.constant 1 : i32
      %sub3A_277 = arith.subi %add3A_275, %sub3A_276 : i32
      %dma_wait3A_278 = arith.constant 4 : i32
      %dma_wait3A_279 = arith.constant 4 : i32
      %dma_wait3A_280 = arith.constant 0 : i32
      %dma_wait3A_281 = arith.constant 0 : i32
      %dma_wait3A_282 = tpu.memref_slice %arg10[%dma_wait3A_278, %dma_wait3A_280, %dma_wait3A_281] : memref<5x80x48xf32, #tpu.memory_space<vmem>> -> memref<1x80x48xf32, #tpu.memory_space<vmem>>
      %dma_wait3A_283 = tpu.memref_squeeze %dma_wait3A_282 : memref<1x80x48xf32, #tpu.memory_space<vmem>> -> memref<80x48xf32, #tpu.memory_space<vmem>>
      %dma_wait3A_284 = arith.constant 0 : i32
      %dma_wait3A_285 = tpu.memref_slice %arg7[%add3A_273, %dma_wait3A_284] : memref<125x80xi32, #tpu.memory_space<vmem>> -> memref<1x80xi32, #tpu.memory_space<vmem>>
      %dma_wait3A_286 = tpu.memref_squeeze %dma_wait3A_285 : memref<1x80xi32, #tpu.memory_space<vmem>> -> memref<80xi32, #tpu.memory_space<vmem>>
      %dma_wait3A_287 = arith.constant 0 : i32
      %dma_wait3A_288 = arith.constant 0 : i32
      %dma_wait3A_289 = tpu.memref_slice %arg2[%dma_wait3A_287, %dma_wait3A_288] : memref<10000x48xf32, #tpu.memory_space<hbm>> -> memref<10000x48xf32, #tpu.memory_space<hbm>>
      %dma_wait3A_290 = tpu.memref_slice %arg13[%dma_wait3A_279] : memref<5x!tpu.dma_semaphore, #tpu.memory_space<semaphore_mem>> -> memref<1x!tpu.dma_semaphore, #tpu.memory_space<semaphore_mem>>
      %dma_wait3A_291 = tpu.memref_squeeze %dma_wait3A_290 : memref<1x!tpu.dma_semaphore, #tpu.memory_space<semaphore_mem>> -> memref<!tpu.dma_semaphore, #tpu.memory_space<semaphore_mem>>
      tpu.wait_indirect_dma semaphore(%dma_wait3A_291 : memref<!tpu.dma_semaphore, #tpu.memory_space<semaphore_mem>>) src(%dma_wait3A_289 : memref<10000x48xf32, #tpu.memory_space<hbm>>) dst(%dma_wait3A_283 : memref<80x48xf32, #tpu.memory_space<vmem>>)
      %dma_start3A_292 = arith.constant 4 : i32
      %dma_start3A_293 = arith.constant 4 : i32
      %dma_start3A_294 = arith.constant 0 : i32
      %dma_start3A_295 = arith.constant 0 : i32
      %dma_start3A_296 = tpu.memref_slice %arg10[%dma_start3A_292, %dma_start3A_294, %dma_start3A_295] : memref<5x80x48xf32, #tpu.memory_space<vmem>> -> memref<1x80x48xf32, #tpu.memory_space<vmem>>
      %dma_start3A_297 = tpu.memref_squeeze %dma_start3A_296 : memref<1x80x48xf32, #tpu.memory_space<vmem>> -> memref<80x48xf32, #tpu.memory_space<vmem>>
      %dma_start3A_298 = arith.constant 0 : i32
      %dma_start3A_299 = tpu.memref_slice %arg8[%add3A_273, %dma_start3A_298] : memref<125x80xi32, #tpu.memory_space<vmem>> -> memref<1x80xi32, #tpu.memory_space<vmem>>
      %dma_start3A_300 = tpu.memref_squeeze %dma_start3A_299 : memref<1x80xi32, #tpu.memory_space<vmem>> -> memref<80xi32, #tpu.memory_space<vmem>>
      %dma_start3A_301 = arith.constant 0 : i32
      %dma_start3A_302 = arith.constant 0 : i32
      %dma_start3A_303 = tpu.memref_slice %arg12[%dma_start3A_301, %dma_start3A_302] : memref<10240x48xf32, #tpu.memory_space<vmem_shared>> -> memref<10240x48xf32, #tpu.memory_space<vmem_shared>>
      %dma_start3A_304 = tpu.memref_slice %arg14[%dma_start3A_293] : memref<5x!tpu.dma_semaphore, #tpu.memory_space<semaphore_mem>> -> memref<1x!tpu.dma_semaphore, #tpu.memory_space<semaphore_mem>>
      %dma_start3A_305 = tpu.memref_squeeze %dma_start3A_304 : memref<1x!tpu.dma_semaphore, #tpu.memory_space<semaphore_mem>> -> memref<!tpu.dma_semaphore, #tpu.memory_space<semaphore_mem>>
      tpu.enqueue_indirect_dma source(%dma_start3A_297 : memref<80x48xf32, #tpu.memory_space<vmem>>) target(%dma_start3A_303 : memref<10240x48xf32, #tpu.memory_space<vmem_shared>>) offsets(%dma_start3A_300 : memref<80xi32, #tpu.memory_space<vmem>>) semaphore(%dma_start3A_305 : memref<!tpu.dma_semaphore, #tpu.memory_space<semaphore_mem>>) {add = true}
      %gt3A_306 = arith.constant 0 : i32
      %gt3A_307 = arith.cmpi sgt, %add3A_273, %gt3A_306 : i32
      %convert_element_type3A_308 = arith.extui %gt3A_307 : i1 to i32
      %cond3A_309 = arith.constant 0 : i32
      %cond3A_310 = arith.cmpi ne, %convert_element_type3A_308, %cond3A_309 : i32
      scf.if %cond3A_310 {
        %sub3A_316 = arith.constant 1 : i32
        %sub3A_317 = arith.subi %add3A_273, %sub3A_316 : i32
        %dma_wait3A_318 = arith.constant 3 : i32
        %dma_wait3A_319 = arith.constant 3 : i32
        %dma_wait3A_320 = arith.constant 0 : i32
        %dma_wait3A_321 = arith.constant 0 : i32
        %dma_wait3A_322 = tpu.memref_slice %arg10[%dma_wait3A_318, %dma_wait3A_320, %dma_wait3A_321] : memref<5x80x48xf32, #tpu.memory_space<vmem>> -> memref<1x80x48xf32, #tpu.memory_space<vmem>>
        %dma_wait3A_323 = tpu.memref_squeeze %dma_wait3A_322 : memref<1x80x48xf32, #tpu.memory_space<vmem>> -> memref<80x48xf32, #tpu.memory_space<vmem>>
        %dma_wait3A_324 = arith.constant 0 : i32
        %dma_wait3A_325 = tpu.memref_slice %arg8[%sub3A_317, %dma_wait3A_324] : memref<125x80xi32, #tpu.memory_space<vmem>> -> memref<1x80xi32, #tpu.memory_space<vmem>>
        %dma_wait3A_326 = tpu.memref_squeeze %dma_wait3A_325 : memref<1x80xi32, #tpu.memory_space<vmem>> -> memref<80xi32, #tpu.memory_space<vmem>>
        %dma_wait3A_327 = arith.constant 0 : i32
        %dma_wait3A_328 = arith.constant 0 : i32
        %dma_wait3A_329 = tpu.memref_slice %arg12[%dma_wait3A_327, %dma_wait3A_328] : memref<10240x48xf32, #tpu.memory_space<vmem_shared>> -> memref<10240x48xf32, #tpu.memory_space<vmem_shared>>
        %dma_wait3A_330 = tpu.memref_slice %arg14[%dma_wait3A_319] : memref<5x!tpu.dma_semaphore, #tpu.memory_space<semaphore_mem>> -> memref<1x!tpu.dma_semaphore, #tpu.memory_space<semaphore_mem>>
        %dma_wait3A_331 = tpu.memref_squeeze %dma_wait3A_330 : memref<1x!tpu.dma_semaphore, #tpu.memory_space<semaphore_mem>> -> memref<!tpu.dma_semaphore, #tpu.memory_space<semaphore_mem>>
        tpu.wait_indirect_dma semaphore(%dma_wait3A_331 : memref<!tpu.dma_semaphore, #tpu.memory_space<semaphore_mem>>) src(%dma_wait3A_323 : memref<80x48xf32, #tpu.memory_space<vmem>>) dst(%dma_wait3A_329 : memref<10240x48xf32, #tpu.memory_space<vmem_shared>>)
      } else {
      }
      %lt3A_311 = arith.constant 125 : i32
      %lt3A_312 = arith.cmpi slt, %sub3A_277, %lt3A_311 : i32
      %convert_element_type3A_313 = arith.extui %lt3A_312 : i1 to i32
      %cond3A_314 = arith.constant 0 : i32
      %cond3A_315 = arith.cmpi ne, %convert_element_type3A_313, %cond3A_314 : i32
      scf.if %cond3A_315 {
        %dma_start3A_316 = arith.constant 3 : i32
        %dma_start3A_317 = arith.constant 3 : i32
        %dma_start3A_318 = arith.constant 0 : i32
        %dma_start3A_319 = arith.constant 0 : i32
        %dma_start3A_320 = tpu.memref_slice %arg10[%dma_start3A_316, %dma_start3A_318, %dma_start3A_319] : memref<5x80x48xf32, #tpu.memory_space<vmem>> -> memref<1x80x48xf32, #tpu.memory_space<vmem>>
        %dma_start3A_321 = tpu.memref_squeeze %dma_start3A_320 : memref<1x80x48xf32, #tpu.memory_space<vmem>> -> memref<80x48xf32, #tpu.memory_space<vmem>>
        %dma_start3A_322 = arith.constant 0 : i32
        %dma_start3A_323 = tpu.memref_slice %arg7[%sub3A_277, %dma_start3A_322] : memref<125x80xi32, #tpu.memory_space<vmem>> -> memref<1x80xi32, #tpu.memory_space<vmem>>
        %dma_start3A_324 = tpu.memref_squeeze %dma_start3A_323 : memref<1x80xi32, #tpu.memory_space<vmem>> -> memref<80xi32, #tpu.memory_space<vmem>>
        %dma_start3A_325 = arith.constant 0 : i32
        %dma_start3A_326 = arith.constant 0 : i32
        %dma_start3A_327 = tpu.memref_slice %arg2[%dma_start3A_325, %dma_start3A_326] : memref<10000x48xf32, #tpu.memory_space<hbm>> -> memref<10000x48xf32, #tpu.memory_space<hbm>>
        %dma_start3A_328 = tpu.memref_slice %arg13[%dma_start3A_317] : memref<5x!tpu.dma_semaphore, #tpu.memory_space<semaphore_mem>> -> memref<1x!tpu.dma_semaphore, #tpu.memory_space<semaphore_mem>>
        %dma_start3A_329 = tpu.memref_squeeze %dma_start3A_328 : memref<1x!tpu.dma_semaphore, #tpu.memory_space<semaphore_mem>> -> memref<!tpu.dma_semaphore, #tpu.memory_space<semaphore_mem>>
        tpu.enqueue_indirect_dma source(%dma_start3A_327 : memref<10000x48xf32, #tpu.memory_space<hbm>>) target(%dma_start3A_321 : memref<80x48xf32, #tpu.memory_space<vmem>>) offsets(%dma_start3A_324 : memref<80xi32, #tpu.memory_space<vmem>>) semaphore(%dma_start3A_329 : memref<!tpu.dma_semaphore, #tpu.memory_space<semaphore_mem>>)
      } else {
      }
    }
    %scan3A_80 = arith.constant 25 : i32
    %dma_wait3A = arith.constant 4 : i32
    %dma_wait3A_81 = arith.constant 124 : i32
    %dma_wait3A_82 = arith.constant 4 : i32
    %dma_wait3A_83 = arith.constant 0 : i32
    %dma_wait3A_84 = arith.constant 0 : i32
    %dma_wait3A_85 = tpu.memref_slice %arg10[%dma_wait3A, %dma_wait3A_83, %dma_wait3A_84] : memref<5x80x48xf32, #tpu.memory_space<vmem>> -> memref<1x80x48xf32, #tpu.memory_space<vmem>>
    %dma_wait3A_86 = tpu.memref_squeeze %dma_wait3A_85 : memref<1x80x48xf32, #tpu.memory_space<vmem>> -> memref<80x48xf32, #tpu.memory_space<vmem>>
    %dma_wait3A_87 = arith.constant 0 : i32
    %dma_wait3A_88 = tpu.memref_slice %arg8[%dma_wait3A_81, %dma_wait3A_87] : memref<125x80xi32, #tpu.memory_space<vmem>> -> memref<1x80xi32, #tpu.memory_space<vmem>>
    %dma_wait3A_89 = tpu.memref_squeeze %dma_wait3A_88 : memref<1x80xi32, #tpu.memory_space<vmem>> -> memref<80xi32, #tpu.memory_space<vmem>>
    %dma_wait3A_90 = arith.constant 0 : i32
    %dma_wait3A_91 = arith.constant 0 : i32
    %dma_wait3A_92 = tpu.memref_slice %arg12[%dma_wait3A_90, %dma_wait3A_91] : memref<10240x48xf32, #tpu.memory_space<vmem_shared>> -> memref<10240x48xf32, #tpu.memory_space<vmem_shared>>
    %dma_wait3A_93 = tpu.memref_slice %arg14[%dma_wait3A_82] : memref<5x!tpu.dma_semaphore, #tpu.memory_space<semaphore_mem>> -> memref<1x!tpu.dma_semaphore, #tpu.memory_space<semaphore_mem>>
    %dma_wait3A_94 = tpu.memref_squeeze %dma_wait3A_93 : memref<1x!tpu.dma_semaphore, #tpu.memory_space<semaphore_mem>> -> memref<!tpu.dma_semaphore, #tpu.memory_space<semaphore_mem>>
    tpu.wait_indirect_dma semaphore(%dma_wait3A_94 : memref<!tpu.dma_semaphore, #tpu.memory_space<semaphore_mem>>) src(%dma_wait3A_86 : memref<80x48xf32, #tpu.memory_space<vmem>>) dst(%dma_wait3A_92 : memref<10240x48xf32, #tpu.memory_space<vmem_shared>>)
    %barrier3A_95 = arith.constant 0 : index
    tpu.barrier barrier_id(%barrier3A_95)
    "tpu.region"() ({
      %run_scoped3A = tpu.sem_alloc : memref<!tpu.dma_semaphore, #tpu.memory_space<semaphore_mem>>
      %dma_start3A_96 = arith.constant 0 : i32
      %dma_start3A_97 = tpu.memref_slice %arg6[%arg0, %multiple_of3A, %dma_start3A_96] : memref<2x10240x48xf32, #tpu.memory_space<hbm>> -> memref<1x640x48xf32, #tpu.memory_space<hbm>>
      %dma_start3A_98 = tpu.memref_squeeze %dma_start3A_97 : memref<1x640x48xf32, #tpu.memory_space<hbm>> -> memref<640x48xf32, #tpu.memory_space<hbm>>
      %dma_start3A_99 = arith.constant 0 : i32
      %dma_start3A_100 = tpu.memref_slice %arg12[%multiple_of3A, %dma_start3A_99] : memref<10240x48xf32, #tpu.memory_space<vmem_shared>> -> memref<640x48xf32, #tpu.memory_space<vmem_shared>>
      tpu.enqueue_dma source(%dma_start3A_100 : memref<640x48xf32, #tpu.memory_space<vmem_shared>>) target(%dma_start3A_98 : memref<640x48xf32, #tpu.memory_space<hbm>>) target_semaphore(%run_scoped3A : memref<!tpu.dma_semaphore, #tpu.memory_space<semaphore_mem>>)
      %dma_wait3A_101 = arith.constant 0 : i32
      %dma_wait3A_102 = tpu.memref_slice %arg6[%arg0, %multiple_of3A, %dma_wait3A_101] : memref<2x10240x48xf32, #tpu.memory_space<hbm>> -> memref<1x640x48xf32, #tpu.memory_space<hbm>>
      %dma_wait3A_103 = tpu.memref_squeeze %dma_wait3A_102 : memref<1x640x48xf32, #tpu.memory_space<hbm>> -> memref<640x48xf32, #tpu.memory_space<hbm>>
      %dma_wait3A_104 = arith.constant 0 : i32
      %dma_wait3A_105 = tpu.memref_slice %arg12[%multiple_of3A, %dma_wait3A_104] : memref<10240x48xf32, #tpu.memory_space<vmem_shared>> -> memref<640x48xf32, #tpu.memory_space<vmem_shared>>
      tpu.wait_dma2 semaphore(%run_scoped3A : memref<!tpu.dma_semaphore, #tpu.memory_space<semaphore_mem>>) src(%dma_wait3A_105 : memref<640x48xf32, #tpu.memory_space<vmem_shared>>) dst(%dma_wait3A_103 : memref<640x48xf32, #tpu.memory_space<hbm>>)
      tpu.yield
    }) : () -> ()
    return
  }
}

module attributes {stable_mosaic.version = 14 : i64} {
  func.func @_mm1_body(%arg0: i32, %arg1: memref<2000x128xf32, #tpu.memory_space<vmem>>, %arg2: memref<128x64xf32, #tpu.memory_space<vmem>>, %arg3: memref<2000x64xf32, #tpu.memory_space<vmem>>) attributes {dimension_semantics = [#tpu.dimension_semantics<arbitrary>], iteration_bounds = array<i64: 5>, scalar_prefetch = 0 : i64, scratch_operands = 0 : i64, tpu.core_type = #tpu.core_type<tc>, window_params = [{transform_indices = @transform_0, window_bounds = array<i64: 2000, 128>}, {pipeline_mode = #tpu.pipeline_mode<synchronous>, transform_indices = @transform_1, window_bounds = array<i64: 128, 64>}, {transform_indices = @transform_2, window_bounds = array<i64: 2000, 64>}]} {
    %get3A = arith.constant 0 : index
    %get3A_0 = arith.constant 0 : index
    %get3A_1 = vector.load %arg1[%get3A, %get3A_0] : memref<2000x128xf32, #tpu.memory_space<vmem>>, vector<2000x128xf32>
    %get3A_2 = arith.constant 0 : index
    %get3A_3 = arith.constant 0 : index
    %get3A_4 = vector.load %arg2[%get3A_2, %get3A_3] : memref<128x64xf32, #tpu.memory_space<vmem>>, vector<128x64xf32>
    %dot_general3A = arith.constant dense<0.000000e+00> : vector<2000x64xf32>
    %dot_general3A_5 = tpu.matmul %get3A_1, %get3A_4, %dot_general3A {dimension_numbers = #tpu.dot_dimension_numbers<[1], [0], [0], [1], [0, 0, 1, 1], [], []>, transpose_lhs_hint = false} : vector<2000x128xf32>, vector<128x64xf32>, vector<2000x64xf32> -> vector<2000x64xf32>
    %swap3A = arith.constant 0 : index
    %swap3A_6 = arith.constant 0 : index
    %swap3A_7 = vector.load %arg3[%swap3A, %swap3A_6] : memref<2000x64xf32, #tpu.memory_space<vmem>>, vector<2000x64xf32>
    tpu.vector_store %arg3[%swap3A, %swap3A_6], %dot_general3A_5 {strides = array<i32>} : memref<2000x64xf32, #tpu.memory_space<vmem>>, vector<2000x64xf32>,
    return
  }
  func.func @transform_0(%arg0: i32) -> (i32, i32) {
    %c0_i32 = arith.constant 0 : i32
    %c0_i32_0 = arith.constant 0 : i32
    return %arg0, %c0_i32 : i32, i32
  }
  func.func @transform_1(%arg0: i32) -> (i32, i32) {
    %c0_i32 = arith.constant 0 : i32
    %c0_i32_0 = arith.constant 0 : i32
    %c0_i32_1 = arith.constant 0 : i32
    return %c0_i32, %c0_i32_0 : i32, i32
  }
  func.func @transform_2(%arg0: i32) -> (i32, i32) {
    %c0_i32 = arith.constant 0 : i32
    %c0_i32_0 = arith.constant 0 : i32
    return %arg0, %c0_i32 : i32, i32
  }
}

module attributes {stable_mosaic.version = 14 : i64} {
  func.func @_mm2_body(%arg0: i32, %arg1: memref<2x2000x64xf32, #tpu.memory_space<vmem>>, %arg2: memref<1x64xf32, #tpu.memory_space<vmem>>, %arg3: memref<64x48xf32, #tpu.memory_space<vmem>>, %arg4: memref<2000x48xf32, #tpu.memory_space<vmem>>) attributes {dimension_semantics = [#tpu.dimension_semantics<arbitrary>], iteration_bounds = array<i64: 5>, scalar_prefetch = 0 : i64, scratch_operands = 0 : i64, tpu.core_type = #tpu.core_type<tc>, window_params = [{transform_indices = @transform_0, window_bounds = array<i64: 2, 2000, 64>}, {pipeline_mode = #tpu.pipeline_mode<synchronous>, transform_indices = @transform_1, window_bounds = array<i64: 1, 64>}, {pipeline_mode = #tpu.pipeline_mode<synchronous>, transform_indices = @transform_2, window_bounds = array<i64: 64, 48>}, {transform_indices = @transform_3, window_bounds = array<i64: 2000, 48>}]} {
    %get3A = arith.constant 0 : index
    %get3A_0 = arith.constant 0 : index
    %get3A_1 = arith.constant 0 : index
    %get3A_2 = vector.load %arg1[%get3A, %get3A_0, %get3A_1] : memref<2x2000x64xf32, #tpu.memory_space<vmem>>, vector<1x2000x64xf32>
    %get3A_3 = vector.shape_cast %get3A_2 : vector<1x2000x64xf32> to vector<2000x64xf32>
    %get3A_4 = arith.constant 1 : index
    %get3A_5 = arith.constant 0 : index
    %get3A_6 = arith.constant 0 : index
    %get3A_7 = vector.load %arg1[%get3A_4, %get3A_5, %get3A_6] : memref<2x2000x64xf32, #tpu.memory_space<vmem>>, vector<1x2000x64xf32>
    %get3A_8 = vector.shape_cast %get3A_7 : vector<1x2000x64xf32> to vector<2000x64xf32>
    %add3A = arith.addf %get3A_3, %get3A_8 : vector<2000x64xf32>
    %get3A_9 = arith.constant 0 : index
    %get3A_10 = arith.constant 0 : index
    %get3A_11 = vector.load %arg2[%get3A_9, %get3A_10] : memref<1x64xf32, #tpu.memory_space<vmem>>, vector<1x64xf32>
    %add3A_12 = vector.broadcast %get3A_11 : vector<1x64xf32> to vector<2000x64xf32>
    %add3A_13 = arith.addf %add3A, %add3A_12 : vector<2000x64xf32>
    %max3A = arith.constant 0.000000e+00 : f32
    %max3A_14 = vector.broadcast %max3A : f32 to vector<2000x64xf32>
    %max3A_15 = arith.maximumf %add3A_13, %max3A_14 : vector<2000x64xf32>
    %get3A_16 = arith.constant 0 : index
    %get3A_17 = arith.constant 0 : index
    %get3A_18 = vector.load %arg3[%get3A_16, %get3A_17] : memref<64x48xf32, #tpu.memory_space<vmem>>, vector<64x48xf32>
    %dot_general3A = arith.constant dense<0.000000e+00> : vector<2000x48xf32>
    %dot_general3A_19 = tpu.matmul %max3A_15, %get3A_18, %dot_general3A {dimension_numbers = #tpu.dot_dimension_numbers<[1], [0], [0], [1], [0, 0, 1, 1], [], []>, transpose_lhs_hint = false} : vector<2000x64xf32>, vector<64x48xf32>, vector<2000x48xf32> -> vector<2000x48xf32>
    %swap3A = arith.constant 0 : index
    %swap3A_20 = arith.constant 0 : index
    %swap3A_21 = vector.load %arg4[%swap3A, %swap3A_20] : memref<2000x48xf32, #tpu.memory_space<vmem>>, vector<2000x48xf32>
    tpu.vector_store %arg4[%swap3A, %swap3A_20], %dot_general3A_19 {strides = array<i32>} : memref<2000x48xf32, #tpu.memory_space<vmem>>, vector<2000x48xf32>,
    return
  }
  func.func @transform_0(%arg0: i32) -> (i32, i32, i32) {
    %c0_i32 = arith.constant 0 : i32
    %c0_i32_0 = arith.constant 0 : i32
    %c0_i32_1 = arith.constant 0 : i32
    return %c0_i32, %arg0, %c0_i32_0 : i32, i32, i32
  }
  func.func @transform_1(%arg0: i32) -> (i32, i32) {
    %c0_i32 = arith.constant 0 : i32
    %c0_i32_0 = arith.constant 0 : i32
    %c0_i32_1 = arith.constant 0 : i32
    return %c0_i32, %c0_i32_0 : i32, i32
  }
  func.func @transform_2(%arg0: i32) -> (i32, i32) {
    %c0_i32 = arith.constant 0 : i32
    %c0_i32_0 = arith.constant 0 : i32
    %c0_i32_1 = arith.constant 0 : i32
    return %c0_i32, %c0_i32_0 : i32, i32
  }
  func.func @transform_3(%arg0: i32) -> (i32, i32) {
    %c0_i32 = arith.constant 0 : i32
    %c0_i32_0 = arith.constant 0 : i32
    return %arg0, %c0_i32 : i32, i32
  }
}

module attributes {stable_mosaic.version = 14 : i64} {
  func.func @_lsm_body(%arg0: i32, %arg1: memref<2x2000x48xf32, #tpu.memory_space<vmem>>, %arg2: memref<1x48xf32, #tpu.memory_space<vmem>>, %arg3: memref<2000x40xf32, #tpu.memory_space<vmem>>) attributes {dimension_semantics = [#tpu.dimension_semantics<arbitrary>], iteration_bounds = array<i64: 5>, scalar_prefetch = 0 : i64, scratch_operands = 0 : i64, tpu.core_type = #tpu.core_type<tc>, window_params = [{transform_indices = @transform_0, window_bounds = array<i64: 2, 2000, 48>}, {pipeline_mode = #tpu.pipeline_mode<synchronous>, transform_indices = @transform_1, window_bounds = array<i64: 1, 48>}, {transform_indices = @transform_2, window_bounds = array<i64: 2000, 40>}]} {
    %get3A = arith.constant 0 : index
    %get3A_0 = arith.constant 0 : index
    %get3A_1 = arith.constant 0 : index
    %get3A_2 = vector.load %arg1[%get3A, %get3A_0, %get3A_1] : memref<2x2000x48xf32, #tpu.memory_space<vmem>>, vector<1x2000x48xf32>
    %get3A_3 = vector.shape_cast %get3A_2 : vector<1x2000x48xf32> to vector<2000x48xf32>
    %get3A_4 = arith.constant 1 : index
    %get3A_5 = arith.constant 0 : index
    %get3A_6 = arith.constant 0 : index
    %get3A_7 = vector.load %arg1[%get3A_4, %get3A_5, %get3A_6] : memref<2x2000x48xf32, #tpu.memory_space<vmem>>, vector<1x2000x48xf32>
    %get3A_8 = vector.shape_cast %get3A_7 : vector<1x2000x48xf32> to vector<2000x48xf32>
    %add3A = arith.addf %get3A_3, %get3A_8 : vector<2000x48xf32>
    %get3A_9 = arith.constant 0 : index
    %get3A_10 = arith.constant 0 : index
    %get3A_11 = vector.load %arg2[%get3A_9, %get3A_10] : memref<1x48xf32, #tpu.memory_space<vmem>>, vector<1x48xf32>
    %add3A_12 = vector.broadcast %get3A_11 : vector<1x48xf32> to vector<2000x48xf32>
    %add3A_13 = arith.addf %add3A, %add3A_12 : vector<2000x48xf32>
    %iota3A = tpu.iota {dimensions = array<i32: 1>} : vector<2000x48xi32>
    %lt3A = arith.constant 40 : i32
    %lt3A_14 = vector.broadcast %lt3A : i32 to vector<2000x48xi32>
    %lt3A_15 = arith.cmpi slt, %iota3A, %lt3A_14 : vector<2000x48xi32>
    %jit3A = arith.constant 0xFF800000 : f32
    %broadcast_in_dim3A = vector.broadcast %jit3A : f32 to vector<2000x48xf32>
    %select_n3A = arith.select %lt3A_15, %add3A_13, %broadcast_in_dim3A : vector<2000x48xi1>, vector<2000x48xf32>
    %reduce_max3A = arith.constant dense<0xFF800000> : vector<2000xf32>
    %reduce_max3A_16 = vector.multi_reduction <maximumf>, %select_n3A, %reduce_max3A [1] : vector<2000x48xf32> to vector<2000xf32>
    %broadcast_in_dim3A_17 = vector.shape_cast %reduce_max3A_16 : vector<2000xf32> to vector<2000x1xf32>
    %sub3A = vector.broadcast %broadcast_in_dim3A_17 : vector<2000x1xf32> to vector<2000x48xf32>
    %sub3A_18 = arith.subf %select_n3A, %sub3A : vector<2000x48xf32>
    %exp3A = math.exp %sub3A_18 : vector<2000x48xf32>
    %reduce_sum3A = arith.constant dense<0.000000e+00> : vector<2000xf32>
    %reduce_sum3A_19 = vector.multi_reduction <add>, %exp3A, %reduce_sum3A [1] : vector<2000x48xf32> to vector<2000xf32>
    %broadcast_in_dim3A_20 = vector.shape_cast %reduce_sum3A_19 : vector<2000xf32> to vector<2000x1xf32>
    %sub3A_21 = vector.broadcast %broadcast_in_dim3A_17 : vector<2000x1xf32> to vector<2000x48xf32>
    %sub3A_22 = arith.subf %add3A_13, %sub3A_21 : vector<2000x48xf32>
    %log3A = math.log %broadcast_in_dim3A_20 : vector<2000x1xf32>
    %sub3A_23 = vector.broadcast %log3A : vector<2000x1xf32> to vector<2000x48xf32>
    %sub3A_24 = arith.subf %sub3A_22, %sub3A_23 : vector<2000x48xf32>
    %slice3A = vector.extract_strided_slice %sub3A_24 {offsets = [0, 0], sizes = [2000, 40], strides = [1, 1]} : vector<2000x48xf32> to vector<2000x40xf32>
    %swap3A = arith.constant 0 : index
    %swap3A_25 = arith.constant 0 : index
    %swap3A_26 = vector.load %arg3[%swap3A, %swap3A_25] : memref<2000x40xf32, #tpu.memory_space<vmem>>, vector<2000x40xf32>
    tpu.vector_store %arg3[%swap3A, %swap3A_25], %slice3A {strides = array<i32>} : memref<2000x40xf32, #tpu.memory_space<vmem>>, vector<2000x40xf32>,
    return
  }
  func.func @transform_0(%arg0: i32) -> (i32, i32, i32) {
    %c0_i32 = arith.constant 0 : i32
    %c0_i32_0 = arith.constant 0 : i32
    %c0_i32_1 = arith.constant 0 : i32
    return %c0_i32, %arg0, %c0_i32_0 : i32, i32, i32
  }
  func.func @transform_1(%arg0: i32) -> (i32, i32) {
    %c0_i32 = arith.constant 0 : i32
    %c0_i32_0 = arith.constant 0 : i32
    %c0_i32_1 = arith.constant 0 : i32
    return %c0_i32, %c0_i32_0 : i32, i32
  }
  func.func @transform_2(%arg0: i32) -> (i32, i32) {
    %c0_i32 = arith.constant 0 : i32
    %c0_i32_0 = arith.constant 0 : i32
    return %arg0, %c0_i32 : i32, i32
  }
}

</mosaic_0001>

<sc_bundles>
// kernel: kernel.10.cloned.1.call-start
scs
__scs_entry_jumppad:
0x0: {  	(pc) =	sbr.rel $0x88, $3  }
0x1: {  	(tag) =	ssettag $0x0;
	lr =	simm.s32 $0x1  }
0x2: {  	[smem:$0x3F9A] =	sst lr;
	_ =	strace $0xD0000000  }
0x3: {  	_ = 	snop  }
0x4: {  	_ = 	snop  }
0x5: {  	_ = 	snop  }
0x6: {  	_ = 	snop  }
0x7: {  	_ = 	snop  }
__scs_overlays_trampoline_lowered:
0x8: {  	[smem:$0x3FA9] =	sst s0  }
0x9: {  	[smem:$0x3FAA] =	sst s1  }
0xa: {  	[smem:$0x3FAB] =	sst s2  }
0xb: {  	[smem:$0x3FAC] =	sst s3  }
0xc: {  	[smem:$0x3FAD] =	sst s4  }
0xd: {  	[smem:$0x3FAE] =	sst s5  }
0xe: {  	[smem:$0x3FAF] =	sst s6  }
0xf: {  	[smem:$0x3FB0] =	sst s7  }
0x10: {  	[smem:$0x3FB1] =	sst s8  }
0x11: {  	[smem:$0x3FB2] =	sst s9;
	s0 =	simm.s32 @!p0 $0x0  }
0x12: {  	s1 =	sld [smem:$0x3F98];
	s0 =	simm.s32 @p0 $0x1  }
0x13: {  	[smem:$0x3FB3] =	sst s0;
	s0 =	simm.s32 @!p1 $0x0  }
0x14: {  	s2 =	sld [smem:$0x3F97];
	s0 =	simm.s32 @p1 $0x1  }
0x15: {  	[smem:$0x3FB4] =	sst s0;
	s0 =	simm.s32 @!p2 $0x0  }
0x16: {  	s3 =	sld [smem:$0x3FDB];
	s0 =	simm.s32 @p2 $0x1  }
0x17: {  	s4 =	simm.s32 $0x1BF5;
	[smem:$0x3FB6] =	sst s0  }
0x18: {  	s0 =	sld [smem:$0x3F99];
	_ =	swait.ge [sflag:s4], $0x0  }
0x19: {  	s7 =	sld [smem:$0x3F9A]  }
0x1a: {  	s8 =	sadd.s32 $0xFFFFE003, lr  }
0x1b: {  	s9 =	sadd.s32 $0xFFFFFEF7, lr;
	s5 =	simm.s32 $0xFFFFFFFF;
	p2 =	slt.u32 s8, $0xFFFFF086  }
0x1c: {  	p1 =	slt.u32 s9, $0xF7A;
	s5 =	simm.s32 @!p2 $0x0  }
0x1d: {  	s5 =	simm.s32 @p1 $0x1;
	p0 =	seq.s32 s7, s2  }
0x1e: {  	s7 =	smul.u32 @!p0 $0xF7A, s2;
	p2 =	seq.s32 @!p0 s5, $0x0  }
0x1f: {  	s9 =	smul.u32 $0xF7A, s1;
	s8 =	simm.s32 @!p0 $0x1BF5;
	p2 =	por !p2, p0  }
0x20: {  	[sflag:s8] =	ssyncset.s32 @!p0 $0xFFFFF086;
	s6 =	sadd.s32 @!p0 s3, s7;
	s7 =	simm.s32 @!p0 $0x108  }
0x21: {  	s3 =	sadd.s32 s3, s9;
	s6 =	sadd.s32 @!p0 $0x88, s6;
	s7 =	simm.s32 @p2 $0x1082  }
0x22: {  	[simem:s7], [sflag:s8] =	dma.local @!p0 [hbm:s6], $0xF7A  }
0x23: {  	s9 =	sor.u32 $0xD0000000, s2;
	s6 =	simm.s32 $0x108;
	_ =	swait.ge @!p0 [sflag:s8], $0x0  }
0x24: {  	s3 =	sadd.s32 $0x88, s3;
	s6 =	simm.s32 @!p1 $0x1082;
	[sflag:s4] =	ssyncset.s32 $0xFFFFF086  }
0x25: {  	[simem:s6], [sflag:s4] =	dma.local [hbm:s3], $0xF7A  }
0x26: {  	[smem:$0x3F9A] =	sst s1;
	(tag) =	ssettag s2;
	_ =	strace s9  }
0x27: {  	s1 =	sld [smem:$0x3FAA]  }
0x28: {  	s2 =	sld [smem:$0x3FAB]  }
0x29: {  	s4 =	sld [smem:$0x3FAD]  }
0x2a: {  	p0 =	seq.s32 s5, $0x0;
	s5 =	sld [smem:$0x3FAE]  }
0x2b: {  	s6 =	sld [smem:$0x3FAF]  }
0x2c: {  	s7 =	sld [smem:$0x3FB0]  }
0x2d: {  	s3 =	simm.s32 $0x108;
	s8 =	sld [smem:$0x3FB1]  }
0x2e: {  	s3 =	simm.s32 @!p0 $0x1082;
	s9 =	sld [smem:$0x3FB2]  }
0x2f: {  	lr =	sadd.s32 s0, s3;
	s0 =	sld [smem:$0x3FA9]  }
0x30: {  	s3 =	sld [smem:$0x3FAC]  }
0x31: {  	[smem:$0x3FB5] =	sst s10  }
0x32: {  	s10 =	sld [smem:$0x3FB3];
	_ =	sdelay $0x3  }
0x33: {  	p0 =	seq.s32 s10, $0x1;
	s10 =	sld [smem:$0x3FB5];
	_ =	sdelay $0x3  }
0x34: {  	[smem:$0x3FB5] =	sst s10  }
0x35: {  	s10 =	sld [smem:$0x3FB4];
	_ =	sdelay $0x3  }
0x36: {  	p1 =	seq.s32 s10, $0x1;
	s10 =	sld [smem:$0x3FB5];
	_ =	sdelay $0x3  }
0x37: {  	[smem:$0x3FB5] =	sst s10  }
0x38: {  	s10 =	sld [smem:$0x3FB6]  }
0x39: {  	_ = 	snop;
	(pc) =	sbr.ind lr, $3  }
0x3a: {  	_ = 	snop  }
0x3b: {  	_ = 	snop  }
0x3c: {  	p2 =	seq.s32 s10, $0x1;
	s10 =	sld [smem:$0x3FB5]  }
0x3d: {  	_ =	shalt  }
0x3e: {  	_ =	shalt  }
0x3f: {  	_ =	shalt  }
0x40: {  	_ =	shalt  }
0x41: {  	_ =	shalt  }
0x42: {  	_ =	shalt  }
0x43: {  	_ =	shalt  }
0x44: {  	_ =	shalt  }
0x45: {  	_ =	shalt  }
0x46: {  	_ =	shalt  }
0x47: {  	_ =	shalt  }
0x48: {  	_ =	shalt  }
0x49: {  	_ =	shalt  }
0x4a: {  	_ =	shalt  }
0x4b: {  	_ =	shalt  }
0x4c: {  	_ =	shalt  }
0x4d: {  	_ =	shalt  }
0x4e: {  	_ =	shalt  }
0x4f: {  	_ =	shalt  }
0x50: {  	_ =	shalt  }
0x51: {  	_ =	shalt  }
0x52: {  	_ =	shalt  }
0x53: {  	_ =	shalt  }
0x54: {  	_ =	shalt  }
0x55: {  	_ =	shalt  }
0x56: {  	_ =	shalt  }
0x57: {  	_ =	shalt  }
0x58: {  	_ =	shalt  }
0x59: {  	_ =	shalt  }
0x5a: {  	_ =	shalt  }
0x5b: {  	_ =	shalt  }
0x5c: {  	_ =	shalt  }
0x5d: {  	_ =	shalt  }
0x5e: {  	_ =	shalt  }
0x5f: {  	_ =	shalt  }
0x60: {  	_ =	shalt  }
0x61: {  	_ =	shalt  }
0x62: {  	_ =	shalt  }
0x63: {  	_ =	shalt  }
0x64: {  	_ =	shalt  }
0x65: {  	_ =	shalt  }
0x66: {  	_ =	shalt  }
0x67: {  	_ =	shalt  }
0x68: {  	_ =	shalt  }
0x69: {  	_ =	shalt  }
0x6a: {  	_ =	shalt  }
0x6b: {  	_ =	shalt  }
0x6c: {  	_ =	shalt  }
0x6d: {  	_ =	shalt  }
0x6e: {  	_ =	shalt  }
0x6f: {  	_ =	shalt  }
0x70: {  	_ =	shalt  }
0x71: {  	_ =	shalt  }
0x72: {  	_ =	shalt  }
0x73: {  	_ =	shalt  }
0x74: {  	_ =	shalt  }
0x75: {  	_ =	shalt  }
0x76: {  	_ =	shalt  }
0x77: {  	_ =	shalt  }
0x78: {  	_ =	shalt  }
0x79: {  	_ =	shalt  }
0x7a: {  	_ =	shalt  }
0x7b: {  	_ =	shalt  }
0x7c: {  	_ =	shalt  }
0x7d: {  	_ =	shalt  }
0x7e: {  	_ =	shalt  }
0x7f: {  	_ =	shalt  }
0x80: {  	_ =	shalt  }
0x81: {  	_ =	shalt  }
0x82: {  	_ =	shalt  }
0x83: {  	_ =	shalt  }
0x84: {  	_ =	shalt  }
0x85: {  	_ =	shalt  }
0x86: {  	_ =	shalt  }
0x87: {  	_ =	shalt  }
.Lfunc_end0:
.L_simem_size_0:
called_computation.1_lowered:
.L_overlay_start_0:
0x88: {  	s2 =	sld [smem:$0x3FD9]  }
0x89: {  	s3 =	sld [smem:$0x3FFE];
	_ =	sdelay $0x1  }
0x8a: {  	s1 =	srdreg.scid  }
0x8b: {  	s0 =	sand.u32 $0x1, s1  }
0x8c: {  	s17 =	sshll.u32 s0, $0xA;
	s2 =	sadd.s32 s3, s2  }
0x8d: {  	s2 =	sadd.s32 s2, s17  }
0x8e: {  	[smem:$0x3FC1] =	sst s2  }
0x8f: {  	_ = 	snop  }
0x90: {  	s2 =	sld [smem:$0x3FC7]  }
0x91: {  	s18 =	sld [smem:$0x3FD0];
	(tm) =	ssettm $0x1  }
0x92: {  	s4 =	sld [smem:$0x3FFB];
	_ =	sdelay $0x3  }
0x93: {  	_ =	strace s4  }
0x94: {  	s4 =	sld [smem:$0x3FFC];
	_ =	sdelay $0x3  }
0x95: {  	_ =	strace s4  }
0x96: {  	s4 =	sld [smem:$0x3FFD];
	_ =	sdelay $0x3  }
0x97: {  	_ =	strace s4  }
0x98: {  	_ =	strace $0x8FFFFFFF  }
0x99: {  	s19 =	sld [smem:$0x3FDB];
	_ =	sdelay $0x1  }
0x9a: {  	s5 =	simm.s32 $_scs_section_size  }
0x9b: {  	s6 =	simm.s32 $_size__tile_overlayer_lowered;
	s7 =	simm.s32 $_tile_overlayer_lowered  }
0x9c: {  	s22 =	simm.s32 $0x1BFF;
	s21 =	sshll.u32 s7, $0x1;
	s4 =	sadd.s32 s5, s19  }
0x9d: {  	s8 =	simm.s32 $0x0;
	s20 =	sshll.u32 s6, $0x1;
	s6 =	sadd.s32 s21, s4  }
0x9e: {  	[timem:s8], [sflag:s22] =	dma.local [hbm:s6], s20  }
0x9f: {  	_ =	swait.ge [sflag:s22], s20  }
0xa0: {  	s5 =	ssub.s32 $0x0, s20;
	[sflag:s22] =	ssyncset.done $0x0  }
0xa1: {  	[sflag:s22] =	ssyncadd.s32 s5;
	_ =	sdelay $0x1  }
0xa2: {  	s23 =	simm.s32 $0x1B8B  }
0xa3: {  	_ =	swait.ge [sflag:s23], $0x1  }
0xa4: {  	[sflag:s23] =	ssyncset.done $0x0  }
0xa5: {  	s25 =	simm.s32 $0x1B8E;
	s24 =	sld [smem:$0x3FFE];
	[sflag:s23] =	ssyncadd.s32 $0xFFFFFFFF  }
0xa6: {  	s26 =	simm.s32 $execute0_lowered;
	[smem:$0x3FD2] =	sst s25  }
0xa7: {  	s6 =	sshll.u32 s26, $0x1;
	_ =	strace $0x80000049;
	[dreg:$0x1] =	wrdreg $0xFFFFFFFF  }
0xa8: {  	s28 =	simm.s32 $_size_execute0_lowered;
	s4 =	sadd.s32 s4, s6;
	[dreg:$0x0] =	wrdreg $0x0  }
0xa9: {  	s6 =	sshll.u32 s28, $0x1;
	[dreg:$0x2] =	wrdreg s4  }
0xaa: {  	[dreg:$0x3] =	wrdreg s6  }
0xab: {  	[dreg:$0x4] =	wrdreg $0xC0  }
0xac: {  	_ =	task [dreg:s8], $0x5FFFF  }
0xad: {  	[dreg:$0x1] =	wrdreg $0xFFFFFFFF  }
0xae: {  	[dreg:$0x0] =	wrdreg $0x60  }
0xaf: {  	[dreg:$0x2] =	wrdreg s24  }
0xb0: {  	[dreg:$0x3] =	wrdreg s18  }
0xb1: {  	[dreg:$0x4] =	wrdreg s2  }
0xb2: {  	[dreg:$0x5] =	wrdreg $0xD8300  }
0xb3: {  	[dreg:$0x6] =	wrdreg $0x9  }
0xb4: {  	_ =	task.clear_ibuf [dreg:s8], $0x7FFFF;
	_ =	strace $0x90000049  }
0xb5: {  	s29 =	simm.s32 $0x9;
	_ =	strace $0x8000004B  }
0xb6: {  	_ =	swait.ge [sflag:s29], $0x1  }
0xb7: {  	[sflag:s29] =	ssyncadd.s32 $0xFFFFFFFF  }
0xb8: {  	_ =	strace $0x9000004B  }
0xb9: {  	_ =	sfence  }
0xba: {  	s30 =	sld [smem:$0x0];
	_ =	sdelay $0x2  }
0xbb: {  	s31 =	sshll.u32 s1, $0xD;
	s1 =	sshrl.u32 s1, $0x2  }
0xbc: {  	s3 =	sand.u32 $0x4000, s31;
	s1 =	sadd.s32 s1, s30  }
0xbd: {  	s0 =	sor.u32 s3, s0;
	s1 =	sshll.u32 s1, $0x11  }
0xbe: {  	s0 =	sor.u32 s1, s0  }
0xbf: {  	s0 =	sadd.s32 $0x8F2B, s0  }
0xc0: {  	[sflag:s0] =	ssyncadd.remote.s32 $0x1  }
0xc1: {  	_ =	sfence.sel $0xFFFF  }
0xc2: {  	[dreg:$0x0] =	wrdreg $0xFFFFFFFF;
	(pc) =	sbr.abs _section_cstart, $3  }
0xc3: {  	[dreg:$0x1] =	wrdreg $0xFFFFFFFF  }
0xc4: {  	_ =	task.clear_ibuf [dreg:s8], $0x2FFFF;
	_ =	strace $0x9FFFFFFF  }
0xc5: {  	(tm) =	ssettm $0x7FFFFFFF  }
tec
execute0_lowered:
.L_overlay_start_1:
0x0: {  	(tag) =	ssettag $0x1  }
0x1: {  	s0 =	rddreg [dreg:$0x0]  }
0x2: {  	s1 =	srdreg.scid;
	s6 =	rddreg [dreg:$0x1]  }
0x3: {  	s4 =	stileid.u32;
	s7 =	rddreg [dreg:$0x2];
	s15 =	simm.s32 $0xC030  }
0x4: {  	s16 =	simm.s32 $0xB;
	s17 =	simm.s32 $0x2710;
	s19 =	simm.s32 $0x50  }
0x5: {  	s29 =	simm.s32 $0xB130;
	s30 =	simm.s32 $0x2;
	s18 =	simm.s32 $0x3  }
0x6: {  	s31 =	simm.s32 $0x4;
	s28 =	simm.s32 $0x9;
	s5 =	smul.u32 $0x7800, s4  }
0x7: {  	s1 =	sand.u32 $0x1, s1;
	s2 =	sshll.u32 s4, $0x1;
	s10 =	smul.u32 $0x1E000, s4  }
0x8: {  	s4 =	sadd.s32 $0xA600, s0;
	s3 =	sor.u32 s1, s2;
	s9 =	smul.u32 $0x78000, s1  }
0x9: {  	s2 =	rddreg [dreg:$0x3];
	s1 =	ssub.s32 $0x2, s1;
	s8 =	smul.u32 $0x4E2, s3  }
0xa: {  	s3 =	simm.s32 $0x0;
	s10 =	sshrl.u32 s10, $0x2;
	s20 =	sshrl.u32 s1, $0x1  }
0xb: {  	[smem:$0x7FF] =	sst s3;
	s9 =	sadd.s32 s5, s9;
	s10 =	sadd.s32 s10, s2  }
0xc: {  	s1 =	ssub.s32 s1, s20;
	s5 =	sadd.s32 s5, s2;
	s20 =	simm.s32 $0x7530  }
0xd: {  	_ =	strace $0x8000004A;
	s11 =	sadd.s32 s8, s0;
	s21 =	sadd.s32 $0x1800, s10  }
0xe: {  	s9 =	sshrl.u32 s9, $0x3;
	s22 =	sadd.s32 $0x3000, s10;
	[dreg:$0x5] =	wrdreg s21  }
0xf: {  	s23 =	sadd.s32 $0x4800, s10;
	s24 =	sadd.s32 $0x6000, s10;
	[dreg:$0x6] =	wrdreg s22  }
0x10: {  	s6 =	sadd.s32 s6, s8;
	s26 =	sadd.s32 s7, s8;
	[dreg:$0x7] =	wrdreg s23  }
0x11: {  	s14 =	smax.u32 s1, $0x1;
	s1 =	simm.s32 $0x6;
	[dreg:$0x8] =	wrdreg s24  }
.Ltmp0:
0x12: {  	s0 =	sadd.s32 s9, s0;
	[dreg:$0xa] =	wrdreg s6;
	(pc) =	sbr.rel .LBB2_1-.Ltmp0, $4  }
0x13: {  	s25 =	sadd.s32 $0x800, s11;
	[dreg:$0xb] =	wrdreg s26;
	s21 =	simm.s32 $0x8430  }
0x14: {  	s23 =	simm.s32 $0x9330;
	s26 =	simm.s32 $0x1;
	s24 =	simm.s32 $0x7  }
0x15: {  	s22 =	simm.s32 $0x8;
	s6 =	simm.s32 $0xA;
	[dreg:$0x9] =	wrdreg s25  }
0x16: {  	v0 =	vimm.f32 $0.0e+00;
	s13 =	sadd.s32 $0x19200, s0;
	s25 =	simm.s32 $0xA230;
	s0 =	simm.s32 $0x5  }
.LBB2_6:
0x17: {  	_ =	swait.ge [sflag:s0], $0xF00  }
0x18: {  	[sflag:s0] =	ssyncset.done $0x0  }
0x19: {  	[sflag:s0] =	ssyncadd.s32 $0xFFFFF100  }
0x1a: {  	[spmem:s2] =	stream.indirect.scatter.add.f32 [tilespmem:s29], [sflag:$0xA], $0x30, s9, s19, $0xb8;
	[tilespmem:$0x15030] =	vst v63  }
0x1b: {  	_ =	swait.ge [sflag:s28], $0xF00  }
0x1c: {  	[sflag:s28] =	ssyncset.done $0x0  }
0x1d: {  	[sflag:s28] =	ssyncadd.s32 $0xFFFFF100  }
0x1e: {  	s7 =	stileid.u32;
	_ =	swait.ge [sflag:s6], $0xF00  }
0x1f: {  	s8 =	sshrl.u32 s5, $0x3;
	s3 =	sadd.s32 $0x1, s3;
	[sflag:s6] =	ssyncset.done $0x0  }
0x20: {  	s7 =	sshll.u32 s7, $0x6;
	p0 =	sne.s32 s3, s14;
	[sflag:s6] =	ssyncadd.s32 $0xFFFFF100  }
.Ltmp1:
0x21: {  	s7 =	sor.u32 $0x1C0B, s7;
	[bflag:$0x0] =	sbarrier.arrive $0xFFFF;
	(pc) =	sbr.rel @!p0 .LBB2_7-.Ltmp1, $4  }
0x22: {  	[hbm:s13], [sflag:s7] =	dma.local [spmem:s8], $0xF00  }
0x23: {  	_ =	swait.ge [sflag:s16], $0xF00  }
0x24: {  	[sflag:s16] =	ssyncset.done $0x0  }
0x25: {  	[sflag:s16] =	ssyncadd.s32 $0xFFFFF100  }
.LBB2_1:
0x26: {  	s7 =	simm.s32 $0xC0;
	s8 =	simm.s32 $0x0  }
.LBB2_2:
0x27: {  	p0 =	sne.s32 s7, $0x5F40;
	[tilespmem:s8+$0xC050] =	vst v0;
	s9 =	smov.u32 s7;
	s7 =	sadd.s32 $0xC0, s7  }
.Ltmp2:
0x28: {  	[tilespmem:s8+$0xC030] =	vst v0;
	(pc) =	sbr.rel @p0 .LBB2_2-.Ltmp2, $2  }
0x29: {  	[tilespmem:s8+$0xC040] =	vst v0;
	_ =	sdelay $0x2  }
0x2a: {  	s8 =	sshra.s32 s9, $0x2  }
0x2b: {  	[tilespmem:s8+$0xC050] =	vst v0  }
0x2c: {  	[tilespmem:s8+$0xC030] =	vst v0  }
0x2d: {  	[tilespmem:s8+$0xC040] =	vst v0  }
0x2e: {  	[spmem:s5] =	stream.linear.scatter [tilespmem:s15], [sflag:$0xB], $0x1800, $0x38;
	[tilespmem:$0x15030] =	vst v63  }
0x2f: {  	_ =	swait.ge [sflag:s16], $0x1800  }
0x30: {  	[sflag:s16] =	ssyncset.done $0x0  }
0x31: {  	s7 =	rddreg [dreg:$0x5];
	[sflag:s16] =	ssyncadd.s32 $0xFFFFE800  }
0x32: {  	[spmem:s7] =	stream.linear.scatter [tilespmem:s15], [sflag:$0xB], $0x1800, $0x38;
	[tilespmem:$0x15030] =	vst v63  }
0x33: {  	_ =	swait.ge [sflag:s16], $0x1800  }
0x34: {  	[sflag:s16] =	ssyncset.done $0x0  }
0x35: {  	s12 =	rddreg [dreg:$0x6];
	[sflag:s16] =	ssyncadd.s32 $0xFFFFE800  }
0x36: {  	[spmem:s12] =	stream.linear.scatter [tilespmem:s15], [sflag:$0xB], $0x1800, $0x38;
	[tilespmem:$0x15030] =	vst v63  }
0x37: {  	_ =	swait.ge [sflag:s16], $0x1800  }
0x38: {  	[sflag:s16] =	ssyncset.done $0x0  }
0x39: {  	s8 =	rddreg [dreg:$0x7];
	[sflag:s16] =	ssyncadd.s32 $0xFFFFE800  }
0x3a: {  	[spmem:s8] =	stream.linear.scatter [tilespmem:s15], [sflag:$0xB], $0x1800, $0x38;
	[tilespmem:$0x15030] =	vst v63  }
0x3b: {  	_ =	swait.ge [sflag:s16], $0x1800  }
0x3c: {  	[sflag:s16] =	ssyncset.done $0x0  }
0x3d: {  	s9 =	rddreg [dreg:$0x8];
	[sflag:s16] =	ssyncadd.s32 $0xFFFFE800  }
0x3e: {  	[spmem:s9] =	stream.linear.scatter [tilespmem:s15], [sflag:$0xB], $0x1800, $0x38;
	[tilespmem:$0x15030] =	vst v63  }
0x3f: {  	_ =	swait.ge [sflag:s16], $0x1800  }
0x40: {  	[sflag:s16] =	ssyncset.done $0x0  }
0x41: {  	s7 =	simm.s32 $0x0;
	s10 =	rddreg [dreg:$0x9];
	[sflag:s16] =	ssyncadd.s32 $0xFFFFE800  }
0x42: {  	[tilespmem:s7], [sflag:$0xB] =	stream.linear.gather [hbm4b:s10+s7], $0x2710, $0x38;
	[tilespmem:$0x15030] =	vst v63  }
0x43: {  	_ =	swait.ge [sflag:s16], $0x2710  }
0x44: {  	[sflag:s16] =	ssyncset.done $0x0  }
0x45: {  	s11 =	rddreg [dreg:$0xa];
	[sflag:s16] =	ssyncadd.s32 $0xFFFFD8F0  }
0x46: {  	[tilespmem:s17], [sflag:$0xB] =	stream.linear.gather [hbm4b:s11+s7], $0x2710, $0x38;
	[tilespmem:$0x15030] =	vst v63  }
0x47: {  	_ =	swait.ge [sflag:s16], $0x2710  }
0x48: {  	[sflag:s16] =	ssyncset.done $0x0  }
0x49: {  	s9 =	simm.s32 $0x4E20;
	s12 =	rddreg [dreg:$0xb];
	[sflag:s16] =	ssyncadd.s32 $0xFFFFD8F0  }
0x4a: {  	[tilespmem:s9], [sflag:$0xB] =	stream.linear.gather [hbm4b:s12+s7], $0x2710, $0x38;
	[tilespmem:$0x15030] =	vst v63  }
0x4b: {  	_ =	swait.ge [sflag:s16], $0x2710  }
0x4c: {  	[sflag:s16] =	ssyncset.done $0x0  }
0x4d: {  	[sflag:s16] =	ssyncadd.s32 $0xFFFFD8F0  }
0x4e: {  	[bflag:$0x0] =	sbarrier.arrive $0xFFFF  }
0x4f: {  	[tilespmem:s20], [sflag:$0x1] =	stream.indirect.gather [hbm4b:s4+s19], $0x30, s7, s19, $0xb8;
	[tilespmem:$0x15030] =	vst v63  }
0x50: {  	_ = 	snop  }
0x51: {  	[tilespmem:s21], [sflag:$0x2] =	stream.indirect.gather [hbm4b:s4+s19], $0x30, s19, s19, $0xb8;
	[tilespmem:$0x15030] =	vst v63  }
0x52: {  	s10 =	simm.s32 $0xA0  }
0x53: {  	[tilespmem:s23], [sflag:$0x3] =	stream.indirect.gather [hbm4b:s4+s19], $0x30, s10, s19, $0xb8;
	[tilespmem:$0x15030] =	vst v63  }
0x54: {  	s11 =	simm.s32 $0xF0  }
0x55: {  	[tilespmem:s25], [sflag:$0x4] =	stream.indirect.gather [hbm4b:s4+s19], $0x30, s11, s19, $0xb8;
	[tilespmem:$0x15030] =	vst v63  }
0x56: {  	_ =	swait.ge [sflag:s26], $0xF00  }
0x57: {  	[sflag:s26] =	ssyncset.done $0x0  }
0x58: {  	[sflag:s26] =	ssyncadd.s32 $0xFFFFF100  }
0x59: {  	[spmem:s2] =	stream.indirect.scatter.add.f32 [tilespmem:s20], [sflag:$0x6], $0x30, s17, s19, $0xb8;
	[tilespmem:$0x15030] =	vst v63  }
0x5a: {  	s12 =	simm.s32 $0x140  }
0x5b: {  	[tilespmem:s29], [sflag:$0x5] =	stream.indirect.gather [hbm4b:s4+s19], $0x30, s12, s19, $0xb8;
	[tilespmem:$0x15030] =	vst v63  }
0x5c: {  	_ =	swait.ge [sflag:s30], $0xF00  }
0x5d: {  	[sflag:s30] =	ssyncset.done $0x0  }
0x5e: {  	s9 =	simm.s32 $0x2760;
	[sflag:s30] =	ssyncadd.s32 $0xFFFFF100  }
0x5f: {  	[spmem:s2] =	stream.indirect.scatter.add.f32 [tilespmem:s21], [sflag:$0x7], $0x30, s9, s19, $0xb8;
	[tilespmem:$0x15030] =	vst v63  }
0x60: {  	_ =	swait.ge [sflag:s1], $0xF00  }
0x61: {  	[sflag:s1] =	ssyncset.done $0x0  }
0x62: {  	s10 =	simm.s32 $0x190;
	[sflag:s1] =	ssyncadd.s32 $0xFFFFF100  }
0x63: {  	[tilespmem:s20], [sflag:$0x1] =	stream.indirect.gather [hbm4b:s4+s19], $0x30, s10, s19, $0xb8;
	[tilespmem:$0x15030] =	vst v63  }
0x64: {  	_ =	swait.ge [sflag:s18], $0xF00  }
0x65: {  	[sflag:s18] =	ssyncset.done $0x0  }
0x66: {  	s11 =	simm.s32 $0x27B0;
	[sflag:s18] =	ssyncadd.s32 $0xFFFFF100  }
0x67: {  	[spmem:s2] =	stream.indirect.scatter.add.f32 [tilespmem:s23], [sflag:$0x8], $0x30, s11, s19, $0xb8;
	[tilespmem:$0x15030] =	vst v63  }
0x68: {  	_ =	swait.ge [sflag:s24], $0xF00  }
0x69: {  	[sflag:s24] =	ssyncset.done $0x0  }
0x6a: {  	s12 =	simm.s32 $0x1E0;
	[sflag:s24] =	ssyncadd.s32 $0xFFFFF100  }
0x6b: {  	[tilespmem:s21], [sflag:$0x2] =	stream.indirect.gather [hbm4b:s4+s19], $0x30, s12, s19, $0xb8;
	[tilespmem:$0x15030] =	vst v63  }
0x6c: {  	_ =	swait.ge [sflag:s31], $0xF00  }
0x6d: {  	[sflag:s31] =	ssyncset.done $0x0  }
0x6e: {  	s9 =	simm.s32 $0x2800;
	[sflag:s31] =	ssyncadd.s32 $0xFFFFF100  }
0x6f: {  	[spmem:s2] =	stream.indirect.scatter.add.f32 [tilespmem:s25], [sflag:$0x9], $0x30, s9, s19, $0xb8;
	[tilespmem:$0x15030] =	vst v63  }
0x70: {  	_ =	swait.ge [sflag:s22], $0xF00  }
0x71: {  	[sflag:s22] =	ssyncset.done $0x0  }
0x72: {  	s10 =	simm.s32 $0x230;
	[sflag:s22] =	ssyncadd.s32 $0xFFFFF100  }
0x73: {  	[tilespmem:s23], [sflag:$0x3] =	stream.indirect.gather [hbm4b:s4+s19], $0x30, s10, s19, $0xb8;
	[tilespmem:$0x15030] =	vst v63  }
0x74: {  	_ =	swait.ge [sflag:s0], $0xF00  }
0x75: {  	[sflag:s0] =	ssyncset.done $0x0  }
0x76: {  	s11 =	simm.s32 $0x2850;
	[sflag:s0] =	ssyncadd.s32 $0xFFFFF100  }
0x77: {  	[spmem:s2] =	stream.indirect.scatter.add.f32 [tilespmem:s29], [sflag:$0xA], $0x30, s11, s19, $0xb8;
	[tilespmem:$0x15030] =	vst v63  }
0x78: {  	_ =	swait.ge [sflag:s28], $0xF00  }
0x79: {  	[sflag:s28] =	ssyncset.done $0x0  }
0x7a: {  	s12 =	simm.s32 $0x280;
	[sflag:s28] =	ssyncadd.s32 $0xFFFFF100  }
0x7b: {  	[tilespmem:s25], [sflag:$0x4] =	stream.indirect.gather [hbm4b:s4+s19], $0x30, s12, s19, $0xb8;
	[tilespmem:$0x15030] =	vst v63  }
.LBB2_4:
0x7c: {  	_ =	swait.ge [sflag:s26], $0xF00  }
0x7d: {  	s8 =	sshra.s32 s7, $0x2;
	[sflag:s26] =	ssyncset.done $0x0  }
0x7e: {  	s9 =	sadd.s32 $0x28A0, s8;
	[sflag:s26] =	ssyncadd.s32 $0xFFFFF100  }
0x7f: {  	[spmem:s2] =	stream.indirect.scatter.add.f32 [tilespmem:s20], [sflag:$0x6], $0x30, s9, s19, $0xb8;
	[tilespmem:$0x15030] =	vst v63  }
0x80: {  	_ =	swait.ge [sflag:s6], $0xF00  }
0x81: {  	[sflag:s6] =	ssyncset.done $0x0  }
0x82: {  	s10 =	sadd.s32 $0x2D0, s8;
	[sflag:s6] =	ssyncadd.s32 $0xFFFFF100  }
0x83: {  	[tilespmem:s29], [sflag:$0x5] =	stream.indirect.gather [hbm4b:s4+s19], $0x30, s10, s19, $0xb8;
	[tilespmem:$0x15030] =	vst v63  }
0x84: {  	_ =	swait.ge [sflag:s30], $0xF00  }
0x85: {  	[sflag:s30] =	ssyncset.done $0x0  }
0x86: {  	s11 =	sadd.s32 $0x28F0, s8;
	[sflag:s30] =	ssyncadd.s32 $0xFFFFF100  }
0x87: {  	[spmem:s2] =	stream.indirect.scatter.add.f32 [tilespmem:s21], [sflag:$0x7], $0x30, s11, s19, $0xb8;
	[tilespmem:$0x15030] =	vst v63  }
0x88: {  	_ =	swait.ge [sflag:s1], $0xF00  }
0x89: {  	p0 =	seq.s32 s7, $0x8FC0;
	[sflag:s1] =	ssyncset.done $0x0  }
0x8a: {  	s9 =	simm.s32 @p0 $0x3;
	[sflag:s1] =	ssyncadd.s32 $0xFFFFF100  }
0x8b: {  	_ =	swait.ge @p0 [sflag:s9], $0xF00  }
0x8c: {  	[sflag:s9] =	ssyncset.done @p0 $0x0  }
0x8d: {  	[sflag:s9] =	ssyncadd.s32 @p0 $0xFFFFF100;
	s9 =	sshra.s32 @p0 s7, $0x2  }
0x8e: {  	s10 =	simm.s32 @p0 $0x50;
	s11 =	simm.s32 @p0 $0x9330;
	s9 =	sadd.s32 @p0 $0x2940, s9  }
0x8f: {  	[spmem:s2] =	stream.indirect.scatter.add.f32 @p0 [tilespmem:s11], [sflag:$0x8], $0x30, s9, s10, $0xb8;
	[tilespmem:$0x15030] =	vst v63  }
0x90: {  	s9 =	simm.s32 @p0 $0x7  }
0x91: {  	_ =	swait.ge @p0 [sflag:s9], $0xF00  }
0x92: {  	[sflag:s9] =	ssyncset.done @p0 $0x0  }
0x93: {  	[sflag:s9] =	ssyncadd.s32 @p0 $0xFFFFF100;
	s9 =	sshra.s32 @!p0 s7, $0x2  }
0x94: {  	s12 =	simm.s32 @!p0 $0x7530;
	s11 =	simm.s32 @!p0 $0x50;
	s10 =	sadd.s32 @!p0 $0x320, s9  }
0x95: {  	[tilespmem:s12], [sflag:$0x1] =	stream.indirect.gather @!p0 [hbm4b:s4+s11], $0x30, s10, s11, $0xb8;
	[tilespmem:$0x15030] =	vst v63  }
0x96: {  	s10 =	simm.s32 @!p0 $0x3  }
0x97: {  	_ =	swait.ge @!p0 [sflag:s10], $0xF00  }
0x98: {  	[sflag:s10] =	ssyncset.done @!p0 $0x0  }
0x99: {  	s12 =	simm.s32 @!p0 $0x9330;
	[sflag:s10] =	ssyncadd.s32 @!p0 $0xFFFFF100;
	s10 =	sadd.s32 @!p0 $0x2940, s9  }
0x9a: {  	[spmem:s2] =	stream.indirect.scatter.add.f32 @!p0 [tilespmem:s12], [sflag:$0x8], $0x30, s10, s11, $0xb8;
	[tilespmem:$0x15030] =	vst v63  }
0x9b: {  	s10 =	simm.s32 @!p0 $0x7  }
0x9c: {  	_ =	swait.ge @!p0 [sflag:s10], $0xF00  }
0x9d: {  	[sflag:s10] =	ssyncset.done @!p0 $0x0  }
0x9e: {  	s9 =	sadd.s32 @!p0 $0x370, s9;
	[sflag:s10] =	ssyncadd.s32 @!p0 $0xFFFFF100;
	s10 =	simm.s32 @!p0 $0x8430  }
0x9f: {  	[tilespmem:s10], [sflag:$0x2] =	stream.indirect.gather @!p0 [hbm4b:s4+s11], $0x30, s9, s11, $0xb8;
	[tilespmem:$0x15030] =	vst v63  }
0xa0: {  	_ =	swait.ge [sflag:s31], $0xF00  }
0xa1: {  	[sflag:s31] =	ssyncset.done $0x0  }
.Ltmp3:
0xa2: {  	s12 =	sadd.s32 $0x2990, s8;
	[sflag:s31] =	ssyncadd.s32 $0xFFFFF100;
	(pc) =	sbr.rel @p0 .LBB2_6-.Ltmp3, $4  }
0xa3: {  	[spmem:s2] =	stream.indirect.scatter.add.f32 [tilespmem:s25], [sflag:$0x9], $0x30, s12, s19, $0xb8;
	[tilespmem:$0x15030] =	vst v63  }
0xa4: {  	_ =	swait.ge [sflag:s22], $0xF00  }
0xa5: {  	[sflag:s22] =	ssyncset.done $0x0  }
0xa6: {  	s9 =	sadd.s32 $0x29E0, s8;
	[sflag:s22] =	ssyncadd.s32 $0xFFFFF100  }
0xa7: {  	s10 =	sadd.s32 $0x3C0, s8  }
0xa8: {  	[tilespmem:s23], [sflag:$0x3] =	stream.indirect.gather [hbm4b:s4+s19], $0x30, s10, s19, $0xb8;
	[tilespmem:$0x15030] =	vst v63  }
0xa9: {  	_ =	swait.ge [sflag:s0], $0xF00  }
0xaa: {  	[sflag:s0] =	ssyncset.done $0x0  }
0xab: {  	[sflag:s0] =	ssyncadd.s32 $0xFFFFF100  }
0xac: {  	[spmem:s2] =	stream.indirect.scatter.add.f32 [tilespmem:s29], [sflag:$0xA], $0x30, s9, s19, $0xb8;
	[tilespmem:$0x15030] =	vst v63  }
.Ltmp4:
0xad: {  	_ = 	snop;
	(pc) =	sbr.rel .LBB2_4-.Ltmp4, $4  }
0xae: {  	_ =	swait.ge [sflag:s28], $0xF00  }
0xaf: {  	[sflag:s28] =	ssyncset.done $0x0  }
0xb0: {  	s12 =	sadd.s32 $0x410, s8;
	s7 =	sadd.s32 $0x640, s7;
	[sflag:s28] =	ssyncadd.s32 $0xFFFFF100  }
0xb1: {  	[tilespmem:s25], [sflag:$0x4] =	stream.indirect.gather [hbm4b:s4+s19], $0x30, s12, s19, $0xb8;
	[tilespmem:$0x15030] =	vst v63  }
.LBB2_7:
0xb2: {  	_ =	sfence.sel $0x180000  }
0xb3: {  	[bflag:$0x0] =	sbarrier.arrive $0xFFFF  }
0xb4: {  	_ =	strace $0x9000004A  }
0xb5: {  	s0 =	stileid.u32;
	[bflag:$0x2] =	sbarrier.arrive $0xFFFF  }
0xb6: {  	p0 =	sne.s32 s0, $0x0;
	s0 =	rddreg [dreg:$0x4]  }
0xb7: {  	s0 =	sadd.s32 @!p0 $0x100000, s0  }
0xb8: {  	[sflag:s0] =	ssyncadd.tile.s32 @!p0 $0x1;
	_ =	shalt  }
.Lfunc_end2:
_tile_overlayer_lowered:
.L_overlay_start_2:
0xb9: {  	(tag) =	ssettag $0x2  }
0xba: {  	s0 =	rddreg [dreg:$0x0];
	s2 =	stileid.u32  }
0xbb: {  	s1 =	rddreg [dreg:$0x1];
	p0 =	sne.s32 s2, $0x0  }
0xbc: {  	s3 =	rddreg [dreg:$0x2];
	[bflag:$0x3] =	sbarrier.arrive $0xFFFF;
	s2 =	simm.s32 @!p0 $0x1C0B  }
0xbd: {  	[timem:s3], [sflag:s2] =	dma.local @!p0 [hbm:s0], s1  }
0xbe: {  	s0 =	simm.s32 @!p0 $0xB  }
0xbf: {  	_ =	swait.ge @!p0 [sflag:s0], s1  }
0xc0: {  	s1 =	ssub.s32 @!p0 $0x0, s1;
	[sflag:s0] =	ssyncset.done @!p0 $0x0  }
0xc1: {  	[sflag:s0] =	ssyncadd.s32 @!p0 s1  }
0xc2: {  	[bflag:$0x3] =	sbarrier.arrive $0xFFFF  }
0xc3: {  	_ =	shalt  }

// kernel: kernel.7.cloned.1.call-start
scs
__scs_entry_jumppad:
0x0: {  	(pc) =	sbr.rel $0x88, $3  }
0x1: {  	(tag) =	ssettag $0x0;
	lr =	simm.s32 $0x1  }
0x2: {  	[smem:$0x3F9A] =	sst lr;
	_ =	strace $0xD0000000  }
0x3: {  	_ = 	snop  }
0x4: {  	_ = 	snop  }
0x5: {  	_ = 	snop  }
0x6: {  	_ = 	snop  }
0x7: {  	_ = 	snop  }
__scs_overlays_trampoline_lowered:
0x8: {  	[smem:$0x3FA9] =	sst s0  }
0x9: {  	[smem:$0x3FAA] =	sst s1  }
0xa: {  	[smem:$0x3FAB] =	sst s2  }
0xb: {  	[smem:$0x3FAC] =	sst s3  }
0xc: {  	[smem:$0x3FAD] =	sst s4  }
0xd: {  	[smem:$0x3FAE] =	sst s5  }
0xe: {  	[smem:$0x3FAF] =	sst s6  }
0xf: {  	[smem:$0x3FB0] =	sst s7  }
0x10: {  	[smem:$0x3FB1] =	sst s8  }
0x11: {  	[smem:$0x3FB2] =	sst s9;
	s0 =	simm.s32 @!p0 $0x0  }
0x12: {  	s1 =	sld [smem:$0x3F98];
	s0 =	simm.s32 @p0 $0x1  }
0x13: {  	[smem:$0x3FB3] =	sst s0;
	s0 =	simm.s32 @!p1 $0x0  }
0x14: {  	s2 =	sld [smem:$0x3F97];
	s0 =	simm.s32 @p1 $0x1  }
0x15: {  	[smem:$0x3FB4] =	sst s0;
	s0 =	simm.s32 @!p2 $0x0  }
0x16: {  	s3 =	sld [smem:$0x3FDB];
	s0 =	simm.s32 @p2 $0x1  }
0x17: {  	s4 =	simm.s32 $0x1BF5;
	[smem:$0x3FB6] =	sst s0  }
0x18: {  	s0 =	sld [smem:$0x3F99];
	_ =	swait.ge [sflag:s4], $0x0  }
0x19: {  	s7 =	sld [smem:$0x3F9A]  }
0x1a: {  	s8 =	sadd.s32 $0xFFFFE003, lr  }
0x1b: {  	s9 =	sadd.s32 $0xFFFFFEF7, lr;
	s5 =	simm.s32 $0xFFFFFFFF;
	p2 =	slt.u32 s8, $0xFFFFF086  }
0x1c: {  	p1 =	slt.u32 s9, $0xF7A;
	s5 =	simm.s32 @!p2 $0x0  }
0x1d: {  	s5 =	simm.s32 @p1 $0x1;
	p0 =	seq.s32 s7, s2  }
0x1e: {  	s7 =	smul.u32 @!p0 $0xF7A, s2;
	p2 =	seq.s32 @!p0 s5, $0x0  }
0x1f: {  	s9 =	smul.u32 $0xF7A, s1;
	s8 =	simm.s32 @!p0 $0x1BF5;
	p2 =	por !p2, p0  }
0x20: {  	[sflag:s8] =	ssyncset.s32 @!p0 $0xFFFFF086;
	s6 =	sadd.s32 @!p0 s3, s7;
	s7 =	simm.s32 @!p0 $0x108  }
0x21: {  	s3 =	sadd.s32 s3, s9;
	s6 =	sadd.s32 @!p0 $0x88, s6;
	s7 =	simm.s32 @p2 $0x1082  }
0x22: {  	[simem:s7], [sflag:s8] =	dma.local @!p0 [hbm:s6], $0xF7A  }
0x23: {  	s9 =	sor.u32 $0xD0000000, s2;
	s6 =	simm.s32 $0x108;
	_ =	swait.ge @!p0 [sflag:s8], $0x0  }
0x24: {  	s3 =	sadd.s32 $0x88, s3;
	s6 =	simm.s32 @!p1 $0x1082;
	[sflag:s4] =	ssyncset.s32 $0xFFFFF086  }
0x25: {  	[simem:s6], [sflag:s4] =	dma.local [hbm:s3], $0xF7A  }
0x26: {  	[smem:$0x3F9A] =	sst s1;
	(tag) =	ssettag s2;
	_ =	strace s9  }
0x27: {  	s1 =	sld [smem:$0x3FAA]  }
0x28: {  	s2 =	sld [smem:$0x3FAB]  }
0x29: {  	s4 =	sld [smem:$0x3FAD]  }
0x2a: {  	p0 =	seq.s32 s5, $0x0;
	s5 =	sld [smem:$0x3FAE]  }
0x2b: {  	s6 =	sld [smem:$0x3FAF]  }
0x2c: {  	s7 =	sld [smem:$0x3FB0]  }
0x2d: {  	s3 =	simm.s32 $0x108;
	s8 =	sld [smem:$0x3FB1]  }
0x2e: {  	s3 =	simm.s32 @!p0 $0x1082;
	s9 =	sld [smem:$0x3FB2]  }
0x2f: {  	lr =	sadd.s32 s0, s3;
	s0 =	sld [smem:$0x3FA9]  }
0x30: {  	s3 =	sld [smem:$0x3FAC]  }
0x31: {  	[smem:$0x3FB5] =	sst s10  }
0x32: {  	s10 =	sld [smem:$0x3FB3];
	_ =	sdelay $0x3  }
0x33: {  	p0 =	seq.s32 s10, $0x1;
	s10 =	sld [smem:$0x3FB5];
	_ =	sdelay $0x3  }
0x34: {  	[smem:$0x3FB5] =	sst s10  }
0x35: {  	s10 =	sld [smem:$0x3FB4];
	_ =	sdelay $0x3  }
0x36: {  	p1 =	seq.s32 s10, $0x1;
	s10 =	sld [smem:$0x3FB5];
	_ =	sdelay $0x3  }
0x37: {  	[smem:$0x3FB5] =	sst s10  }
0x38: {  	s10 =	sld [smem:$0x3FB6]  }
0x39: {  	_ = 	snop;
	(pc) =	sbr.ind lr, $3  }
0x3a: {  	_ = 	snop  }
0x3b: {  	_ = 	snop  }
0x3c: {  	p2 =	seq.s32 s10, $0x1;
	s10 =	sld [smem:$0x3FB5]  }
0x3d: {  	_ =	shalt  }
0x3e: {  	_ =	shalt  }
0x3f: {  	_ =	shalt  }
0x40: {  	_ =	shalt  }
0x41: {  	_ =	shalt  }
0x42: {  	_ =	shalt  }
0x43: {  	_ =	shalt  }
0x44: {  	_ =	shalt  }
0x45: {  	_ =	shalt  }
0x46: {  	_ =	shalt  }
0x47: {  	_ =	shalt  }
0x48: {  	_ =	shalt  }
0x49: {  	_ =	shalt  }
0x4a: {  	_ =	shalt  }
0x4b: {  	_ =	shalt  }
0x4c: {  	_ =	shalt  }
0x4d: {  	_ =	shalt  }
0x4e: {  	_ =	shalt  }
0x4f: {  	_ =	shalt  }
0x50: {  	_ =	shalt  }
0x51: {  	_ =	shalt  }
0x52: {  	_ =	shalt  }
0x53: {  	_ =	shalt  }
0x54: {  	_ =	shalt  }
0x55: {  	_ =	shalt  }
0x56: {  	_ =	shalt  }
0x57: {  	_ =	shalt  }
0x58: {  	_ =	shalt  }
0x59: {  	_ =	shalt  }
0x5a: {  	_ =	shalt  }
0x5b: {  	_ =	shalt  }
0x5c: {  	_ =	shalt  }
0x5d: {  	_ =	shalt  }
0x5e: {  	_ =	shalt  }
0x5f: {  	_ =	shalt  }
0x60: {  	_ =	shalt  }
0x61: {  	_ =	shalt  }
0x62: {  	_ =	shalt  }
0x63: {  	_ =	shalt  }
0x64: {  	_ =	shalt  }
0x65: {  	_ =	shalt  }
0x66: {  	_ =	shalt  }
0x67: {  	_ =	shalt  }
0x68: {  	_ =	shalt  }
0x69: {  	_ =	shalt  }
0x6a: {  	_ =	shalt  }
0x6b: {  	_ =	shalt  }
0x6c: {  	_ =	shalt  }
0x6d: {  	_ =	shalt  }
0x6e: {  	_ =	shalt  }
0x6f: {  	_ =	shalt  }
0x70: {  	_ =	shalt  }
0x71: {  	_ =	shalt  }
0x72: {  	_ =	shalt  }
0x73: {  	_ =	shalt  }
0x74: {  	_ =	shalt  }
0x75: {  	_ =	shalt  }
0x76: {  	_ =	shalt  }
0x77: {  	_ =	shalt  }
0x78: {  	_ =	shalt  }
0x79: {  	_ =	shalt  }
0x7a: {  	_ =	shalt  }
0x7b: {  	_ =	shalt  }
0x7c: {  	_ =	shalt  }
0x7d: {  	_ =	shalt  }
0x7e: {  	_ =	shalt  }
0x7f: {  	_ =	shalt  }
0x80: {  	_ =	shalt  }
0x81: {  	_ =	shalt  }
0x82: {  	_ =	shalt  }
0x83: {  	_ =	shalt  }
0x84: {  	_ =	shalt  }
0x85: {  	_ =	shalt  }
0x86: {  	_ =	shalt  }
0x87: {  	_ =	shalt  }
.Lfunc_end0:
.L_simem_size_0:
called_computation_lowered:
.L_overlay_start_0:
0x88: {  	s2 =	sld [smem:$0x3FD9]  }
0x89: {  	s3 =	sld [smem:$0x3FFE];
	_ =	sdelay $0x1  }
0x8a: {  	s1 =	srdreg.scid  }
0x8b: {  	s0 =	sand.u32 $0x1, s1  }
0x8c: {  	s17 =	sshll.u32 s0, $0xA;
	s2 =	sadd.s32 s3, s2  }
0x8d: {  	s2 =	sadd.s32 s2, s17  }
0x8e: {  	[smem:$0x3FC1] =	sst s2  }
0x8f: {  	_ = 	snop  }
0x90: {  	s2 =	sld [smem:$0x3FC7]  }
0x91: {  	s18 =	sld [smem:$0x3FD0];
	(tm) =	ssettm $0x1  }
0x92: {  	s4 =	sld [smem:$0x3FFB];
	_ =	sdelay $0x3  }
0x93: {  	_ =	strace s4  }
0x94: {  	s4 =	sld [smem:$0x3FFC];
	_ =	sdelay $0x3  }
0x95: {  	_ =	strace s4  }
0x96: {  	s4 =	sld [smem:$0x3FFD];
	_ =	sdelay $0x3  }
0x97: {  	_ =	strace s4  }
0x98: {  	_ =	strace $0x8FFFFFFF  }
0x99: {  	s19 =	sld [smem:$0x3FDB];
	_ =	sdelay $0x1  }
0x9a: {  	s5 =	simm.s32 $_scs_section_size  }
0x9b: {  	s6 =	simm.s32 $_size__tile_overlayer_lowered;
	s7 =	simm.s32 $_tile_overlayer_lowered  }
0x9c: {  	s22 =	simm.s32 $0x1BFF;
	s21 =	sshll.u32 s7, $0x1;
	s4 =	sadd.s32 s5, s19  }
0x9d: {  	s8 =	simm.s32 $0x0;
	s20 =	sshll.u32 s6, $0x1;
	s6 =	sadd.s32 s21, s4  }
0x9e: {  	[timem:s8], [sflag:s22] =	dma.local [hbm:s6], s20  }
0x9f: {  	_ =	swait.ge [sflag:s22], s20  }
0xa0: {  	s5 =	ssub.s32 $0x0, s20;
	[sflag:s22] =	ssyncset.done $0x0  }
0xa1: {  	[sflag:s22] =	ssyncadd.s32 s5;
	_ =	sdelay $0x1  }
0xa2: {  	s23 =	simm.s32 $0x1B8B  }
0xa3: {  	_ =	swait.ge [sflag:s23], $0x1  }
0xa4: {  	[sflag:s23] =	ssyncset.done $0x0  }
0xa5: {  	s25 =	simm.s32 $0x1B8E;
	s24 =	sld [smem:$0x3FFE];
	[sflag:s23] =	ssyncadd.s32 $0xFFFFFFFF  }
0xa6: {  	s26 =	simm.s32 $execute0_lowered;
	[smem:$0x3FD2] =	sst s25  }
0xa7: {  	s6 =	sshll.u32 s26, $0x1;
	_ =	strace $0x80000046;
	[dreg:$0x1] =	wrdreg $0xFFFFFFFF  }
0xa8: {  	s28 =	simm.s32 $_size_execute0_lowered;
	s4 =	sadd.s32 s4, s6;
	[dreg:$0x0] =	wrdreg $0x0  }
0xa9: {  	s6 =	sshll.u32 s28, $0x1;
	[dreg:$0x2] =	wrdreg s4  }
0xaa: {  	[dreg:$0x3] =	wrdreg s6  }
0xab: {  	[dreg:$0x4] =	wrdreg $0xC0  }
0xac: {  	_ =	task [dreg:s8], $0x5FFFF  }
0xad: {  	[dreg:$0x1] =	wrdreg $0xFFFFFFFF  }
0xae: {  	[dreg:$0x0] =	wrdreg $0x60  }
0xaf: {  	[dreg:$0x2] =	wrdreg s24  }
0xb0: {  	[dreg:$0x3] =	wrdreg s18  }
0xb1: {  	[dreg:$0x4] =	wrdreg s2  }
0xb2: {  	[dreg:$0x5] =	wrdreg $0xF9300  }
0xb3: {  	[dreg:$0x6] =	wrdreg $0x9  }
0xb4: {  	_ =	task.clear_ibuf [dreg:s8], $0x7FFFF;
	_ =	strace $0x90000046  }
0xb5: {  	s29 =	simm.s32 $0x9;
	_ =	strace $0x80000048  }
0xb6: {  	_ =	swait.ge [sflag:s29], $0x1  }
0xb7: {  	[sflag:s29] =	ssyncadd.s32 $0xFFFFFFFF  }
0xb8: {  	_ =	strace $0x90000048  }
0xb9: {  	_ =	sfence  }
0xba: {  	s30 =	sld [smem:$0x0];
	_ =	sdelay $0x2  }
0xbb: {  	s31 =	sshll.u32 s1, $0xD;
	s1 =	sshrl.u32 s1, $0x2  }
0xbc: {  	s3 =	sand.u32 $0x4000, s31;
	s1 =	sadd.s32 s1, s30  }
0xbd: {  	s0 =	sor.u32 s3, s0;
	s1 =	sshll.u32 s1, $0x11  }
0xbe: {  	s0 =	sor.u32 s1, s0  }
0xbf: {  	s0 =	sadd.s32 $0x8F2B, s0  }
0xc0: {  	[sflag:s0] =	ssyncadd.remote.s32 $0x1  }
0xc1: {  	_ =	sfence.sel $0xFFFF  }
0xc2: {  	[dreg:$0x0] =	wrdreg $0xFFFFFFFF;
	(pc) =	sbr.abs _section_cstart, $3  }
0xc3: {  	[dreg:$0x1] =	wrdreg $0xFFFFFFFF  }
0xc4: {  	_ =	task.clear_ibuf [dreg:s8], $0x2FFFF;
	_ =	strace $0x9FFFFFFF  }
0xc5: {  	(tm) =	ssettm $0x7FFFFFFF  }
tec
execute0_lowered:
.L_overlay_start_1:
0x0: {  	(tag) =	ssettag $0x1  }
0x1: {  	s0 =	rddreg [dreg:$0x0]  }
0x2: {  	s1 =	srdreg.scid;
	s6 =	rddreg [dreg:$0x1]  }
0x3: {  	s4 =	stileid.u32;
	s7 =	rddreg [dreg:$0x2];
	s15 =	simm.s32 $0xD930  }
0x4: {  	s16 =	simm.s32 $0xB;
	s17 =	simm.s32 $0x2710;
	s19 =	simm.s32 $0x50  }
0x5: {  	s29 =	simm.s32 $0xC530;
	s30 =	simm.s32 $0x2;
	s18 =	simm.s32 $0x3  }
0x6: {  	s31 =	simm.s32 $0x4;
	s28 =	simm.s32 $0x9;
	s5 =	smul.u32 $0xA000, s4  }
0x7: {  	s1 =	sand.u32 $0x1, s1;
	s2 =	sshll.u32 s4, $0x1;
	s10 =	smul.u32 $0x28000, s4  }
0x8: {  	s4 =	sadd.s32 $0xA600, s0;
	s3 =	sor.u32 s1, s2;
	s9 =	smul.u32 $0xA0000, s1  }
0x9: {  	s2 =	rddreg [dreg:$0x3];
	s1 =	ssub.s32 $0x2, s1;
	s8 =	smul.u32 $0x4E2, s3  }
0xa: {  	s3 =	simm.s32 $0x0;
	s10 =	sshrl.u32 s10, $0x2;
	s20 =	sshrl.u32 s1, $0x1  }
0xb: {  	[smem:$0x7FF] =	sst s3;
	s9 =	sadd.s32 s5, s9;
	s10 =	sadd.s32 s10, s2  }
0xc: {  	s1 =	ssub.s32 s1, s20;
	s5 =	sadd.s32 s5, s2;
	s20 =	simm.s32 $0x7530  }
0xd: {  	_ =	strace $0x80000047;
	s11 =	sadd.s32 s8, s0;
	s21 =	sadd.s32 $0x2000, s10  }
0xe: {  	s9 =	sshrl.u32 s9, $0x3;
	s22 =	sadd.s32 $0x4000, s10;
	[dreg:$0x5] =	wrdreg s21  }
0xf: {  	s23 =	sadd.s32 $0x6000, s10;
	s24 =	sadd.s32 $0x8000, s10;
	[dreg:$0x6] =	wrdreg s22  }
0x10: {  	s6 =	sadd.s32 s6, s8;
	s26 =	sadd.s32 s7, s8;
	[dreg:$0x7] =	wrdreg s23  }
0x11: {  	s14 =	smax.u32 s1, $0x1;
	s1 =	simm.s32 $0x6;
	[dreg:$0x8] =	wrdreg s24  }
.Ltmp0:
0x12: {  	s0 =	sadd.s32 s9, s0;
	[dreg:$0xa] =	wrdreg s6;
	(pc) =	sbr.rel .LBB2_1-.Ltmp0, $4  }
0x13: {  	s25 =	sadd.s32 $0x800, s11;
	[dreg:$0xb] =	wrdreg s26;
	s21 =	simm.s32 $0x8930  }
0x14: {  	s23 =	simm.s32 $0x9D30;
	s26 =	simm.s32 $0x1;
	s24 =	simm.s32 $0x7  }
0x15: {  	s22 =	simm.s32 $0x8;
	s6 =	simm.s32 $0xA;
	[dreg:$0x9] =	wrdreg s25  }
0x16: {  	v0 =	vimm.f32 $0.0e+00;
	s13 =	sadd.s32 $0x1E000, s0;
	s25 =	simm.s32 $0xB130;
	s0 =	simm.s32 $0x5  }
.LBB2_6:
0x17: {  	_ =	swait.ge [sflag:s0], $0x1400  }
0x18: {  	[sflag:s0] =	ssyncset.done $0x0  }
0x19: {  	[sflag:s0] =	ssyncadd.s32 $0xFFFFEC00  }
0x1a: {  	[spmem:s2] =	stream.indirect.scatter.add.f32 [tilespmem:s29], [sflag:$0xA], $0x40, s9, s19, $0xb8;
	[tilespmem:$0x19930] =	vst v63  }
0x1b: {  	_ =	swait.ge [sflag:s28], $0x1400  }
0x1c: {  	[sflag:s28] =	ssyncset.done $0x0  }
0x1d: {  	[sflag:s28] =	ssyncadd.s32 $0xFFFFEC00  }
0x1e: {  	s7 =	stileid.u32;
	_ =	swait.ge [sflag:s6], $0x1400  }
0x1f: {  	s8 =	sshrl.u32 s5, $0x3;
	s3 =	sadd.s32 $0x1, s3;
	[sflag:s6] =	ssyncset.done $0x0  }
0x20: {  	s7 =	sshll.u32 s7, $0x6;
	p0 =	sne.s32 s3, s14;
	[sflag:s6] =	ssyncadd.s32 $0xFFFFEC00  }
.Ltmp1:
0x21: {  	s7 =	sor.u32 $0x1C0B, s7;
	[bflag:$0x0] =	sbarrier.arrive $0xFFFF;
	(pc) =	sbr.rel @!p0 .LBB2_7-.Ltmp1, $4  }
0x22: {  	[hbm:s13], [sflag:s7] =	dma.local [spmem:s8], $0x1400  }
0x23: {  	_ =	swait.ge [sflag:s16], $0x1400  }
0x24: {  	[sflag:s16] =	ssyncset.done $0x0  }
0x25: {  	[sflag:s16] =	ssyncadd.s32 $0xFFFFEC00  }
.LBB2_1:
0x26: {  	s8 =	simm.s32 $0x100;
	s7 =	simm.s32 $0x0  }
.LBB2_2:
0x27: {  	p0 =	sne.s32 s8, $0x7F00;
	[tilespmem:s7+$0xD960] =	vst v0;
	s9 =	smov.u32 s8;
	s8 =	sadd.s32 $0x100, s8  }
.Ltmp2:
0x28: {  	[tilespmem:s7+$0xD950] =	vst v0;
	(pc) =	sbr.rel @p0 .LBB2_2-.Ltmp2, $3  }
0x29: {  	[tilespmem:s7+$0xD930] =	vst v0  }
0x2a: {  	[tilespmem:s7+$0xD940] =	vst v0;
	_ =	sdelay $0x1  }
0x2b: {  	s7 =	sshra.s32 s9, $0x2  }
0x2c: {  	[tilespmem:s7+$0xD960] =	vst v0  }
0x2d: {  	[tilespmem:s7+$0xD950] =	vst v0  }
0x2e: {  	[tilespmem:s7+$0xD930] =	vst v0  }
0x2f: {  	[tilespmem:s7+$0xD940] =	vst v0  }
0x30: {  	[spmem:s5] =	stream.linear.scatter [tilespmem:s15], [sflag:$0xB], $0x2000, $0x38;
	[tilespmem:$0x19930] =	vst v63  }
0x31: {  	_ =	swait.ge [sflag:s16], $0x2000  }
0x32: {  	[sflag:s16] =	ssyncset.done $0x0  }
0x33: {  	s12 =	rddreg [dreg:$0x5];
	[sflag:s16] =	ssyncadd.s32 $0xFFFFE000  }
0x34: {  	[spmem:s12] =	stream.linear.scatter [tilespmem:s15], [sflag:$0xB], $0x2000, $0x38;
	[tilespmem:$0x19930] =	vst v63  }
0x35: {  	_ =	swait.ge [sflag:s16], $0x2000  }
0x36: {  	[sflag:s16] =	ssyncset.done $0x0  }
0x37: {  	s8 =	rddreg [dreg:$0x6];
	[sflag:s16] =	ssyncadd.s32 $0xFFFFE000  }
0x38: {  	[spmem:s8] =	stream.linear.scatter [tilespmem:s15], [sflag:$0xB], $0x2000, $0x38;
	[tilespmem:$0x19930] =	vst v63  }
0x39: {  	_ =	swait.ge [sflag:s16], $0x2000  }
0x3a: {  	[sflag:s16] =	ssyncset.done $0x0  }
0x3b: {  	s9 =	rddreg [dreg:$0x7];
	[sflag:s16] =	ssyncadd.s32 $0xFFFFE000  }
0x3c: {  	[spmem:s9] =	stream.linear.scatter [tilespmem:s15], [sflag:$0xB], $0x2000, $0x38;
	[tilespmem:$0x19930] =	vst v63  }
0x3d: {  	_ =	swait.ge [sflag:s16], $0x2000  }
0x3e: {  	[sflag:s16] =	ssyncset.done $0x0  }
0x3f: {  	s10 =	rddreg [dreg:$0x8];
	[sflag:s16] =	ssyncadd.s32 $0xFFFFE000  }
0x40: {  	[spmem:s10] =	stream.linear.scatter [tilespmem:s15], [sflag:$0xB], $0x2000, $0x38;
	[tilespmem:$0x19930] =	vst v63  }
0x41: {  	_ =	swait.ge [sflag:s16], $0x2000  }
0x42: {  	[sflag:s16] =	ssyncset.done $0x0  }
0x43: {  	s7 =	simm.s32 $0x0;
	s8 =	rddreg [dreg:$0x9];
	[sflag:s16] =	ssyncadd.s32 $0xFFFFE000  }
0x44: {  	[tilespmem:s7], [sflag:$0xB] =	stream.linear.gather [hbm4b:s8+s7], $0x2710, $0x38;
	[tilespmem:$0x19930] =	vst v63  }
0x45: {  	_ =	swait.ge [sflag:s16], $0x2710  }
0x46: {  	[sflag:s16] =	ssyncset.done $0x0  }
0x47: {  	s11 =	rddreg [dreg:$0xa];
	[sflag:s16] =	ssyncadd.s32 $0xFFFFD8F0  }
0x48: {  	[tilespmem:s17], [sflag:$0xB] =	stream.linear.gather [hbm4b:s11+s7], $0x2710, $0x38;
	[tilespmem:$0x19930] =	vst v63  }
0x49: {  	_ =	swait.ge [sflag:s16], $0x2710  }
0x4a: {  	[sflag:s16] =	ssyncset.done $0x0  }
0x4b: {  	s9 =	simm.s32 $0x4E20;
	s12 =	rddreg [dreg:$0xb];
	[sflag:s16] =	ssyncadd.s32 $0xFFFFD8F0  }
0x4c: {  	[tilespmem:s9], [sflag:$0xB] =	stream.linear.gather [hbm4b:s12+s7], $0x2710, $0x38;
	[tilespmem:$0x19930] =	vst v63  }
0x4d: {  	_ =	swait.ge [sflag:s16], $0x2710  }
0x4e: {  	[sflag:s16] =	ssyncset.done $0x0  }
0x4f: {  	[sflag:s16] =	ssyncadd.s32 $0xFFFFD8F0  }
0x50: {  	[bflag:$0x0] =	sbarrier.arrive $0xFFFF  }
0x51: {  	[tilespmem:s20], [sflag:$0x1] =	stream.indirect.gather [hbm4b:s4+s19], $0x40, s7, s19, $0xb8;
	[tilespmem:$0x19930] =	vst v63  }
0x52: {  	_ = 	snop  }
0x53: {  	[tilespmem:s21], [sflag:$0x2] =	stream.indirect.gather [hbm4b:s4+s19], $0x40, s19, s19, $0xb8;
	[tilespmem:$0x19930] =	vst v63  }
0x54: {  	s10 =	simm.s32 $0xA0  }
0x55: {  	[tilespmem:s23], [sflag:$0x3] =	stream.indirect.gather [hbm4b:s4+s19], $0x40, s10, s19, $0xb8;
	[tilespmem:$0x19930] =	vst v63  }
0x56: {  	s11 =	simm.s32 $0xF0  }
0x57: {  	[tilespmem:s25], [sflag:$0x4] =	stream.indirect.gather [hbm4b:s4+s19], $0x40, s11, s19, $0xb8;
	[tilespmem:$0x19930] =	vst v63  }
0x58: {  	_ =	swait.ge [sflag:s26], $0x1400  }
0x59: {  	[sflag:s26] =	ssyncset.done $0x0  }
0x5a: {  	[sflag:s26] =	ssyncadd.s32 $0xFFFFEC00  }
0x5b: {  	[spmem:s2] =	stream.indirect.scatter.add.f32 [tilespmem:s20], [sflag:$0x6], $0x40, s17, s19, $0xb8;
	[tilespmem:$0x19930] =	vst v63  }
0x5c: {  	s12 =	simm.s32 $0x140  }
0x5d: {  	[tilespmem:s29], [sflag:$0x5] =	stream.indirect.gather [hbm4b:s4+s19], $0x40, s12, s19, $0xb8;
	[tilespmem:$0x19930] =	vst v63  }
0x5e: {  	_ =	swait.ge [sflag:s30], $0x1400  }
0x5f: {  	[sflag:s30] =	ssyncset.done $0x0  }
0x60: {  	s9 =	simm.s32 $0x2760;
	[sflag:s30] =	ssyncadd.s32 $0xFFFFEC00  }
0x61: {  	[spmem:s2] =	stream.indirect.scatter.add.f32 [tilespmem:s21], [sflag:$0x7], $0x40, s9, s19, $0xb8;
	[tilespmem:$0x19930] =	vst v63  }
0x62: {  	_ =	swait.ge [sflag:s1], $0x1400  }
0x63: {  	[sflag:s1] =	ssyncset.done $0x0  }
0x64: {  	s10 =	simm.s32 $0x190;
	[sflag:s1] =	ssyncadd.s32 $0xFFFFEC00  }
0x65: {  	[tilespmem:s20], [sflag:$0x1] =	stream.indirect.gather [hbm4b:s4+s19], $0x40, s10, s19, $0xb8;
	[tilespmem:$0x19930] =	vst v63  }
0x66: {  	_ =	swait.ge [sflag:s18], $0x1400  }
0x67: {  	[sflag:s18] =	ssyncset.done $0x0  }
0x68: {  	s11 =	simm.s32 $0x27B0;
	[sflag:s18] =	ssyncadd.s32 $0xFFFFEC00  }
0x69: {  	[spmem:s2] =	stream.indirect.scatter.add.f32 [tilespmem:s23], [sflag:$0x8], $0x40, s11, s19, $0xb8;
	[tilespmem:$0x19930] =	vst v63  }
0x6a: {  	_ =	swait.ge [sflag:s24], $0x1400  }
0x6b: {  	[sflag:s24] =	ssyncset.done $0x0  }
0x6c: {  	s12 =	simm.s32 $0x1E0;
	[sflag:s24] =	ssyncadd.s32 $0xFFFFEC00  }
0x6d: {  	[tilespmem:s21], [sflag:$0x2] =	stream.indirect.gather [hbm4b:s4+s19], $0x40, s12, s19, $0xb8;
	[tilespmem:$0x19930] =	vst v63  }
0x6e: {  	_ =	swait.ge [sflag:s31], $0x1400  }
0x6f: {  	[sflag:s31] =	ssyncset.done $0x0  }
0x70: {  	s9 =	simm.s32 $0x2800;
	[sflag:s31] =	ssyncadd.s32 $0xFFFFEC00  }
0x71: {  	[spmem:s2] =	stream.indirect.scatter.add.f32 [tilespmem:s25], [sflag:$0x9], $0x40, s9, s19, $0xb8;
	[tilespmem:$0x19930] =	vst v63  }
0x72: {  	_ =	swait.ge [sflag:s22], $0x1400  }
0x73: {  	[sflag:s22] =	ssyncset.done $0x0  }
0x74: {  	s10 =	simm.s32 $0x230;
	[sflag:s22] =	ssyncadd.s32 $0xFFFFEC00  }
0x75: {  	[tilespmem:s23], [sflag:$0x3] =	stream.indirect.gather [hbm4b:s4+s19], $0x40, s10, s19, $0xb8;
	[tilespmem:$0x19930] =	vst v63  }
0x76: {  	_ =	swait.ge [sflag:s0], $0x1400  }
0x77: {  	[sflag:s0] =	ssyncset.done $0x0  }
0x78: {  	s11 =	simm.s32 $0x2850;
	[sflag:s0] =	ssyncadd.s32 $0xFFFFEC00  }
0x79: {  	[spmem:s2] =	stream.indirect.scatter.add.f32 [tilespmem:s29], [sflag:$0xA], $0x40, s11, s19, $0xb8;
	[tilespmem:$0x19930] =	vst v63  }
0x7a: {  	_ =	swait.ge [sflag:s28], $0x1400  }
0x7b: {  	[sflag:s28] =	ssyncset.done $0x0  }
0x7c: {  	s12 =	simm.s32 $0x280;
	[sflag:s28] =	ssyncadd.s32 $0xFFFFEC00  }
0x7d: {  	[tilespmem:s25], [sflag:$0x4] =	stream.indirect.gather [hbm4b:s4+s19], $0x40, s12, s19, $0xb8;
	[tilespmem:$0x19930] =	vst v63  }
.LBB2_4:
0x7e: {  	_ =	swait.ge [sflag:s26], $0x1400  }
0x7f: {  	s8 =	sshra.s32 s7, $0x2;
	[sflag:s26] =	ssyncset.done $0x0  }
0x80: {  	s9 =	sadd.s32 $0x28A0, s8;
	[sflag:s26] =	ssyncadd.s32 $0xFFFFEC00  }
0x81: {  	[spmem:s2] =	stream.indirect.scatter.add.f32 [tilespmem:s20], [sflag:$0x6], $0x40, s9, s19, $0xb8;
	[tilespmem:$0x19930] =	vst v63  }
0x82: {  	_ =	swait.ge [sflag:s6], $0x1400  }
0x83: {  	[sflag:s6] =	ssyncset.done $0x0  }
0x84: {  	s10 =	sadd.s32 $0x2D0, s8;
	[sflag:s6] =	ssyncadd.s32 $0xFFFFEC00  }
0x85: {  	[tilespmem:s29], [sflag:$0x5] =	stream.indirect.gather [hbm4b:s4+s19], $0x40, s10, s19, $0xb8;
	[tilespmem:$0x19930] =	vst v63  }
0x86: {  	_ =	swait.ge [sflag:s30], $0x1400  }
0x87: {  	[sflag:s30] =	ssyncset.done $0x0  }
0x88: {  	s11 =	sadd.s32 $0x28F0, s8;
	[sflag:s30] =	ssyncadd.s32 $0xFFFFEC00  }
0x89: {  	[spmem:s2] =	stream.indirect.scatter.add.f32 [tilespmem:s21], [sflag:$0x7], $0x40, s11, s19, $0xb8;
	[tilespmem:$0x19930] =	vst v63  }
0x8a: {  	_ =	swait.ge [sflag:s1], $0x1400  }
0x8b: {  	p0 =	seq.s32 s7, $0x8FC0;
	[sflag:s1] =	ssyncset.done $0x0  }
0x8c: {  	s9 =	simm.s32 @p0 $0x3;
	[sflag:s1] =	ssyncadd.s32 $0xFFFFEC00  }
0x8d: {  	_ =	swait.ge @p0 [sflag:s9], $0x1400  }
0x8e: {  	[sflag:s9] =	ssyncset.done @p0 $0x0  }
0x8f: {  	[sflag:s9] =	ssyncadd.s32 @p0 $0xFFFFEC00;
	s9 =	sshra.s32 @p0 s7, $0x2  }
0x90: {  	s10 =	simm.s32 @p0 $0x50;
	s11 =	simm.s32 @p0 $0x9D30;
	s9 =	sadd.s32 @p0 $0x2940, s9  }
0x91: {  	[spmem:s2] =	stream.indirect.scatter.add.f32 @p0 [tilespmem:s11], [sflag:$0x8], $0x40, s9, s10, $0xb8;
	[tilespmem:$0x19930] =	vst v63  }
0x92: {  	s9 =	simm.s32 @p0 $0x7  }
0x93: {  	_ =	swait.ge @p0 [sflag:s9], $0x1400  }
0x94: {  	[sflag:s9] =	ssyncset.done @p0 $0x0  }
0x95: {  	[sflag:s9] =	ssyncadd.s32 @p0 $0xFFFFEC00;
	s9 =	sshra.s32 @!p0 s7, $0x2  }
0x96: {  	s12 =	simm.s32 @!p0 $0x7530;
	s11 =	simm.s32 @!p0 $0x50;
	s10 =	sadd.s32 @!p0 $0x320, s9  }
0x97: {  	[tilespmem:s12], [sflag:$0x1] =	stream.indirect.gather @!p0 [hbm4b:s4+s11], $0x40, s10, s11, $0xb8;
	[tilespmem:$0x19930] =	vst v63  }
0x98: {  	s10 =	simm.s32 @!p0 $0x3  }
0x99: {  	_ =	swait.ge @!p0 [sflag:s10], $0x1400  }
0x9a: {  	[sflag:s10] =	ssyncset.done @!p0 $0x0  }
0x9b: {  	s12 =	simm.s32 @!p0 $0x9D30;
	[sflag:s10] =	ssyncadd.s32 @!p0 $0xFFFFEC00;
	s10 =	sadd.s32 @!p0 $0x2940, s9  }
0x9c: {  	[spmem:s2] =	stream.indirect.scatter.add.f32 @!p0 [tilespmem:s12], [sflag:$0x8], $0x40, s10, s11, $0xb8;
	[tilespmem:$0x19930] =	vst v63  }
0x9d: {  	s10 =	simm.s32 @!p0 $0x7  }
0x9e: {  	_ =	swait.ge @!p0 [sflag:s10], $0x1400  }
0x9f: {  	[sflag:s10] =	ssyncset.done @!p0 $0x0  }
0xa0: {  	s9 =	sadd.s32 @!p0 $0x370, s9;
	[sflag:s10] =	ssyncadd.s32 @!p0 $0xFFFFEC00;
	s10 =	simm.s32 @!p0 $0x8930  }
0xa1: {  	[tilespmem:s10], [sflag:$0x2] =	stream.indirect.gather @!p0 [hbm4b:s4+s11], $0x40, s9, s11, $0xb8;
	[tilespmem:$0x19930] =	vst v63  }
0xa2: {  	_ =	swait.ge [sflag:s31], $0x1400  }
0xa3: {  	[sflag:s31] =	ssyncset.done $0x0  }
.Ltmp3:
0xa4: {  	s12 =	sadd.s32 $0x2990, s8;
	[sflag:s31] =	ssyncadd.s32 $0xFFFFEC00;
	(pc) =	sbr.rel @p0 .LBB2_6-.Ltmp3, $4  }
0xa5: {  	[spmem:s2] =	stream.indirect.scatter.add.f32 [tilespmem:s25], [sflag:$0x9], $0x40, s12, s19, $0xb8;
	[tilespmem:$0x19930] =	vst v63  }
0xa6: {  	_ =	swait.ge [sflag:s22], $0x1400  }
0xa7: {  	[sflag:s22] =	ssyncset.done $0x0  }
0xa8: {  	s9 =	sadd.s32 $0x29E0, s8;
	[sflag:s22] =	ssyncadd.s32 $0xFFFFEC00  }
0xa9: {  	s10 =	sadd.s32 $0x3C0, s8  }
0xaa: {  	[tilespmem:s23], [sflag:$0x3] =	stream.indirect.gather [hbm4b:s4+s19], $0x40, s10, s19, $0xb8;
	[tilespmem:$0x19930] =	vst v63  }
0xab: {  	_ =	swait.ge [sflag:s0], $0x1400  }
0xac: {  	[sflag:s0] =	ssyncset.done $0x0  }
0xad: {  	[sflag:s0] =	ssyncadd.s32 $0xFFFFEC00  }
0xae: {  	[spmem:s2] =	stream.indirect.scatter.add.f32 [tilespmem:s29], [sflag:$0xA], $0x40, s9, s19, $0xb8;
	[tilespmem:$0x19930] =	vst v63  }
.Ltmp4:
0xaf: {  	_ = 	snop;
	(pc) =	sbr.rel .LBB2_4-.Ltmp4, $4  }
0xb0: {  	_ =	swait.ge [sflag:s28], $0x1400  }
0xb1: {  	[sflag:s28] =	ssyncset.done $0x0  }
0xb2: {  	s12 =	sadd.s32 $0x410, s8;
	s7 =	sadd.s32 $0x640, s7;
	[sflag:s28] =	ssyncadd.s32 $0xFFFFEC00  }
0xb3: {  	[tilespmem:s25], [sflag:$0x4] =	stream.indirect.gather [hbm4b:s4+s19], $0x40, s12, s19, $0xb8;
	[tilespmem:$0x19930] =	vst v63  }
.LBB2_7:
0xb4: {  	_ =	sfence.sel $0x180000  }
0xb5: {  	[bflag:$0x0] =	sbarrier.arrive $0xFFFF  }
0xb6: {  	_ =	strace $0x90000047  }
0xb7: {  	s0 =	stileid.u32;
	[bflag:$0x2] =	sbarrier.arrive $0xFFFF  }
0xb8: {  	p0 =	sne.s32 s0, $0x0;
	s0 =	rddreg [dreg:$0x4]  }
0xb9: {  	s0 =	sadd.s32 @!p0 $0x100000, s0  }
0xba: {  	[sflag:s0] =	ssyncadd.tile.s32 @!p0 $0x1;
	_ =	shalt  }
.Lfunc_end2:
_tile_overlayer_lowered:
.L_overlay_start_2:
0xbb: {  	(tag) =	ssettag $0x2  }
0xbc: {  	s0 =	rddreg [dreg:$0x0];
	s2 =	stileid.u32  }
0xbd: {  	s1 =	rddreg [dreg:$0x1];
	p0 =	sne.s32 s2, $0x0  }
0xbe: {  	s3 =	rddreg [dreg:$0x2];
	[bflag:$0x3] =	sbarrier.arrive $0xFFFF;
	s2 =	simm.s32 @!p0 $0x1C0B  }
0xbf: {  	[timem:s3], [sflag:s2] =	dma.local @!p0 [hbm:s0], s1  }
0xc0: {  	s0 =	simm.s32 @!p0 $0xB  }
0xc1: {  	_ =	swait.ge @!p0 [sflag:s0], s1  }
0xc2: {  	s1 =	ssub.s32 @!p0 $0x0, s1;
	[sflag:s0] =	ssyncset.done @!p0 $0x0  }
0xc3: {  	[sflag:s0] =	ssyncadd.s32 @!p0 s1  }
0xc4: {  	[bflag:$0x3] =	sbarrier.arrive $0xFFFF  }
0xc5: {  	_ =	shalt  }

</sc_bundles>
